<compile_context>
chip_gen: v7x
topology: tpu7x:2x2x1
jax: 0.10.2.dev20260603
libtpu: 0.0.44.dev20260713+nightly
codegen_flags: <defaults>
</compile_context>

<pallas_src>
import jax
import jax.numpy as jnp
from jax import lax
from jax.experimental import pallas as pl
from jax.experimental.pallas import tpu as pltpu
from jax.experimental.pallas import tpu_sc as plsc

D_MODEL = 1024
D_HIDDEN = 4096
N_EXPERTS = 8
TOP_K = 2
AUX_COEF = 0.01
N_TOK = 2 * 2048
CAP = int(1.25 * N_TOK / N_EXPERTS)
DUMP = N_EXPERTS * CAP
NROWS = DUMP + 8

NC, NS = 2, 16
NW = NC * NS
TOK_PER_W = N_TOK // NW
CHUNK = 32
HBLK = 512


def _gate_body(x_ref, gw_ref, gb_ref, gated_ref, e0_ref, e1_ref):
    xb = x_ref[...]
    logits = lax.dot_general(xb, gw_ref[...], (((1,), (1,)), ((), ())),
                             preferred_element_type=jnp.float32) + gb_ref[...]
    v0 = jnp.max(logits, axis=1, keepdims=True)
    p = jnp.exp(logits - v0)
    p = p / jnp.sum(p, axis=1, keepdims=True)
    iot = lax.broadcasted_iota(jnp.int32, logits.shape, 1)
    e0 = jnp.min(jnp.where(logits == v0, iot, 127), axis=1, keepdims=True)
    neg = jnp.where(iot == e0, -jnp.inf, logits)
    v1 = jnp.max(neg, axis=1, keepdims=True)
    e1 = jnp.min(jnp.where((logits == v1) & (iot != e0), iot, 127),
                 axis=1, keepdims=True)
    maskb = (iot == e0) | (iot == e1)
    gated_ref[...] = jnp.where(maskb, p, 0.0)
    e0_ref[...] = e0
    e1_ref[...] = e1


def _gating(flat, gate_W, gate_b):
    tb = 2048
    grid = (N_TOK // tb,)
    return pl.pallas_call(
        _gate_body,
        grid=grid,
        in_specs=[
            pl.BlockSpec((tb, D_MODEL), lambda i: (i, 0)),
            pl.BlockSpec((N_EXPERTS, D_MODEL), lambda i: (0, 0)),
            pl.BlockSpec((1, N_EXPERTS), lambda i: (0, 0)),
        ],
        out_specs=[
            pl.BlockSpec((tb, N_EXPERTS), lambda i: (i, 0)),
            pl.BlockSpec((tb, 1), lambda i: (i, 0)),
            pl.BlockSpec((tb, 1), lambda i: (i, 0)),
        ],
        out_shape=[
            jax.ShapeDtypeStruct((N_TOK, N_EXPERTS), jnp.float32),
            jax.ShapeDtypeStruct((N_TOK, 1), jnp.int32),
            jax.ShapeDtypeStruct((N_TOK, 1), jnp.int32),
        ],
    )(flat, gate_W, gate_b.reshape(1, N_EXPERTS))


def _route_body(gated_ref, e0_ref, e1_ref,
                d0_ref, d1_ref, g0_ref, g1_ref, c0_ref, c1_ref, aux_ref):
    g = gated_ref[...]
    gbits = lax.bitcast_convert_type(g, jnp.int32)

    def bis(_, carry):
        lo, hi = carry
        mid = lo + (hi - lo) // 2
        cnt = jnp.sum((gbits >= mid).astype(jnp.int32), axis=0, keepdims=True)
        pred = cnt >= CAP
        return jnp.where(pred, mid, lo), jnp.where(pred, hi, mid)

    lo0 = jnp.zeros((1, N_EXPERTS), jnp.int32)
    hi0 = jnp.full((1, N_EXPERTS), 0x7F800000, jnp.int32)
    thresh_bits, _ = lax.fori_loop(0, 31, bis, (lo0, hi0))

    keep = gbits >= thresh_bits
    gc = jnp.where(keep, g, 0.0)
    denom = jnp.sum(gc, axis=1, keepdims=True) + 1e-9
    gn = gc / denom
    routed = gc > 0.0
    km = routed.astype(jnp.int32)

    s = km
    sh = 1
    while sh < N_TOK:
        z = jnp.zeros((sh, N_EXPERTS), jnp.int32)
        s = s + jnp.concatenate([z, s[: N_TOK - sh]], axis=0)
        sh *= 2
    pos = s - km

    iot = lax.broadcasted_iota(jnp.int32, (N_TOK, N_EXPERTS), 1)

    def pick(e_col):
        oh = iot == e_col
        p_ = jnp.sum(jnp.where(oh, pos, 0), axis=1, keepdims=True)
        kept = jnp.sum(jnp.where(oh & routed, 1, 0), axis=1, keepdims=True) > 0
        c = jnp.sum(jnp.where(oh, gn, 0.0), axis=1, keepdims=True)
        slot = e_col * CAP + p_
        d = jnp.where(kept, slot, DUMP)
        g_ = jnp.where(kept, slot, 0)
        return d, g_, c

    d0, g0, c0 = pick(e0_ref[...])
    d1, g1, c1 = pick(e1_ref[...])
    d0_ref[...] = d0
    d1_ref[...] = d1
    g0_ref[...] = g0
    g1_ref[...] = g1
    c0_ref[...] = c0
    c1_ref[...] = c1

    imp = jnp.sum(gn, axis=0) / N_TOK
    loadv = jnp.sum(routed.astype(jnp.float32), axis=0) / N_TOK
    auxval = 0.5 * AUX_COEF * N_EXPERTS * (
        jnp.sum(imp * imp) + jnp.sum(loadv * loadv))
    aux_ref[...] = jnp.reshape(auxval, (1, 1))


def _routing(gated, e0, e1):
    return pl.pallas_call(
        _route_body,
        out_shape=[
            jax.ShapeDtypeStruct((N_TOK, 1), jnp.int32),
            jax.ShapeDtypeStruct((N_TOK, 1), jnp.int32),
            jax.ShapeDtypeStruct((N_TOK, 1), jnp.int32),
            jax.ShapeDtypeStruct((N_TOK, 1), jnp.int32),
            jax.ShapeDtypeStruct((N_TOK, 1), jnp.float32),
            jax.ShapeDtypeStruct((N_TOK, 1), jnp.float32),
            jax.ShapeDtypeStruct((1, 1), jnp.float32),
        ],
    )(gated, e0, e1)


NCHUNK = TOK_PER_W // CHUNK
NBUF = 3


def _disp_body(x_hbm, d0_hbm, d1_hbm, xd_hbm, idx0_v, idx1_v, rows_v,
               isem, lsem, ssem):
    wid = lax.axis_index("s") * NC + lax.axis_index("c")
    base = wid * TOK_PER_W
    idescs = []
    for ci in range(NCHUNK):
        idescs.append(pltpu.async_copy(
            d0_hbm.at[pl.ds(base + ci * CHUNK, CHUNK)], idx0_v.at[ci], isem))
        idescs.append(pltpu.async_copy(
            d1_hbm.at[pl.ds(base + ci * CHUNK, CHUNK)], idx1_v.at[ci], isem))
    for d in idescs:
        d.wait()

    loads = [None] * NCHUNK
    scats = [None] * NCHUNK

    def start_load(ci):
        loads[ci] = pltpu.async_copy(
            x_hbm.at[pl.ds(base + ci * CHUNK, CHUNK)], rows_v.at[ci % NBUF],
            lsem)

    for ci in range(min(NBUF, NCHUNK)):
        start_load(ci)
    for ci in range(NCHUNK):
        loads[ci].wait()
        scats[ci] = (
            pltpu.async_copy(rows_v.at[ci % NBUF], xd_hbm.at[idx0_v.at[ci]],
                             ssem),
            pltpu.async_copy(rows_v.at[ci % NBUF], xd_hbm.at[idx1_v.at[ci]],
                             ssem),
        )
        j = ci + NBUF
        if j < NCHUNK:
            for d in scats[j - NBUF]:
                d.wait()
            scats[j - NBUF] = None
            start_load(j)
    for pair in scats:
        if pair is not None:
            for d in pair:
                d.wait()


def _dispatch(flat, d0, d1):
    mesh = plsc.VectorSubcoreMesh(core_axis_name="c", subcore_axis_name="s",
                                  num_cores=NC, num_subcores=NS)
    return pl.kernel(
        _disp_body,
        out_type=jax.ShapeDtypeStruct((NROWS, D_MODEL), jnp.float32),
        mesh=mesh,
        scratch_types=[
            pltpu.VMEM((NCHUNK, CHUNK), jnp.int32),
            pltpu.VMEM((NCHUNK, CHUNK), jnp.int32),
            pltpu.VMEM((NBUF, CHUNK, D_MODEL), jnp.float32),
            pltpu.SemaphoreType.DMA,
            pltpu.SemaphoreType.DMA,
            pltpu.SemaphoreType.DMA,
        ],
    )(flat, d0, d1)


NHB = D_HIDDEN // HBLK


def _ffn_body(xd_ref, w1_ref, b1_ref, w2_ref, b2_ref, y_ref, acc_ref):
    h = pl.program_id(1)
    xb = xd_ref[0]
    hpre = lax.dot_general(xb.astype(jnp.bfloat16), w1_ref[0].astype(jnp.bfloat16),
                           (((1,), (0,)), ((), ())),
                           preferred_element_type=jnp.float32) + b1_ref[0]
    hact = 0.5 * hpre * (1.0 + lax.erf(hpre * 0.7071067811865476))
    yblk = lax.dot_general(hact.astype(jnp.bfloat16),
                           w2_ref[0].astype(jnp.bfloat16),
                           (((1,), (0,)), ((), ())),
                           preferred_element_type=jnp.float32)

    @pl.when(h == 0)
    def _():
        acc_ref[...] = yblk + b2_ref[0]

    @pl.when(h > 0)
    def _():
        acc_ref[...] = acc_ref[...] + yblk

    @pl.when(h == NHB - 1)
    def _():
        y_ref[0] = acc_ref[...]


def _ffn(xd3, W1, b1, W2, b2):
    grid = (N_EXPERTS, NHB)
    return pl.pallas_call(
        _ffn_body,
        grid=grid,
        scratch_shapes=[pltpu.VMEM((CAP, D_MODEL), jnp.float32)],
        in_specs=[
            pl.BlockSpec((1, CAP, D_MODEL), lambda e, h: (e, 0, 0)),
            pl.BlockSpec((1, D_MODEL, HBLK), lambda e, h: (e, 0, h)),
            pl.BlockSpec((1, 1, HBLK), lambda e, h: (e, 0, h)),
            pl.BlockSpec((1, HBLK, D_MODEL), lambda e, h: (e, h, 0)),
            pl.BlockSpec((1, 1, D_MODEL), lambda e, h: (e, 0, 0)),
        ],
        out_specs=pl.BlockSpec((1, CAP, D_MODEL), lambda e, h: (e, 0, 0)),
        out_shape=jax.ShapeDtypeStruct((N_EXPERTS, CAP, D_MODEL), jnp.float32),
        compiler_params=pltpu.CompilerParams(
            dimension_semantics=("parallel", "arbitrary")),
    )(xd3, W1, b1.reshape(N_EXPERTS, 1, D_HIDDEN), W2,
      b2.reshape(N_EXPERTS, 1, D_MODEL))


def _comb_body(y_hbm, d0_hbm, d1_hbm, y0_hbm, y1_hbm, gidx_v, rows_v,
               isem, gsem, wsem):
    wid = lax.axis_index("s") * NC + lax.axis_index("c")
    base = wid * TOK_PER_W
    ntask = 2 * NCHUNK
    idescs = []
    for ci in range(NCHUNK):
        idescs.append(pltpu.async_copy(
            d0_hbm.at[pl.ds(base + ci * CHUNK, CHUNK)], gidx_v.at[2 * ci],
            isem))
        idescs.append(pltpu.async_copy(
            d1_hbm.at[pl.ds(base + ci * CHUNK, CHUNK)], gidx_v.at[2 * ci + 1],
            isem))
    for d in idescs:
        d.wait()

    gath = [None] * ntask
    stor = [None] * ntask
    outs = [y0_hbm, y1_hbm]

    def start_gather(t):
        gath[t] = pltpu.async_copy(y_hbm.at[gidx_v.at[t]],
                                   rows_v.at[t % NBUF], gsem)

    for t in range(min(NBUF, ntask)):
        start_gather(t)
    for t in range(ntask):
        gath[t].wait()
        ci, k = t // 2, t % 2
        stor[t] = pltpu.async_copy(
            rows_v.at[t % NBUF],
            outs[k].at[pl.ds(base + ci * CHUNK, CHUNK)], wsem)
        j = t + NBUF
        if j < ntask:
            stor[j - NBUF].wait()
            stor[j - NBUF] = None
            start_gather(j)
    for d in stor:
        if d is not None:
            d.wait()


def _combine_gather(yrows, d0, d1):
    mesh = plsc.VectorSubcoreMesh(core_axis_name="c", subcore_axis_name="s",
                                  num_cores=NC, num_subcores=NS)
    return pl.kernel(
        _comb_body,
        out_type=[
            jax.ShapeDtypeStruct((N_TOK, D_MODEL), jnp.float32),
            jax.ShapeDtypeStruct((N_TOK, D_MODEL), jnp.float32),
        ],
        mesh=mesh,
        scratch_types=[
            pltpu.VMEM((2 * NCHUNK, CHUNK), jnp.int32),
            pltpu.VMEM((NBUF, CHUNK, D_MODEL), jnp.float32),
            pltpu.SemaphoreType.DMA,
            pltpu.SemaphoreType.DMA,
            pltpu.SemaphoreType.DMA,
        ],
    )(yrows, d0, d1)


def _wsum_body(y0_ref, y1_ref, c0_ref, c1_ref, o_ref):
    c0 = c0_ref[...]
    c1 = c1_ref[...]
    t0 = jnp.where(c0 > 0.0, c0 * y0_ref[...], 0.0)
    t1 = jnp.where(c1 > 0.0, c1 * y1_ref[...], 0.0)
    o_ref[...] = t0 + t1


def _weighted_sum(y0, y1, c0, c1):
    tb = 1024
    return pl.pallas_call(
        _wsum_body,
        grid=(N_TOK // tb,),
        in_specs=[
            pl.BlockSpec((tb, D_MODEL), lambda i: (i, 0)),
            pl.BlockSpec((tb, D_MODEL), lambda i: (i, 0)),
            pl.BlockSpec((tb, 1), lambda i: (i, 0)),
            pl.BlockSpec((tb, 1), lambda i: (i, 0)),
        ],
        out_specs=pl.BlockSpec((tb, D_MODEL), lambda i: (i, 0)),
        out_shape=jax.ShapeDtypeStruct((N_TOK, D_MODEL), jnp.float32),
    )(y0, y1, c0, c1)


def kernel(x, noise_init, noise_final, anneal_steps, gate_W, gate_b,
           W1, b1, W2, b2):
    del noise_init, noise_final, anneal_steps
    Bb, Ll, D = x.shape
    flat = x.reshape(N_TOK, D)

    gated, e0, e1 = _gating(flat, gate_W, gate_b)
    d0, d1, g0, g1, c0, c1, aux = _routing(gated, e0, e1)

    xd = _dispatch(flat, d0.reshape(N_TOK), d1.reshape(N_TOK))
    xd3 = xd[:DUMP].reshape(N_EXPERTS, CAP, D_MODEL)
    y3 = _ffn(xd3, W1, b1, W2, b2)
    yrows = y3.reshape(DUMP, D_MODEL)
    y0, y1 = _combine_gather(yrows, g0.reshape(N_TOK), g1.reshape(N_TOK))
    out = _weighted_sum(y0, y1, c0, c1).reshape(Bb, Ll, D)
    return out, aux[0, 0]

# --- scband reference (transcript-rebuilt; emitter-appended) ---
"""Pipeline reference for scband-mo-e-89919435309460 (READ-ONLY COPY).

The authoritative reference and input builder live on the scoring server;
editing this copy changes nothing except your own understanding.
"""

import jax, jax.numpy as jnp
import numpy as np

D_MODEL = 1024
D_HIDDEN = 4096
N_EXPERTS = 8
TOP_K = 2
AUX_COEF = 0.01
CAPACITY_FACTOR = 1.25
B, L = 2, 2048


def setup_inputs(seed: int = 0):
    key = jax.random.key(seed)
    ks = jax.random.split(key, 6)
    x = jax.random.normal(ks[0], (B, L, D_MODEL), dtype=jnp.float32)
    gate_W = jax.random.normal(ks[1], (N_EXPERTS, D_MODEL), dtype=jnp.float32) * 0.02
    gate_b = jnp.zeros((N_EXPERTS,), dtype=jnp.float32)
    W1 = jax.random.normal(ks[2], (N_EXPERTS, D_MODEL, D_HIDDEN), dtype=jnp.float32) * 0.02
    b1 = jnp.zeros((N_EXPERTS, D_HIDDEN), dtype=jnp.float32)
    W2 = jax.random.normal(ks[3], (N_EXPERTS, D_HIDDEN, D_MODEL), dtype=jnp.float32) * 0.02
    b2 = jnp.zeros((N_EXPERTS, D_MODEL), dtype=jnp.float32)
    return {"x": x, "noise_init": 0, "noise_final": 0, "anneal_steps": 1000,
            "gate_W": gate_W, "gate_b": gate_b, "W1": W1, "b1": b1, "W2": W2, "b2": b2}


def _moe_forward(x, gate_W, gate_b, W1, b1, W2, b2, noise_init, noise_final, anneal_steps):
    Bb, Ll, D = x.shape
    N = Bb * Ll
    flat = x.reshape(N, D)
    cur_step = 0  # step buffer starts at 0 in a fresh module
    frac = jnp.minimum(cur_step / anneal_steps, 1.0)
    noise_scale = noise_init * (1 - frac) + noise_final * frac
    logits = flat @ gate_W.T + gate_b
    # noise_scale == 0 for these inputs (noise_init = noise_final = 0) -> deterministic, no noise branch
    prob = jax.nn.softmax(logits, axis=-1)
    topk_vals, topk_idx = jax.lax.top_k(logits, TOP_K)
    mask = jnp.zeros_like(prob).at[jnp.arange(N)[:, None], topk_idx].set(1.0)
    gated = prob * mask
    cap = int(CAPACITY_FACTOR * N / N_EXPERTS)
    scores_t = gated.T
    if cap < N:
        top_caps, _ = jax.lax.top_k(scores_t, cap)
        thresh = top_caps[:, -1]
        keep = scores_t >= thresh[:, None]
        gated = gated * keep.T.astype(gated.dtype)
    gated = gated / (gated.sum(axis=1, keepdims=True) + 1e-9)
    out_flat = jnp.zeros_like(flat)
    for e in range(N_EXPERTS):
        # dense dispatch: tokens with gated[:, e] == 0 contribute exactly 0,
        # identical math to the torch gather/scatter expert loop
        h = jax.nn.gelu(flat @ W1[e] + b1[e], approximate=False)
        y = h @ W2[e] + b2[e]
        out_flat = out_flat + gated[:, e:e + 1] * y
    out = out_flat.reshape(Bb, Ll, D)
    imp = gated.sum(axis=0) / N
    load = (gated > 0).astype(jnp.float32).sum(axis=0) / N
    aux = 0.5 * AUX_COEF * N_EXPERTS * ((imp ** 2).sum() + (load ** 2).sum())
    return out, aux


def reference(x, noise_init, noise_final, anneal_steps, gate_W, gate_b, W1, b1, W2, b2):
    return _moe_forward(x, gate_W, gate_b, W1, b1, W2, b2, noise_init, noise_final, anneal_steps)

if __name__ == "__main__":
    import jax
    _d = setup_inputs()
    print(jax.jit(kernel)(*tuple(_d.values())))

</pallas_src>

<mosaic_0001>
#map = affine_map<(d0, d1) -> (0, 0)>
#map1 = affine_map<(d0, d1) -> (0)>
module attributes {stable_mosaic.version = 14 : i64} {
  func.func @_disp_body(%arg0: i32, %arg1: i32, %arg2: memref<4096x1024xf32, #tpu.memory_space<hbm>>, %arg3: memref<4096xi32, #tpu.memory_space<hbm>>, %arg4: memref<4096xi32, #tpu.memory_space<hbm>>, %arg5: memref<5128x1024xf32, #tpu.memory_space<hbm>>, %arg6: memref<4x32xi32, #tpu.memory_space<vmem>>, %arg7: memref<4x32xi32, #tpu.memory_space<vmem>>, %arg8: memref<3x32x1024xf32, #tpu.memory_space<vmem>>, %arg9: memref<!tpu.dma_semaphore, #tpu.memory_space<semaphore_mem>>, %arg10: memref<!tpu.dma_semaphore, #tpu.memory_space<semaphore_mem>>, %arg11: memref<!tpu.dma_semaphore, #tpu.memory_space<semaphore_mem>>) attributes {dimension_semantics = [#tpu.dimension_semantics<core_parallel>, #tpu.dimension_semantics<subcore_parallel>], iteration_bounds = array<i64: 2, 16>, scalar_prefetch = 0 : i64, scratch_operands = 6 : i64, tpu.core_type = #tpu.core_type<sc_vector_subcore>, window_params = [{transform_indices = #map}, {transform_indices = #map1}, {transform_indices = #map1}, {transform_indices = #map}]} {
    %mul3A = arith.constant 2 : i32
    %mul3A_0 = arith.muli %arg1, %mul3A : i32
    %add3A = arith.addi %mul3A_0, %arg0 : i32
    %mul3A_1 = arith.constant 128 : i32
    %mul3A_2 = arith.muli %add3A, %mul3A_1 : i32
    %add3A_3 = arith.constant 0 : i32
    %add3A_4 = arith.addi %mul3A_2, %add3A_3 : i32
    %dma_start3A = arith.constant 0 : i32
    %dma_start3A_5 = arith.constant 0 : i32
    %dma_start3A_6 = tpu.memref_slice %arg6[%dma_start3A, %dma_start3A_5] : memref<4x32xi32, #tpu.memory_space<vmem>> -> memref<1x32xi32, #tpu.memory_space<vmem>>
    %dma_start3A_7 = tpu.memref_squeeze %dma_start3A_6 : memref<1x32xi32, #tpu.memory_space<vmem>> -> memref<32xi32, #tpu.memory_space<vmem>>
    %dma_start3A_8 = tpu.memref_slice %arg3[%add3A_4] : memref<4096xi32, #tpu.memory_space<hbm>> -> memref<32xi32, #tpu.memory_space<hbm>>
    %dma_start3A_9 = arith.constant 0 : i32
    %dma_start3A_10 = tpu.memref_slice %arg6[%dma_start3A, %dma_start3A_9] : memref<4x32xi32, #tpu.memory_space<vmem>> -> memref<1x32xi32, #tpu.memory_space<vmem>>
    %dma_start3A_11 = tpu.memref_squeeze %dma_start3A_10 : memref<1x32xi32, #tpu.memory_space<vmem>> -> memref<32xi32, #tpu.memory_space<vmem>>
    %dma_start3A_12 = tpu.memref_slice %arg3[%add3A_4] : memref<4096xi32, #tpu.memory_space<hbm>> -> memref<32xi32, #tpu.memory_space<hbm>>
    tpu.enqueue_dma source(%dma_start3A_12 : memref<32xi32, #tpu.memory_space<hbm>>) target(%dma_start3A_11 : memref<32xi32, #tpu.memory_space<vmem>>) target_semaphore(%arg9 : memref<!tpu.dma_semaphore, #tpu.memory_space<semaphore_mem>>)
    %add3A_13 = arith.constant 0 : i32
    %add3A_14 = arith.addi %mul3A_2, %add3A_13 : i32
    %dma_start3A_15 = arith.constant 0 : i32
    %dma_start3A_16 = arith.constant 0 : i32
    %dma_start3A_17 = tpu.memref_slice %arg7[%dma_start3A_15, %dma_start3A_16] : memref<4x32xi32, #tpu.memory_space<vmem>> -> memref<1x32xi32, #tpu.memory_space<vmem>>
    %dma_start3A_18 = tpu.memref_squeeze %dma_start3A_17 : memref<1x32xi32, #tpu.memory_space<vmem>> -> memref<32xi32, #tpu.memory_space<vmem>>
    %dma_start3A_19 = tpu.memref_slice %arg4[%add3A_14] : memref<4096xi32, #tpu.memory_space<hbm>> -> memref<32xi32, #tpu.memory_space<hbm>>
    %dma_start3A_20 = arith.constant 0 : i32
    %dma_start3A_21 = tpu.memref_slice %arg7[%dma_start3A_15, %dma_start3A_20] : memref<4x32xi32, #tpu.memory_space<vmem>> -> memref<1x32xi32, #tpu.memory_space<vmem>>
    %dma_start3A_22 = tpu.memref_squeeze %dma_start3A_21 : memref<1x32xi32, #tpu.memory_space<vmem>> -> memref<32xi32, #tpu.memory_space<vmem>>
    %dma_start3A_23 = tpu.memref_slice %arg4[%add3A_14] : memref<4096xi32, #tpu.memory_space<hbm>> -> memref<32xi32, #tpu.memory_space<hbm>>
    tpu.enqueue_dma source(%dma_start3A_23 : memref<32xi32, #tpu.memory_space<hbm>>) target(%dma_start3A_22 : memref<32xi32, #tpu.memory_space<vmem>>) target_semaphore(%arg9 : memref<!tpu.dma_semaphore, #tpu.memory_space<semaphore_mem>>)
    %add3A_24 = arith.constant 32 : i32
    %add3A_25 = arith.addi %mul3A_2, %add3A_24 : i32
    %dma_start3A_26 = arith.constant 1 : i32
    %dma_start3A_27 = arith.constant 0 : i32
    %dma_start3A_28 = tpu.memref_slice %arg6[%dma_start3A_26, %dma_start3A_27] : memref<4x32xi32, #tpu.memory_space<vmem>> -> memref<1x32xi32, #tpu.memory_space<vmem>>
    %dma_start3A_29 = tpu.memref_squeeze %dma_start3A_28 : memref<1x32xi32, #tpu.memory_space<vmem>> -> memref<32xi32, #tpu.memory_space<vmem>>
    %dma_start3A_30 = tpu.memref_slice %arg3[%add3A_25] : memref<4096xi32, #tpu.memory_space<hbm>> -> memref<32xi32, #tpu.memory_space<hbm>>
    %dma_start3A_31 = arith.constant 0 : i32
    %dma_start3A_32 = tpu.memref_slice %arg6[%dma_start3A_26, %dma_start3A_31] : memref<4x32xi32, #tpu.memory_space<vmem>> -> memref<1x32xi32, #tpu.memory_space<vmem>>
    %dma_start3A_33 = tpu.memref_squeeze %dma_start3A_32 : memref<1x32xi32, #tpu.memory_space<vmem>> -> memref<32xi32, #tpu.memory_space<vmem>>
    %dma_start3A_34 = tpu.memref_slice %arg3[%add3A_25] : memref<4096xi32, #tpu.memory_space<hbm>> -> memref<32xi32, #tpu.memory_space<hbm>>
    tpu.enqueue_dma source(%dma_start3A_34 : memref<32xi32, #tpu.memory_space<hbm>>) target(%dma_start3A_33 : memref<32xi32, #tpu.memory_space<vmem>>) target_semaphore(%arg9 : memref<!tpu.dma_semaphore, #tpu.memory_space<semaphore_mem>>)
    %add3A_35 = arith.constant 32 : i32
    %add3A_36 = arith.addi %mul3A_2, %add3A_35 : i32
    %dma_start3A_37 = arith.constant 1 : i32
    %dma_start3A_38 = arith.constant 0 : i32
    %dma_start3A_39 = tpu.memref_slice %arg7[%dma_start3A_37, %dma_start3A_38] : memref<4x32xi32, #tpu.memory_space<vmem>> -> memref<1x32xi32, #tpu.memory_space<vmem>>
    %dma_start3A_40 = tpu.memref_squeeze %dma_start3A_39 : memref<1x32xi32, #tpu.memory_space<vmem>> -> memref<32xi32, #tpu.memory_space<vmem>>
    %dma_start3A_41 = tpu.memref_slice %arg4[%add3A_36] : memref<4096xi32, #tpu.memory_space<hbm>> -> memref<32xi32, #tpu.memory_space<hbm>>
    %dma_start3A_42 = arith.constant 0 : i32
    %dma_start3A_43 = tpu.memref_slice %arg7[%dma_start3A_37, %dma_start3A_42] : memref<4x32xi32, #tpu.memory_space<vmem>> -> memref<1x32xi32, #tpu.memory_space<vmem>>
    %dma_start3A_44 = tpu.memref_squeeze %dma_start3A_43 : memref<1x32xi32, #tpu.memory_space<vmem>> -> memref<32xi32, #tpu.memory_space<vmem>>
    %dma_start3A_45 = tpu.memref_slice %arg4[%add3A_36] : memref<4096xi32, #tpu.memory_space<hbm>> -> memref<32xi32, #tpu.memory_space<hbm>>
    tpu.enqueue_dma source(%dma_start3A_45 : memref<32xi32, #tpu.memory_space<hbm>>) target(%dma_start3A_44 : memref<32xi32, #tpu.memory_space<vmem>>) target_semaphore(%arg9 : memref<!tpu.dma_semaphore, #tpu.memory_space<semaphore_mem>>)
    %add3A_46 = arith.constant 64 : i32
    %add3A_47 = arith.addi %mul3A_2, %add3A_46 : i32
    %dma_start3A_48 = arith.constant 2 : i32
    %dma_start3A_49 = arith.constant 0 : i32
    %dma_start3A_50 = tpu.memref_slice %arg6[%dma_start3A_48, %dma_start3A_49] : memref<4x32xi32, #tpu.memory_space<vmem>> -> memref<1x32xi32, #tpu.memory_space<vmem>>
    %dma_start3A_51 = tpu.memref_squeeze %dma_start3A_50 : memref<1x32xi32, #tpu.memory_space<vmem>> -> memref<32xi32, #tpu.memory_space<vmem>>
    %dma_start3A_52 = tpu.memref_slice %arg3[%add3A_47] : memref<4096xi32, #tpu.memory_space<hbm>> -> memref<32xi32, #tpu.memory_space<hbm>>
    %dma_start3A_53 = arith.constant 0 : i32
    %dma_start3A_54 = tpu.memref_slice %arg6[%dma_start3A_48, %dma_start3A_53] : memref<4x32xi32, #tpu.memory_space<vmem>> -> memref<1x32xi32, #tpu.memory_space<vmem>>
    %dma_start3A_55 = tpu.memref_squeeze %dma_start3A_54 : memref<1x32xi32, #tpu.memory_space<vmem>> -> memref<32xi32, #tpu.memory_space<vmem>>
    %dma_start3A_56 = tpu.memref_slice %arg3[%add3A_47] : memref<4096xi32, #tpu.memory_space<hbm>> -> memref<32xi32, #tpu.memory_space<hbm>>
    tpu.enqueue_dma source(%dma_start3A_56 : memref<32xi32, #tpu.memory_space<hbm>>) target(%dma_start3A_55 : memref<32xi32, #tpu.memory_space<vmem>>) target_semaphore(%arg9 : memref<!tpu.dma_semaphore, #tpu.memory_space<semaphore_mem>>)
    %add3A_57 = arith.constant 64 : i32
    %add3A_58 = arith.addi %mul3A_2, %add3A_57 : i32
    %dma_start3A_59 = arith.constant 2 : i32
    %dma_start3A_60 = arith.constant 0 : i32
    %dma_start3A_61 = tpu.memref_slice %arg7[%dma_start3A_59, %dma_start3A_60] : memref<4x32xi32, #tpu.memory_space<vmem>> -> memref<1x32xi32, #tpu.memory_space<vmem>>
    %dma_start3A_62 = tpu.memref_squeeze %dma_start3A_61 : memref<1x32xi32, #tpu.memory_space<vmem>> -> memref<32xi32, #tpu.memory_space<vmem>>
    %dma_start3A_63 = tpu.memref_slice %arg4[%add3A_58] : memref<4096xi32, #tpu.memory_space<hbm>> -> memref<32xi32, #tpu.memory_space<hbm>>
    %dma_start3A_64 = arith.constant 0 : i32
    %dma_start3A_65 = tpu.memref_slice %arg7[%dma_start3A_59, %dma_start3A_64] : memref<4x32xi32, #tpu.memory_space<vmem>> -> memref<1x32xi32, #tpu.memory_space<vmem>>
    %dma_start3A_66 = tpu.memref_squeeze %dma_start3A_65 : memref<1x32xi32, #tpu.memory_space<vmem>> -> memref<32xi32, #tpu.memory_space<vmem>>
    %dma_start3A_67 = tpu.memref_slice %arg4[%add3A_58] : memref<4096xi32, #tpu.memory_space<hbm>> -> memref<32xi32, #tpu.memory_space<hbm>>
    tpu.enqueue_dma source(%dma_start3A_67 : memref<32xi32, #tpu.memory_space<hbm>>) target(%dma_start3A_66 : memref<32xi32, #tpu.memory_space<vmem>>) target_semaphore(%arg9 : memref<!tpu.dma_semaphore, #tpu.memory_space<semaphore_mem>>)
    %add3A_68 = arith.constant 96 : i32
    %add3A_69 = arith.addi %mul3A_2, %add3A_68 : i32
    %dma_start3A_70 = arith.constant 3 : i32
    %dma_start3A_71 = arith.constant 0 : i32
    %dma_start3A_72 = tpu.memref_slice %arg6[%dma_start3A_70, %dma_start3A_71] : memref<4x32xi32, #tpu.memory_space<vmem>> -> memref<1x32xi32, #tpu.memory_space<vmem>>
    %dma_start3A_73 = tpu.memref_squeeze %dma_start3A_72 : memref<1x32xi32, #tpu.memory_space<vmem>> -> memref<32xi32, #tpu.memory_space<vmem>>
    %dma_start3A_74 = tpu.memref_slice %arg3[%add3A_69] : memref<4096xi32, #tpu.memory_space<hbm>> -> memref<32xi32, #tpu.memory_space<hbm>>
    %dma_start3A_75 = arith.constant 0 : i32
    %dma_start3A_76 = tpu.memref_slice %arg6[%dma_start3A_70, %dma_start3A_75] : memref<4x32xi32, #tpu.memory_space<vmem>> -> memref<1x32xi32, #tpu.memory_space<vmem>>
    %dma_start3A_77 = tpu.memref_squeeze %dma_start3A_76 : memref<1x32xi32, #tpu.memory_space<vmem>> -> memref<32xi32, #tpu.memory_space<vmem>>
    %dma_start3A_78 = tpu.memref_slice %arg3[%add3A_69] : memref<4096xi32, #tpu.memory_space<hbm>> -> memref<32xi32, #tpu.memory_space<hbm>>
    tpu.enqueue_dma source(%dma_start3A_78 : memref<32xi32, #tpu.memory_space<hbm>>) target(%dma_start3A_77 : memref<32xi32, #tpu.memory_space<vmem>>) target_semaphore(%arg9 : memref<!tpu.dma_semaphore, #tpu.memory_space<semaphore_mem>>)
    %add3A_79 = arith.constant 96 : i32
    %add3A_80 = arith.addi %mul3A_2, %add3A_79 : i32
    %dma_start3A_81 = arith.constant 3 : i32
    %dma_start3A_82 = arith.constant 0 : i32
    %dma_start3A_83 = tpu.memref_slice %arg7[%dma_start3A_81, %dma_start3A_82] : memref<4x32xi32, #tpu.memory_space<vmem>> -> memref<1x32xi32, #tpu.memory_space<vmem>>
    %dma_start3A_84 = tpu.memref_squeeze %dma_start3A_83 : memref<1x32xi32, #tpu.memory_space<vmem>> -> memref<32xi32, #tpu.memory_space<vmem>>
    %dma_start3A_85 = tpu.memref_slice %arg4[%add3A_80] : memref<4096xi32, #tpu.memory_space<hbm>> -> memref<32xi32, #tpu.memory_space<hbm>>
    %dma_start3A_86 = arith.constant 0 : i32
    %dma_start3A_87 = tpu.memref_slice %arg7[%dma_start3A_81, %dma_start3A_86] : memref<4x32xi32, #tpu.memory_space<vmem>> -> memref<1x32xi32, #tpu.memory_space<vmem>>
    %dma_start3A_88 = tpu.memref_squeeze %dma_start3A_87 : memref<1x32xi32, #tpu.memory_space<vmem>> -> memref<32xi32, #tpu.memory_space<vmem>>
    %dma_start3A_89 = tpu.memref_slice %arg4[%add3A_80] : memref<4096xi32, #tpu.memory_space<hbm>> -> memref<32xi32, #tpu.memory_space<hbm>>
    tpu.enqueue_dma source(%dma_start3A_89 : memref<32xi32, #tpu.memory_space<hbm>>) target(%dma_start3A_88 : memref<32xi32, #tpu.memory_space<vmem>>) target_semaphore(%arg9 : memref<!tpu.dma_semaphore, #tpu.memory_space<semaphore_mem>>)
    %dma_wait3A = arith.constant 0 : i32
    %dma_wait3A_90 = arith.constant 0 : i32
    %dma_wait3A_91 = tpu.memref_slice %arg6[%dma_wait3A, %dma_wait3A_90] : memref<4x32xi32, #tpu.memory_space<vmem>> -> memref<1x32xi32, #tpu.memory_space<vmem>>
    %dma_wait3A_92 = tpu.memref_squeeze %dma_wait3A_91 : memref<1x32xi32, #tpu.memory_space<vmem>> -> memref<32xi32, #tpu.memory_space<vmem>>
    %dma_wait3A_93 = tpu.memref_slice %arg3[%add3A_4] : memref<4096xi32, #tpu.memory_space<hbm>> -> memref<32xi32, #tpu.memory_space<hbm>>
    %dma_wait3A_94 = arith.constant 0 : i32
    %dma_wait3A_95 = tpu.memref_slice %arg6[%dma_wait3A, %dma_wait3A_94] : memref<4x32xi32, #tpu.memory_space<vmem>> -> memref<1x32xi32, #tpu.memory_space<vmem>>
    %dma_wait3A_96 = tpu.memref_squeeze %dma_wait3A_95 : memref<1x32xi32, #tpu.memory_space<vmem>> -> memref<32xi32, #tpu.memory_space<vmem>>
    %dma_wait3A_97 = tpu.memref_slice %arg3[%add3A_4] : memref<4096xi32, #tpu.memory_space<hbm>> -> memref<32xi32, #tpu.memory_space<hbm>>
    tpu.wait_dma2 semaphore(%arg9 : memref<!tpu.dma_semaphore, #tpu.memory_space<semaphore_mem>>) src(%dma_wait3A_97 : memref<32xi32, #tpu.memory_space<hbm>>) dst(%dma_wait3A_96 : memref<32xi32, #tpu.memory_space<vmem>>)
    %dma_wait3A_98 = arith.constant 0 : i32
    %dma_wait3A_99 = arith.constant 0 : i32
    %dma_wait3A_100 = tpu.memref_slice %arg7[%dma_wait3A_98, %dma_wait3A_99] : memref<4x32xi32, #tpu.memory_space<vmem>> -> memref<1x32xi32, #tpu.memory_space<vmem>>
    %dma_wait3A_101 = tpu.memref_squeeze %dma_wait3A_100 : memref<1x32xi32, #tpu.memory_space<vmem>> -> memref<32xi32, #tpu.memory_space<vmem>>
    %dma_wait3A_102 = tpu.memref_slice %arg4[%add3A_14] : memref<4096xi32, #tpu.memory_space<hbm>> -> memref<32xi32, #tpu.memory_space<hbm>>
    %dma_wait3A_103 = arith.constant 0 : i32
    %dma_wait3A_104 = tpu.memref_slice %arg7[%dma_wait3A_98, %dma_wait3A_103] : memref<4x32xi32, #tpu.memory_space<vmem>> -> memref<1x32xi32, #tpu.memory_space<vmem>>
    %dma_wait3A_105 = tpu.memref_squeeze %dma_wait3A_104 : memref<1x32xi32, #tpu.memory_space<vmem>> -> memref<32xi32, #tpu.memory_space<vmem>>
    %dma_wait3A_106 = tpu.memref_slice %arg4[%add3A_14] : memref<4096xi32, #tpu.memory_space<hbm>> -> memref<32xi32, #tpu.memory_space<hbm>>
    tpu.wait_dma2 semaphore(%arg9 : memref<!tpu.dma_semaphore, #tpu.memory_space<semaphore_mem>>) src(%dma_wait3A_106 : memref<32xi32, #tpu.memory_space<hbm>>) dst(%dma_wait3A_105 : memref<32xi32, #tpu.memory_space<vmem>>)
    %dma_wait3A_107 = arith.constant 1 : i32
    %dma_wait3A_108 = arith.constant 0 : i32
    %dma_wait3A_109 = tpu.memref_slice %arg6[%dma_wait3A_107, %dma_wait3A_108] : memref<4x32xi32, #tpu.memory_space<vmem>> -> memref<1x32xi32, #tpu.memory_space<vmem>>
    %dma_wait3A_110 = tpu.memref_squeeze %dma_wait3A_109 : memref<1x32xi32, #tpu.memory_space<vmem>> -> memref<32xi32, #tpu.memory_space<vmem>>
    %dma_wait3A_111 = tpu.memref_slice %arg3[%add3A_25] : memref<4096xi32, #tpu.memory_space<hbm>> -> memref<32xi32, #tpu.memory_space<hbm>>
    %dma_wait3A_112 = arith.constant 0 : i32
    %dma_wait3A_113 = tpu.memref_slice %arg6[%dma_wait3A_107, %dma_wait3A_112] : memref<4x32xi32, #tpu.memory_space<vmem>> -> memref<1x32xi32, #tpu.memory_space<vmem>>
    %dma_wait3A_114 = tpu.memref_squeeze %dma_wait3A_113 : memref<1x32xi32, #tpu.memory_space<vmem>> -> memref<32xi32, #tpu.memory_space<vmem>>
    %dma_wait3A_115 = tpu.memref_slice %arg3[%add3A_25] : memref<4096xi32, #tpu.memory_space<hbm>> -> memref<32xi32, #tpu.memory_space<hbm>>
    tpu.wait_dma2 semaphore(%arg9 : memref<!tpu.dma_semaphore, #tpu.memory_space<semaphore_mem>>) src(%dma_wait3A_115 : memref<32xi32, #tpu.memory_space<hbm>>) dst(%dma_wait3A_114 : memref<32xi32, #tpu.memory_space<vmem>>)
    %dma_wait3A_116 = arith.constant 1 : i32
    %dma_wait3A_117 = arith.constant 0 : i32
    %dma_wait3A_118 = tpu.memref_slice %arg7[%dma_wait3A_116, %dma_wait3A_117] : memref<4x32xi32, #tpu.memory_space<vmem>> -> memref<1x32xi32, #tpu.memory_space<vmem>>
    %dma_wait3A_119 = tpu.memref_squeeze %dma_wait3A_118 : memref<1x32xi32, #tpu.memory_space<vmem>> -> memref<32xi32, #tpu.memory_space<vmem>>
    %dma_wait3A_120 = tpu.memref_slice %arg4[%add3A_36] : memref<4096xi32, #tpu.memory_space<hbm>> -> memref<32xi32, #tpu.memory_space<hbm>>
    %dma_wait3A_121 = arith.constant 0 : i32
    %dma_wait3A_122 = tpu.memref_slice %arg7[%dma_wait3A_116, %dma_wait3A_121] : memref<4x32xi32, #tpu.memory_space<vmem>> -> memref<1x32xi32, #tpu.memory_space<vmem>>
    %dma_wait3A_123 = tpu.memref_squeeze %dma_wait3A_122 : memref<1x32xi32, #tpu.memory_space<vmem>> -> memref<32xi32, #tpu.memory_space<vmem>>
    %dma_wait3A_124 = tpu.memref_slice %arg4[%add3A_36] : memref<4096xi32, #tpu.memory_space<hbm>> -> memref<32xi32, #tpu.memory_space<hbm>>
    tpu.wait_dma2 semaphore(%arg9 : memref<!tpu.dma_semaphore, #tpu.memory_space<semaphore_mem>>) src(%dma_wait3A_124 : memref<32xi32, #tpu.memory_space<hbm>>) dst(%dma_wait3A_123 : memref<32xi32, #tpu.memory_space<vmem>>)
    %dma_wait3A_125 = arith.constant 2 : i32
    %dma_wait3A_126 = arith.constant 0 : i32
    %dma_wait3A_127 = tpu.memref_slice %arg6[%dma_wait3A_125, %dma_wait3A_126] : memref<4x32xi32, #tpu.memory_space<vmem>> -> memref<1x32xi32, #tpu.memory_space<vmem>>
    %dma_wait3A_128 = tpu.memref_squeeze %dma_wait3A_127 : memref<1x32xi32, #tpu.memory_space<vmem>> -> memref<32xi32, #tpu.memory_space<vmem>>
    %dma_wait3A_129 = tpu.memref_slice %arg3[%add3A_47] : memref<4096xi32, #tpu.memory_space<hbm>> -> memref<32xi32, #tpu.memory_space<hbm>>
    %dma_wait3A_130 = arith.constant 0 : i32
    %dma_wait3A_131 = tpu.memref_slice %arg6[%dma_wait3A_125, %dma_wait3A_130] : memref<4x32xi32, #tpu.memory_space<vmem>> -> memref<1x32xi32, #tpu.memory_space<vmem>>
    %dma_wait3A_132 = tpu.memref_squeeze %dma_wait3A_131 : memref<1x32xi32, #tpu.memory_space<vmem>> -> memref<32xi32, #tpu.memory_space<vmem>>
    %dma_wait3A_133 = tpu.memref_slice %arg3[%add3A_47] : memref<4096xi32, #tpu.memory_space<hbm>> -> memref<32xi32, #tpu.memory_space<hbm>>
    tpu.wait_dma2 semaphore(%arg9 : memref<!tpu.dma_semaphore, #tpu.memory_space<semaphore_mem>>) src(%dma_wait3A_133 : memref<32xi32, #tpu.memory_space<hbm>>) dst(%dma_wait3A_132 : memref<32xi32, #tpu.memory_space<vmem>>)
    %dma_wait3A_134 = arith.constant 2 : i32
    %dma_wait3A_135 = arith.constant 0 : i32
    %dma_wait3A_136 = tpu.memref_slice %arg7[%dma_wait3A_134, %dma_wait3A_135] : memref<4x32xi32, #tpu.memory_space<vmem>> -> memref<1x32xi32, #tpu.memory_space<vmem>>
    %dma_wait3A_137 = tpu.memref_squeeze %dma_wait3A_136 : memref<1x32xi32, #tpu.memory_space<vmem>> -> memref<32xi32, #tpu.memory_space<vmem>>
    %dma_wait3A_138 = tpu.memref_slice %arg4[%add3A_58] : memref<4096xi32, #tpu.memory_space<hbm>> -> memref<32xi32, #tpu.memory_space<hbm>>
    %dma_wait3A_139 = arith.constant 0 : i32
    %dma_wait3A_140 = tpu.memref_slice %arg7[%dma_wait3A_134, %dma_wait3A_139] : memref<4x32xi32, #tpu.memory_space<vmem>> -> memref<1x32xi32, #tpu.memory_space<vmem>>
    %dma_wait3A_141 = tpu.memref_squeeze %dma_wait3A_140 : memref<1x32xi32, #tpu.memory_space<vmem>> -> memref<32xi32, #tpu.memory_space<vmem>>
    %dma_wait3A_142 = tpu.memref_slice %arg4[%add3A_58] : memref<4096xi32, #tpu.memory_space<hbm>> -> memref<32xi32, #tpu.memory_space<hbm>>
    tpu.wait_dma2 semaphore(%arg9 : memref<!tpu.dma_semaphore, #tpu.memory_space<semaphore_mem>>) src(%dma_wait3A_142 : memref<32xi32, #tpu.memory_space<hbm>>) dst(%dma_wait3A_141 : memref<32xi32, #tpu.memory_space<vmem>>)
    %dma_wait3A_143 = arith.constant 3 : i32
    %dma_wait3A_144 = arith.constant 0 : i32
    %dma_wait3A_145 = tpu.memref_slice %arg6[%dma_wait3A_143, %dma_wait3A_144] : memref<4x32xi32, #tpu.memory_space<vmem>> -> memref<1x32xi32, #tpu.memory_space<vmem>>
    %dma_wait3A_146 = tpu.memref_squeeze %dma_wait3A_145 : memref<1x32xi32, #tpu.memory_space<vmem>> -> memref<32xi32, #tpu.memory_space<vmem>>
    %dma_wait3A_147 = tpu.memref_slice %arg3[%add3A_69] : memref<4096xi32, #tpu.memory_space<hbm>> -> memref<32xi32, #tpu.memory_space<hbm>>
    %dma_wait3A_148 = arith.constant 0 : i32
    %dma_wait3A_149 = tpu.memref_slice %arg6[%dma_wait3A_143, %dma_wait3A_148] : memref<4x32xi32, #tpu.memory_space<vmem>> -> memref<1x32xi32, #tpu.memory_space<vmem>>
    %dma_wait3A_150 = tpu.memref_squeeze %dma_wait3A_149 : memref<1x32xi32, #tpu.memory_space<vmem>> -> memref<32xi32, #tpu.memory_space<vmem>>
    %dma_wait3A_151 = tpu.memref_slice %arg3[%add3A_69] : memref<4096xi32, #tpu.memory_space<hbm>> -> memref<32xi32, #tpu.memory_space<hbm>>
    tpu.wait_dma2 semaphore(%arg9 : memref<!tpu.dma_semaphore, #tpu.memory_space<semaphore_mem>>) src(%dma_wait3A_151 : memref<32xi32, #tpu.memory_space<hbm>>) dst(%dma_wait3A_150 : memref<32xi32, #tpu.memory_space<vmem>>)
    %dma_wait3A_152 = arith.constant 3 : i32
    %dma_wait3A_153 = arith.constant 0 : i32
    %dma_wait3A_154 = tpu.memref_slice %arg7[%dma_wait3A_152, %dma_wait3A_153] : memref<4x32xi32, #tpu.memory_space<vmem>> -> memref<1x32xi32, #tpu.memory_space<vmem>>
    %dma_wait3A_155 = tpu.memref_squeeze %dma_wait3A_154 : memref<1x32xi32, #tpu.memory_space<vmem>> -> memref<32xi32, #tpu.memory_space<vmem>>
    %dma_wait3A_156 = tpu.memref_slice %arg4[%add3A_80] : memref<4096xi32, #tpu.memory_space<hbm>> -> memref<32xi32, #tpu.memory_space<hbm>>
    %dma_wait3A_157 = arith.constant 0 : i32
    %dma_wait3A_158 = tpu.memref_slice %arg7[%dma_wait3A_152, %dma_wait3A_157] : memref<4x32xi32, #tpu.memory_space<vmem>> -> memref<1x32xi32, #tpu.memory_space<vmem>>
    %dma_wait3A_159 = tpu.memref_squeeze %dma_wait3A_158 : memref<1x32xi32, #tpu.memory_space<vmem>> -> memref<32xi32, #tpu.memory_space<vmem>>
    %dma_wait3A_160 = tpu.memref_slice %arg4[%add3A_80] : memref<4096xi32, #tpu.memory_space<hbm>> -> memref<32xi32, #tpu.memory_space<hbm>>
    tpu.wait_dma2 semaphore(%arg9 : memref<!tpu.dma_semaphore, #tpu.memory_space<semaphore_mem>>) src(%dma_wait3A_160 : memref<32xi32, #tpu.memory_space<hbm>>) dst(%dma_wait3A_159 : memref<32xi32, #tpu.memory_space<vmem>>)
    %add3A_161 = arith.constant 0 : i32
    %add3A_162 = arith.addi %mul3A_2, %add3A_161 : i32
    %dma_start3A_163 = arith.constant 0 : i32
    %dma_start3A_164 = arith.constant 0 : i32
    %dma_start3A_165 = arith.constant 0 : i32
    %dma_start3A_166 = tpu.memref_slice %arg8[%dma_start3A_163, %dma_start3A_164, %dma_start3A_165] : memref<3x32x1024xf32, #tpu.memory_space<vmem>> -> memref<1x32x1024xf32, #tpu.memory_space<vmem>>
    %dma_start3A_167 = tpu.memref_squeeze %dma_start3A_166 : memref<1x32x1024xf32, #tpu.memory_space<vmem>> -> memref<32x1024xf32, #tpu.memory_space<vmem>>
    %dma_start3A_168 = arith.constant 0 : i32
    %dma_start3A_169 = tpu.memref_slice %arg2[%add3A_162, %dma_start3A_168] : memref<4096x1024xf32, #tpu.memory_space<hbm>> -> memref<32x1024xf32, #tpu.memory_space<hbm>>
    %dma_start3A_170 = arith.constant 0 : i32
    %dma_start3A_171 = arith.constant 0 : i32
    %dma_start3A_172 = tpu.memref_slice %arg8[%dma_start3A_163, %dma_start3A_170, %dma_start3A_171] : memref<3x32x1024xf32, #tpu.memory_space<vmem>> -> memref<1x32x1024xf32, #tpu.memory_space<vmem>>
    %dma_start3A_173 = tpu.memref_squeeze %dma_start3A_172 : memref<1x32x1024xf32, #tpu.memory_space<vmem>> -> memref<32x1024xf32, #tpu.memory_space<vmem>>
    %dma_start3A_174 = arith.constant 0 : i32
    %dma_start3A_175 = tpu.memref_slice %arg2[%add3A_162, %dma_start3A_174] : memref<4096x1024xf32, #tpu.memory_space<hbm>> -> memref<32x1024xf32, #tpu.memory_space<hbm>>
    tpu.enqueue_dma source(%dma_start3A_175 : memref<32x1024xf32, #tpu.memory_space<hbm>>) target(%dma_start3A_173 : memref<32x1024xf32, #tpu.memory_space<vmem>>) target_semaphore(%arg10 : memref<!tpu.dma_semaphore, #tpu.memory_space<semaphore_mem>>)
    %add3A_176 = arith.constant 32 : i32
    %add3A_177 = arith.addi %mul3A_2, %add3A_176 : i32
    %dma_start3A_178 = arith.constant 1 : i32
    %dma_start3A_179 = arith.constant 0 : i32
    %dma_start3A_180 = arith.constant 0 : i32
    %dma_start3A_181 = tpu.memref_slice %arg8[%dma_start3A_178, %dma_start3A_179, %dma_start3A_180] : memref<3x32x1024xf32, #tpu.memory_space<vmem>> -> memref<1x32x1024xf32, #tpu.memory_space<vmem>>
    %dma_start3A_182 = tpu.memref_squeeze %dma_start3A_181 : memref<1x32x1024xf32, #tpu.memory_space<vmem>> -> memref<32x1024xf32, #tpu.memory_space<vmem>>
    %dma_start3A_183 = arith.constant 0 : i32
    %dma_start3A_184 = tpu.memref_slice %arg2[%add3A_177, %dma_start3A_183] : memref<4096x1024xf32, #tpu.memory_space<hbm>> -> memref<32x1024xf32, #tpu.memory_space<hbm>>
    %dma_start3A_185 = arith.constant 0 : i32
    %dma_start3A_186 = arith.constant 0 : i32
    %dma_start3A_187 = tpu.memref_slice %arg8[%dma_start3A_178, %dma_start3A_185, %dma_start3A_186] : memref<3x32x1024xf32, #tpu.memory_space<vmem>> -> memref<1x32x1024xf32, #tpu.memory_space<vmem>>
    %dma_start3A_188 = tpu.memref_squeeze %dma_start3A_187 : memref<1x32x1024xf32, #tpu.memory_space<vmem>> -> memref<32x1024xf32, #tpu.memory_space<vmem>>
    %dma_start3A_189 = arith.constant 0 : i32
    %dma_start3A_190 = tpu.memref_slice %arg2[%add3A_177, %dma_start3A_189] : memref<4096x1024xf32, #tpu.memory_space<hbm>> -> memref<32x1024xf32, #tpu.memory_space<hbm>>
    tpu.enqueue_dma source(%dma_start3A_190 : memref<32x1024xf32, #tpu.memory_space<hbm>>) target(%dma_start3A_188 : memref<32x1024xf32, #tpu.memory_space<vmem>>) target_semaphore(%arg10 : memref<!tpu.dma_semaphore, #tpu.memory_space<semaphore_mem>>)
    %add3A_191 = arith.constant 64 : i32
    %add3A_192 = arith.addi %mul3A_2, %add3A_191 : i32
    %dma_start3A_193 = arith.constant 2 : i32
    %dma_start3A_194 = arith.constant 0 : i32
    %dma_start3A_195 = arith.constant 0 : i32
    %dma_start3A_196 = tpu.memref_slice %arg8[%dma_start3A_193, %dma_start3A_194, %dma_start3A_195] : memref<3x32x1024xf32, #tpu.memory_space<vmem>> -> memref<1x32x1024xf32, #tpu.memory_space<vmem>>
    %dma_start3A_197 = tpu.memref_squeeze %dma_start3A_196 : memref<1x32x1024xf32, #tpu.memory_space<vmem>> -> memref<32x1024xf32, #tpu.memory_space<vmem>>
    %dma_start3A_198 = arith.constant 0 : i32
    %dma_start3A_199 = tpu.memref_slice %arg2[%add3A_192, %dma_start3A_198] : memref<4096x1024xf32, #tpu.memory_space<hbm>> -> memref<32x1024xf32, #tpu.memory_space<hbm>>
    %dma_start3A_200 = arith.constant 0 : i32
    %dma_start3A_201 = arith.constant 0 : i32
    %dma_start3A_202 = tpu.memref_slice %arg8[%dma_start3A_193, %dma_start3A_200, %dma_start3A_201] : memref<3x32x1024xf32, #tpu.memory_space<vmem>> -> memref<1x32x1024xf32, #tpu.memory_space<vmem>>
    %dma_start3A_203 = tpu.memref_squeeze %dma_start3A_202 : memref<1x32x1024xf32, #tpu.memory_space<vmem>> -> memref<32x1024xf32, #tpu.memory_space<vmem>>
    %dma_start3A_204 = arith.constant 0 : i32
    %dma_start3A_205 = tpu.memref_slice %arg2[%add3A_192, %dma_start3A_204] : memref<4096x1024xf32, #tpu.memory_space<hbm>> -> memref<32x1024xf32, #tpu.memory_space<hbm>>
    tpu.enqueue_dma source(%dma_start3A_205 : memref<32x1024xf32, #tpu.memory_space<hbm>>) target(%dma_start3A_203 : memref<32x1024xf32, #tpu.memory_space<vmem>>) target_semaphore(%arg10 : memref<!tpu.dma_semaphore, #tpu.memory_space<semaphore_mem>>)
    %dma_wait3A_206 = arith.constant 0 : i32
    %dma_wait3A_207 = arith.constant 0 : i32
    %dma_wait3A_208 = arith.constant 0 : i32
    %dma_wait3A_209 = tpu.memref_slice %arg8[%dma_wait3A_206, %dma_wait3A_207, %dma_wait3A_208] : memref<3x32x1024xf32, #tpu.memory_space<vmem>> -> memref<1x32x1024xf32, #tpu.memory_space<vmem>>
    %dma_wait3A_210 = tpu.memref_squeeze %dma_wait3A_209 : memref<1x32x1024xf32, #tpu.memory_space<vmem>> -> memref<32x1024xf32, #tpu.memory_space<vmem>>
    %dma_wait3A_211 = arith.constant 0 : i32
    %dma_wait3A_212 = tpu.memref_slice %arg2[%add3A_162, %dma_wait3A_211] : memref<4096x1024xf32, #tpu.memory_space<hbm>> -> memref<32x1024xf32, #tpu.memory_space<hbm>>
    %dma_wait3A_213 = arith.constant 0 : i32
    %dma_wait3A_214 = arith.constant 0 : i32
    %dma_wait3A_215 = tpu.memref_slice %arg8[%dma_wait3A_206, %dma_wait3A_213, %dma_wait3A_214] : memref<3x32x1024xf32, #tpu.memory_space<vmem>> -> memref<1x32x1024xf32, #tpu.memory_space<vmem>>
    %dma_wait3A_216 = tpu.memref_squeeze %dma_wait3A_215 : memref<1x32x1024xf32, #tpu.memory_space<vmem>> -> memref<32x1024xf32, #tpu.memory_space<vmem>>
    %dma_wait3A_217 = arith.constant 0 : i32
    %dma_wait3A_218 = tpu.memref_slice %arg2[%add3A_162, %dma_wait3A_217] : memref<4096x1024xf32, #tpu.memory_space<hbm>> -> memref<32x1024xf32, #tpu.memory_space<hbm>>
    tpu.wait_dma2 semaphore(%arg10 : memref<!tpu.dma_semaphore, #tpu.memory_space<semaphore_mem>>) src(%dma_wait3A_218 : memref<32x1024xf32, #tpu.memory_space<hbm>>) dst(%dma_wait3A_216 : memref<32x1024xf32, #tpu.memory_space<vmem>>)
    %dma_start3A_219 = arith.constant 0 : i32
    %dma_start3A_220 = arith.constant 0 : i32
    %dma_start3A_221 = arith.constant 0 : i32
    %dma_start3A_222 = arith.constant 0 : i32
    %dma_start3A_223 = tpu.memref_slice %arg8[%dma_start3A_219, %dma_start3A_221, %dma_start3A_222] : memref<3x32x1024xf32, #tpu.memory_space<vmem>> -> memref<1x32x1024xf32, #tpu.memory_space<vmem>>
    %dma_start3A_224 = tpu.memref_squeeze %dma_start3A_223 : memref<1x32x1024xf32, #tpu.memory_space<vmem>> -> memref<32x1024xf32, #tpu.memory_space<vmem>>
    %dma_start3A_225 = arith.constant 0 : i32
    %dma_start3A_226 = tpu.memref_slice %arg6[%dma_start3A_220, %dma_start3A_225] : memref<4x32xi32, #tpu.memory_space<vmem>> -> memref<1x32xi32, #tpu.memory_space<vmem>>
    %dma_start3A_227 = tpu.memref_squeeze %dma_start3A_226 : memref<1x32xi32, #tpu.memory_space<vmem>> -> memref<32xi32, #tpu.memory_space<vmem>>
    %dma_start3A_228 = arith.constant 0 : i32
    %dma_start3A_229 = arith.constant 0 : i32
    %dma_start3A_230 = tpu.memref_slice %arg5[%dma_start3A_228, %dma_start3A_229] : memref<5128x1024xf32, #tpu.memory_space<hbm>> -> memref<5128x1024xf32, #tpu.memory_space<hbm>>
    tpu.enqueue_indirect_dma source(%dma_start3A_224 : memref<32x1024xf32, #tpu.memory_space<vmem>>) target(%dma_start3A_230 : memref<5128x1024xf32, #tpu.memory_space<hbm>>) offsets(%dma_start3A_227 : memref<32xi32, #tpu.memory_space<vmem>>) semaphore(%arg11 : memref<!tpu.dma_semaphore, #tpu.memory_space<semaphore_mem>>)
    %dma_start3A_231 = arith.constant 0 : i32
    %dma_start3A_232 = arith.constant 0 : i32
    %dma_start3A_233 = arith.constant 0 : i32
    %dma_start3A_234 = arith.constant 0 : i32
    %dma_start3A_235 = tpu.memref_slice %arg8[%dma_start3A_231, %dma_start3A_233, %dma_start3A_234] : memref<3x32x1024xf32, #tpu.memory_space<vmem>> -> memref<1x32x1024xf32, #tpu.memory_space<vmem>>
    %dma_start3A_236 = tpu.memref_squeeze %dma_start3A_235 : memref<1x32x1024xf32, #tpu.memory_space<vmem>> -> memref<32x1024xf32, #tpu.memory_space<vmem>>
    %dma_start3A_237 = arith.constant 0 : i32
    %dma_start3A_238 = tpu.memref_slice %arg7[%dma_start3A_232, %dma_start3A_237] : memref<4x32xi32, #tpu.memory_space<vmem>> -> memref<1x32xi32, #tpu.memory_space<vmem>>
    %dma_start3A_239 = tpu.memref_squeeze %dma_start3A_238 : memref<1x32xi32, #tpu.memory_space<vmem>> -> memref<32xi32, #tpu.memory_space<vmem>>
    %dma_start3A_240 = arith.constant 0 : i32
    %dma_start3A_241 = arith.constant 0 : i32
    %dma_start3A_242 = tpu.memref_slice %arg5[%dma_start3A_240, %dma_start3A_241] : memref<5128x1024xf32, #tpu.memory_space<hbm>> -> memref<5128x1024xf32, #tpu.memory_space<hbm>>
    tpu.enqueue_indirect_dma source(%dma_start3A_236 : memref<32x1024xf32, #tpu.memory_space<vmem>>) target(%dma_start3A_242 : memref<5128x1024xf32, #tpu.memory_space<hbm>>) offsets(%dma_start3A_239 : memref<32xi32, #tpu.memory_space<vmem>>) semaphore(%arg11 : memref<!tpu.dma_semaphore, #tpu.memory_space<semaphore_mem>>)
    %dma_wait3A_243 = arith.constant 0 : i32
    %dma_wait3A_244 = arith.constant 0 : i32
    %dma_wait3A_245 = arith.constant 0 : i32
    %dma_wait3A_246 = arith.constant 0 : i32
    %dma_wait3A_247 = tpu.memref_slice %arg8[%dma_wait3A_243, %dma_wait3A_245, %dma_wait3A_246] : memref<3x32x1024xf32, #tpu.memory_space<vmem>> -> memref<1x32x1024xf32, #tpu.memory_space<vmem>>
    %dma_wait3A_248 = tpu.memref_squeeze %dma_wait3A_247 : memref<1x32x1024xf32, #tpu.memory_space<vmem>> -> memref<32x1024xf32, #tpu.memory_space<vmem>>
    %dma_wait3A_249 = arith.constant 0 : i32
    %dma_wait3A_250 = tpu.memref_slice %arg6[%dma_wait3A_244, %dma_wait3A_249] : memref<4x32xi32, #tpu.memory_space<vmem>> -> memref<1x32xi32, #tpu.memory_space<vmem>>
    %dma_wait3A_251 = tpu.memref_squeeze %dma_wait3A_250 : memref<1x32xi32, #tpu.memory_space<vmem>> -> memref<32xi32, #tpu.memory_space<vmem>>
    %dma_wait3A_252 = arith.constant 0 : i32
    %dma_wait3A_253 = arith.constant 0 : i32
    %dma_wait3A_254 = tpu.memref_slice %arg5[%dma_wait3A_252, %dma_wait3A_253] : memref<5128x1024xf32, #tpu.memory_space<hbm>> -> memref<5128x1024xf32, #tpu.memory_space<hbm>>
    tpu.wait_indirect_dma semaphore(%arg11 : memref<!tpu.dma_semaphore, #tpu.memory_space<semaphore_mem>>) src(%dma_wait3A_248 : memref<32x1024xf32, #tpu.memory_space<vmem>>) dst(%dma_wait3A_254 : memref<5128x1024xf32, #tpu.memory_space<hbm>>)
    %dma_wait3A_255 = arith.constant 0 : i32
    %dma_wait3A_256 = arith.constant 0 : i32
    %dma_wait3A_257 = arith.constant 0 : i32
    %dma_wait3A_258 = arith.constant 0 : i32
    %dma_wait3A_259 = tpu.memref_slice %arg8[%dma_wait3A_255, %dma_wait3A_257, %dma_wait3A_258] : memref<3x32x1024xf32, #tpu.memory_space<vmem>> -> memref<1x32x1024xf32, #tpu.memory_space<vmem>>
    %dma_wait3A_260 = tpu.memref_squeeze %dma_wait3A_259 : memref<1x32x1024xf32, #tpu.memory_space<vmem>> -> memref<32x1024xf32, #tpu.memory_space<vmem>>
    %dma_wait3A_261 = arith.constant 0 : i32
    %dma_wait3A_262 = tpu.memref_slice %arg7[%dma_wait3A_256, %dma_wait3A_261] : memref<4x32xi32, #tpu.memory_space<vmem>> -> memref<1x32xi32, #tpu.memory_space<vmem>>
    %dma_wait3A_263 = tpu.memref_squeeze %dma_wait3A_262 : memref<1x32xi32, #tpu.memory_space<vmem>> -> memref<32xi32, #tpu.memory_space<vmem>>
    %dma_wait3A_264 = arith.constant 0 : i32
    %dma_wait3A_265 = arith.constant 0 : i32
    %dma_wait3A_266 = tpu.memref_slice %arg5[%dma_wait3A_264, %dma_wait3A_265] : memref<5128x1024xf32, #tpu.memory_space<hbm>> -> memref<5128x1024xf32, #tpu.memory_space<hbm>>
    tpu.wait_indirect_dma semaphore(%arg11 : memref<!tpu.dma_semaphore, #tpu.memory_space<semaphore_mem>>) src(%dma_wait3A_260 : memref<32x1024xf32, #tpu.memory_space<vmem>>) dst(%dma_wait3A_266 : memref<5128x1024xf32, #tpu.memory_space<hbm>>)
    %add3A_267 = arith.constant 96 : i32
    %add3A_268 = arith.addi %mul3A_2, %add3A_267 : i32
    %dma_start3A_269 = arith.constant 0 : i32
    %dma_start3A_270 = arith.constant 0 : i32
    %dma_start3A_271 = arith.constant 0 : i32
    %dma_start3A_272 = tpu.memref_slice %arg8[%dma_start3A_269, %dma_start3A_270, %dma_start3A_271] : memref<3x32x1024xf32, #tpu.memory_space<vmem>> -> memref<1x32x1024xf32, #tpu.memory_space<vmem>>
    %dma_start3A_273 = tpu.memref_squeeze %dma_start3A_272 : memref<1x32x1024xf32, #tpu.memory_space<vmem>> -> memref<32x1024xf32, #tpu.memory_space<vmem>>
    %dma_start3A_274 = arith.constant 0 : i32
    %dma_start3A_275 = tpu.memref_slice %arg2[%add3A_268, %dma_start3A_274] : memref<4096x1024xf32, #tpu.memory_space<hbm>> -> memref<32x1024xf32, #tpu.memory_space<hbm>>
    %dma_start3A_276 = arith.constant 0 : i32
    %dma_start3A_277 = arith.constant 0 : i32
    %dma_start3A_278 = tpu.memref_slice %arg8[%dma_start3A_269, %dma_start3A_276, %dma_start3A_277] : memref<3x32x1024xf32, #tpu.memory_space<vmem>> -> memref<1x32x1024xf32, #tpu.memory_space<vmem>>
    %dma_start3A_279 = tpu.memref_squeeze %dma_start3A_278 : memref<1x32x1024xf32, #tpu.memory_space<vmem>> -> memref<32x1024xf32, #tpu.memory_space<vmem>>
    %dma_start3A_280 = arith.constant 0 : i32
    %dma_start3A_281 = tpu.memref_slice %arg2[%add3A_268, %dma_start3A_280] : memref<4096x1024xf32, #tpu.memory_space<hbm>> -> memref<32x1024xf32, #tpu.memory_space<hbm>>
    tpu.enqueue_dma source(%dma_start3A_281 : memref<32x1024xf32, #tpu.memory_space<hbm>>) target(%dma_start3A_279 : memref<32x1024xf32, #tpu.memory_space<vmem>>) target_semaphore(%arg10 : memref<!tpu.dma_semaphore, #tpu.memory_space<semaphore_mem>>)
    %dma_wait3A_282 = arith.constant 1 : i32
    %dma_wait3A_283 = arith.constant 0 : i32
    %dma_wait3A_284 = arith.constant 0 : i32
    %dma_wait3A_285 = tpu.memref_slice %arg8[%dma_wait3A_282, %dma_wait3A_283, %dma_wait3A_284] : memref<3x32x1024xf32, #tpu.memory_space<vmem>> -> memref<1x32x1024xf32, #tpu.memory_space<vmem>>
    %dma_wait3A_286 = tpu.memref_squeeze %dma_wait3A_285 : memref<1x32x1024xf32, #tpu.memory_space<vmem>> -> memref<32x1024xf32, #tpu.memory_space<vmem>>
    %dma_wait3A_287 = arith.constant 0 : i32
    %dma_wait3A_288 = tpu.memref_slice %arg2[%add3A_177, %dma_wait3A_287] : memref<4096x1024xf32, #tpu.memory_space<hbm>> -> memref<32x1024xf32, #tpu.memory_space<hbm>>
    %dma_wait3A_289 = arith.constant 0 : i32
    %dma_wait3A_290 = arith.constant 0 : i32
    %dma_wait3A_291 = tpu.memref_slice %arg8[%dma_wait3A_282, %dma_wait3A_289, %dma_wait3A_290] : memref<3x32x1024xf32, #tpu.memory_space<vmem>> -> memref<1x32x1024xf32, #tpu.memory_space<vmem>>
    %dma_wait3A_292 = tpu.memref_squeeze %dma_wait3A_291 : memref<1x32x1024xf32, #tpu.memory_space<vmem>> -> memref<32x1024xf32, #tpu.memory_space<vmem>>
    %dma_wait3A_293 = arith.constant 0 : i32
    %dma_wait3A_294 = tpu.memref_slice %arg2[%add3A_177, %dma_wait3A_293] : memref<4096x1024xf32, #tpu.memory_space<hbm>> -> memref<32x1024xf32, #tpu.memory_space<hbm>>
    tpu.wait_dma2 semaphore(%arg10 : memref<!tpu.dma_semaphore, #tpu.memory_space<semaphore_mem>>) src(%dma_wait3A_294 : memref<32x1024xf32, #tpu.memory_space<hbm>>) dst(%dma_wait3A_292 : memref<32x1024xf32, #tpu.memory_space<vmem>>)
    %dma_start3A_295 = arith.constant 1 : i32
    %dma_start3A_296 = arith.constant 1 : i32
    %dma_start3A_297 = arith.constant 0 : i32
    %dma_start3A_298 = arith.constant 0 : i32
    %dma_start3A_299 = tpu.memref_slice %arg8[%dma_start3A_295, %dma_start3A_297, %dma_start3A_298] : memref<3x32x1024xf32, #tpu.memory_space<vmem>> -> memref<1x32x1024xf32, #tpu.memory_space<vmem>>
    %dma_start3A_300 = tpu.memref_squeeze %dma_start3A_299 : memref<1x32x1024xf32, #tpu.memory_space<vmem>> -> memref<32x1024xf32, #tpu.memory_space<vmem>>
    %dma_start3A_301 = arith.constant 0 : i32
    %dma_start3A_302 = tpu.memref_slice %arg6[%dma_start3A_296, %dma_start3A_301] : memref<4x32xi32, #tpu.memory_space<vmem>> -> memref<1x32xi32, #tpu.memory_space<vmem>>
    %dma_start3A_303 = tpu.memref_squeeze %dma_start3A_302 : memref<1x32xi32, #tpu.memory_space<vmem>> -> memref<32xi32, #tpu.memory_space<vmem>>
    %dma_start3A_304 = arith.constant 0 : i32
    %dma_start3A_305 = arith.constant 0 : i32
    %dma_start3A_306 = tpu.memref_slice %arg5[%dma_start3A_304, %dma_start3A_305] : memref<5128x1024xf32, #tpu.memory_space<hbm>> -> memref<5128x1024xf32, #tpu.memory_space<hbm>>
    tpu.enqueue_indirect_dma source(%dma_start3A_300 : memref<32x1024xf32, #tpu.memory_space<vmem>>) target(%dma_start3A_306 : memref<5128x1024xf32, #tpu.memory_space<hbm>>) offsets(%dma_start3A_303 : memref<32xi32, #tpu.memory_space<vmem>>) semaphore(%arg11 : memref<!tpu.dma_semaphore, #tpu.memory_space<semaphore_mem>>)
    %dma_start3A_307 = arith.constant 1 : i32
    %dma_start3A_308 = arith.constant 1 : i32
    %dma_start3A_309 = arith.constant 0 : i32
    %dma_start3A_310 = arith.constant 0 : i32
    %dma_start3A_311 = tpu.memref_slice %arg8[%dma_start3A_307, %dma_start3A_309, %dma_start3A_310] : memref<3x32x1024xf32, #tpu.memory_space<vmem>> -> memref<1x32x1024xf32, #tpu.memory_space<vmem>>
    %dma_start3A_312 = tpu.memref_squeeze %dma_start3A_311 : memref<1x32x1024xf32, #tpu.memory_space<vmem>> -> memref<32x1024xf32, #tpu.memory_space<vmem>>
    %dma_start3A_313 = arith.constant 0 : i32
    %dma_start3A_314 = tpu.memref_slice %arg7[%dma_start3A_308, %dma_start3A_313] : memref<4x32xi32, #tpu.memory_space<vmem>> -> memref<1x32xi32, #tpu.memory_space<vmem>>
    %dma_start3A_315 = tpu.memref_squeeze %dma_start3A_314 : memref<1x32xi32, #tpu.memory_space<vmem>> -> memref<32xi32, #tpu.memory_space<vmem>>
    %dma_start3A_316 = arith.constant 0 : i32
    %dma_start3A_317 = arith.constant 0 : i32
    %dma_start3A_318 = tpu.memref_slice %arg5[%dma_start3A_316, %dma_start3A_317] : memref<5128x1024xf32, #tpu.memory_space<hbm>> -> memref<5128x1024xf32, #tpu.memory_space<hbm>>
    tpu.enqueue_indirect_dma source(%dma_start3A_312 : memref<32x1024xf32, #tpu.memory_space<vmem>>) target(%dma_start3A_318 : memref<5128x1024xf32, #tpu.memory_space<hbm>>) offsets(%dma_start3A_315 : memref<32xi32, #tpu.memory_space<vmem>>) semaphore(%arg11 : memref<!tpu.dma_semaphore, #tpu.memory_space<semaphore_mem>>)
    %dma_wait3A_319 = arith.constant 2 : i32
    %dma_wait3A_320 = arith.constant 0 : i32
    %dma_wait3A_321 = arith.constant 0 : i32
    %dma_wait3A_322 = tpu.memref_slice %arg8[%dma_wait3A_319, %dma_wait3A_320, %dma_wait3A_321] : memref<3x32x1024xf32, #tpu.memory_space<vmem>> -> memref<1x32x1024xf32, #tpu.memory_space<vmem>>
    %dma_wait3A_323 = tpu.memref_squeeze %dma_wait3A_322 : memref<1x32x1024xf32, #tpu.memory_space<vmem>> -> memref<32x1024xf32, #tpu.memory_space<vmem>>
    %dma_wait3A_324 = arith.constant 0 : i32
    %dma_wait3A_325 = tpu.memref_slice %arg2[%add3A_192, %dma_wait3A_324] : memref<4096x1024xf32, #tpu.memory_space<hbm>> -> memref<32x1024xf32, #tpu.memory_space<hbm>>
    %dma_wait3A_326 = arith.constant 0 : i32
    %dma_wait3A_327 = arith.constant 0 : i32
    %dma_wait3A_328 = tpu.memref_slice %arg8[%dma_wait3A_319, %dma_wait3A_326, %dma_wait3A_327] : memref<3x32x1024xf32, #tpu.memory_space<vmem>> -> memref<1x32x1024xf32, #tpu.memory_space<vmem>>
    %dma_wait3A_329 = tpu.memref_squeeze %dma_wait3A_328 : memref<1x32x1024xf32, #tpu.memory_space<vmem>> -> memref<32x1024xf32, #tpu.memory_space<vmem>>
    %dma_wait3A_330 = arith.constant 0 : i32
    %dma_wait3A_331 = tpu.memref_slice %arg2[%add3A_192, %dma_wait3A_330] : memref<4096x1024xf32, #tpu.memory_space<hbm>> -> memref<32x1024xf32, #tpu.memory_space<hbm>>
    tpu.wait_dma2 semaphore(%arg10 : memref<!tpu.dma_semaphore, #tpu.memory_space<semaphore_mem>>) src(%dma_wait3A_331 : memref<32x1024xf32, #tpu.memory_space<hbm>>) dst(%dma_wait3A_329 : memref<32x1024xf32, #tpu.memory_space<vmem>>)
    %dma_start3A_332 = arith.constant 2 : i32
    %dma_start3A_333 = arith.constant 2 : i32
    %dma_start3A_334 = arith.constant 0 : i32
    %dma_start3A_335 = arith.constant 0 : i32
    %dma_start3A_336 = tpu.memref_slice %arg8[%dma_start3A_332, %dma_start3A_334, %dma_start3A_335] : memref<3x32x1024xf32, #tpu.memory_space<vmem>> -> memref<1x32x1024xf32, #tpu.memory_space<vmem>>
    %dma_start3A_337 = tpu.memref_squeeze %dma_start3A_336 : memref<1x32x1024xf32, #tpu.memory_space<vmem>> -> memref<32x1024xf32, #tpu.memory_space<vmem>>
    %dma_start3A_338 = arith.constant 0 : i32
    %dma_start3A_339 = tpu.memref_slice %arg6[%dma_start3A_333, %dma_start3A_338] : memref<4x32xi32, #tpu.memory_space<vmem>> -> memref<1x32xi32, #tpu.memory_space<vmem>>
    %dma_start3A_340 = tpu.memref_squeeze %dma_start3A_339 : memref<1x32xi32, #tpu.memory_space<vmem>> -> memref<32xi32, #tpu.memory_space<vmem>>
    %dma_start3A_341 = arith.constant 0 : i32
    %dma_start3A_342 = arith.constant 0 : i32
    %dma_start3A_343 = tpu.memref_slice %arg5[%dma_start3A_341, %dma_start3A_342] : memref<5128x1024xf32, #tpu.memory_space<hbm>> -> memref<5128x1024xf32, #tpu.memory_space<hbm>>
    tpu.enqueue_indirect_dma source(%dma_start3A_337 : memref<32x1024xf32, #tpu.memory_space<vmem>>) target(%dma_start3A_343 : memref<5128x1024xf32, #tpu.memory_space<hbm>>) offsets(%dma_start3A_340 : memref<32xi32, #tpu.memory_space<vmem>>) semaphore(%arg11 : memref<!tpu.dma_semaphore, #tpu.memory_space<semaphore_mem>>)
    %dma_start3A_344 = arith.constant 2 : i32
    %dma_start3A_345 = arith.constant 2 : i32
    %dma_start3A_346 = arith.constant 0 : i32
    %dma_start3A_347 = arith.constant 0 : i32
    %dma_start3A_348 = tpu.memref_slice %arg8[%dma_start3A_344, %dma_start3A_346, %dma_start3A_347] : memref<3x32x1024xf32, #tpu.memory_space<vmem>> -> memref<1x32x1024xf32, #tpu.memory_space<vmem>>
    %dma_start3A_349 = tpu.memref_squeeze %dma_start3A_348 : memref<1x32x1024xf32, #tpu.memory_space<vmem>> -> memref<32x1024xf32, #tpu.memory_space<vmem>>
    %dma_start3A_350 = arith.constant 0 : i32
    %dma_start3A_351 = tpu.memref_slice %arg7[%dma_start3A_345, %dma_start3A_350] : memref<4x32xi32, #tpu.memory_space<vmem>> -> memref<1x32xi32, #tpu.memory_space<vmem>>
    %dma_start3A_352 = tpu.memref_squeeze %dma_start3A_351 : memref<1x32xi32, #tpu.memory_space<vmem>> -> memref<32xi32, #tpu.memory_space<vmem>>
    %dma_start3A_353 = arith.constant 0 : i32
    %dma_start3A_354 = arith.constant 0 : i32
    %dma_start3A_355 = tpu.memref_slice %arg5[%dma_start3A_353, %dma_start3A_354] : memref<5128x1024xf32, #tpu.memory_space<hbm>> -> memref<5128x1024xf32, #tpu.memory_space<hbm>>
    tpu.enqueue_indirect_dma source(%dma_start3A_349 : memref<32x1024xf32, #tpu.memory_space<vmem>>) target(%dma_start3A_355 : memref<5128x1024xf32, #tpu.memory_space<hbm>>) offsets(%dma_start3A_352 : memref<32xi32, #tpu.memory_space<vmem>>) semaphore(%arg11 : memref<!tpu.dma_semaphore, #tpu.memory_space<semaphore_mem>>)
    %dma_wait3A_356 = arith.constant 0 : i32
    %dma_wait3A_357 = arith.constant 0 : i32
    %dma_wait3A_358 = arith.constant 0 : i32
    %dma_wait3A_359 = tpu.memref_slice %arg8[%dma_wait3A_356, %dma_wait3A_357, %dma_wait3A_358] : memref<3x32x1024xf32, #tpu.memory_space<vmem>> -> memref<1x32x1024xf32, #tpu.memory_space<vmem>>
    %dma_wait3A_360 = tpu.memref_squeeze %dma_wait3A_359 : memref<1x32x1024xf32, #tpu.memory_space<vmem>> -> memref<32x1024xf32, #tpu.memory_space<vmem>>
    %dma_wait3A_361 = arith.constant 0 : i32
    %dma_wait3A_362 = tpu.memref_slice %arg2[%add3A_268, %dma_wait3A_361] : memref<4096x1024xf32, #tpu.memory_space<hbm>> -> memref<32x1024xf32, #tpu.memory_space<hbm>>
    %dma_wait3A_363 = arith.constant 0 : i32
    %dma_wait3A_364 = arith.constant 0 : i32
    %dma_wait3A_365 = tpu.memref_slice %arg8[%dma_wait3A_356, %dma_wait3A_363, %dma_wait3A_364] : memref<3x32x1024xf32, #tpu.memory_space<vmem>> -> memref<1x32x1024xf32, #tpu.memory_space<vmem>>
    %dma_wait3A_366 = tpu.memref_squeeze %dma_wait3A_365 : memref<1x32x1024xf32, #tpu.memory_space<vmem>> -> memref<32x1024xf32, #tpu.memory_space<vmem>>
    %dma_wait3A_367 = arith.constant 0 : i32
    %dma_wait3A_368 = tpu.memref_slice %arg2[%add3A_268, %dma_wait3A_367] : memref<4096x1024xf32, #tpu.memory_space<hbm>> -> memref<32x1024xf32, #tpu.memory_space<hbm>>
    tpu.wait_dma2 semaphore(%arg10 : memref<!tpu.dma_semaphore, #tpu.memory_space<semaphore_mem>>) src(%dma_wait3A_368 : memref<32x1024xf32, #tpu.memory_space<hbm>>) dst(%dma_wait3A_366 : memref<32x1024xf32, #tpu.memory_space<vmem>>)
    %dma_start3A_369 = arith.constant 0 : i32
    %dma_start3A_370 = arith.constant 3 : i32
    %dma_start3A_371 = arith.constant 0 : i32
    %dma_start3A_372 = arith.constant 0 : i32
    %dma_start3A_373 = tpu.memref_slice %arg8[%dma_start3A_369, %dma_start3A_371, %dma_start3A_372] : memref<3x32x1024xf32, #tpu.memory_space<vmem>> -> memref<1x32x1024xf32, #tpu.memory_space<vmem>>
    %dma_start3A_374 = tpu.memref_squeeze %dma_start3A_373 : memref<1x32x1024xf32, #tpu.memory_space<vmem>> -> memref<32x1024xf32, #tpu.memory_space<vmem>>
    %dma_start3A_375 = arith.constant 0 : i32
    %dma_start3A_376 = tpu.memref_slice %arg6[%dma_start3A_370, %dma_start3A_375] : memref<4x32xi32, #tpu.memory_space<vmem>> -> memref<1x32xi32, #tpu.memory_space<vmem>>
    %dma_start3A_377 = tpu.memref_squeeze %dma_start3A_376 : memref<1x32xi32, #tpu.memory_space<vmem>> -> memref<32xi32, #tpu.memory_space<vmem>>
    %dma_start3A_378 = arith.constant 0 : i32
    %dma_start3A_379 = arith.constant 0 : i32
    %dma_start3A_380 = tpu.memref_slice %arg5[%dma_start3A_378, %dma_start3A_379] : memref<5128x1024xf32, #tpu.memory_space<hbm>> -> memref<5128x1024xf32, #tpu.memory_space<hbm>>
    tpu.enqueue_indirect_dma source(%dma_start3A_374 : memref<32x1024xf32, #tpu.memory_space<vmem>>) target(%dma_start3A_380 : memref<5128x1024xf32, #tpu.memory_space<hbm>>) offsets(%dma_start3A_377 : memref<32xi32, #tpu.memory_space<vmem>>) semaphore(%arg11 : memref<!tpu.dma_semaphore, #tpu.memory_space<semaphore_mem>>)
    %dma_start3A_381 = arith.constant 0 : i32
    %dma_start3A_382 = arith.constant 3 : i32
    %dma_start3A_383 = arith.constant 0 : i32
    %dma_start3A_384 = arith.constant 0 : i32
    %dma_start3A_385 = tpu.memref_slice %arg8[%dma_start3A_381, %dma_start3A_383, %dma_start3A_384] : memref<3x32x1024xf32, #tpu.memory_space<vmem>> -> memref<1x32x1024xf32, #tpu.memory_space<vmem>>
    %dma_start3A_386 = tpu.memref_squeeze %dma_start3A_385 : memref<1x32x1024xf32, #tpu.memory_space<vmem>> -> memref<32x1024xf32, #tpu.memory_space<vmem>>
    %dma_start3A_387 = arith.constant 0 : i32
    %dma_start3A_388 = tpu.memref_slice %arg7[%dma_start3A_382, %dma_start3A_387] : memref<4x32xi32, #tpu.memory_space<vmem>> -> memref<1x32xi32, #tpu.memory_space<vmem>>
    %dma_start3A_389 = tpu.memref_squeeze %dma_start3A_388 : memref<1x32xi32, #tpu.memory_space<vmem>> -> memref<32xi32, #tpu.memory_space<vmem>>
    %dma_start3A_390 = arith.constant 0 : i32
    %dma_start3A_391 = arith.constant 0 : i32
    %dma_start3A_392 = tpu.memref_slice %arg5[%dma_start3A_390, %dma_start3A_391] : memref<5128x1024xf32, #tpu.memory_space<hbm>> -> memref<5128x1024xf32, #tpu.memory_space<hbm>>
    tpu.enqueue_indirect_dma source(%dma_start3A_386 : memref<32x1024xf32, #tpu.memory_space<vmem>>) target(%dma_start3A_392 : memref<5128x1024xf32, #tpu.memory_space<hbm>>) offsets(%dma_start3A_389 : memref<32xi32, #tpu.memory_space<vmem>>) semaphore(%arg11 : memref<!tpu.dma_semaphore, #tpu.memory_space<semaphore_mem>>)
    %dma_wait3A_393 = arith.constant 1 : i32
    %dma_wait3A_394 = arith.constant 1 : i32
    %dma_wait3A_395 = arith.constant 0 : i32
    %dma_wait3A_396 = arith.constant 0 : i32
    %dma_wait3A_397 = tpu.memref_slice %arg8[%dma_wait3A_393, %dma_wait3A_395, %dma_wait3A_396] : memref<3x32x1024xf32, #tpu.memory_space<vmem>> -> memref<1x32x1024xf32, #tpu.memory_space<vmem>>
    %dma_wait3A_398 = tpu.memref_squeeze %dma_wait3A_397 : memref<1x32x1024xf32, #tpu.memory_space<vmem>> -> memref<32x1024xf32, #tpu.memory_space<vmem>>
    %dma_wait3A_399 = arith.constant 0 : i32
    %dma_wait3A_400 = tpu.memref_slice %arg6[%dma_wait3A_394, %dma_wait3A_399] : memref<4x32xi32, #tpu.memory_space<vmem>> -> memref<1x32xi32, #tpu.memory_space<vmem>>
    %dma_wait3A_401 = tpu.memref_squeeze %dma_wait3A_400 : memref<1x32xi32, #tpu.memory_space<vmem>> -> memref<32xi32, #tpu.memory_space<vmem>>
    %dma_wait3A_402 = arith.constant 0 : i32
    %dma_wait3A_403 = arith.constant 0 : i32
    %dma_wait3A_404 = tpu.memref_slice %arg5[%dma_wait3A_402, %dma_wait3A_403] : memref<5128x1024xf32, #tpu.memory_space<hbm>> -> memref<5128x1024xf32, #tpu.memory_space<hbm>>
    tpu.wait_indirect_dma semaphore(%arg11 : memref<!tpu.dma_semaphore, #tpu.memory_space<semaphore_mem>>) src(%dma_wait3A_398 : memref<32x1024xf32, #tpu.memory_space<vmem>>) dst(%dma_wait3A_404 : memref<5128x1024xf32, #tpu.memory_space<hbm>>)
    %dma_wait3A_405 = arith.constant 1 : i32
    %dma_wait3A_406 = arith.constant 1 : i32
    %dma_wait3A_407 = arith.constant 0 : i32
    %dma_wait3A_408 = arith.constant 0 : i32
    %dma_wait3A_409 = tpu.memref_slice %arg8[%dma_wait3A_405, %dma_wait3A_407, %dma_wait3A_408] : memref<3x32x1024xf32, #tpu.memory_space<vmem>> -> memref<1x32x1024xf32, #tpu.memory_space<vmem>>
    %dma_wait3A_410 = tpu.memref_squeeze %dma_wait3A_409 : memref<1x32x1024xf32, #tpu.memory_space<vmem>> -> memref<32x1024xf32, #tpu.memory_space<vmem>>
    %dma_wait3A_411 = arith.constant 0 : i32
    %dma_wait3A_412 = tpu.memref_slice %arg7[%dma_wait3A_406, %dma_wait3A_411] : memref<4x32xi32, #tpu.memory_space<vmem>> -> memref<1x32xi32, #tpu.memory_space<vmem>>
    %dma_wait3A_413 = tpu.memref_squeeze %dma_wait3A_412 : memref<1x32xi32, #tpu.memory_space<vmem>> -> memref<32xi32, #tpu.memory_space<vmem>>
    %dma_wait3A_414 = arith.constant 0 : i32
    %dma_wait3A_415 = arith.constant 0 : i32
    %dma_wait3A_416 = tpu.memref_slice %arg5[%dma_wait3A_414, %dma_wait3A_415] : memref<5128x1024xf32, #tpu.memory_space<hbm>> -> memref<5128x1024xf32, #tpu.memory_space<hbm>>
    tpu.wait_indirect_dma semaphore(%arg11 : memref<!tpu.dma_semaphore, #tpu.memory_space<semaphore_mem>>) src(%dma_wait3A_410 : memref<32x1024xf32, #tpu.memory_space<vmem>>) dst(%dma_wait3A_416 : memref<5128x1024xf32, #tpu.memory_space<hbm>>)
    %dma_wait3A_417 = arith.constant 2 : i32
    %dma_wait3A_418 = arith.constant 2 : i32
    %dma_wait3A_419 = arith.constant 0 : i32
    %dma_wait3A_420 = arith.constant 0 : i32
    %dma_wait3A_421 = tpu.memref_slice %arg8[%dma_wait3A_417, %dma_wait3A_419, %dma_wait3A_420] : memref<3x32x1024xf32, #tpu.memory_space<vmem>> -> memref<1x32x1024xf32, #tpu.memory_space<vmem>>
    %dma_wait3A_422 = tpu.memref_squeeze %dma_wait3A_421 : memref<1x32x1024xf32, #tpu.memory_space<vmem>> -> memref<32x1024xf32, #tpu.memory_space<vmem>>
    %dma_wait3A_423 = arith.constant 0 : i32
    %dma_wait3A_424 = tpu.memref_slice %arg6[%dma_wait3A_418, %dma_wait3A_423] : memref<4x32xi32, #tpu.memory_space<vmem>> -> memref<1x32xi32, #tpu.memory_space<vmem>>
    %dma_wait3A_425 = tpu.memref_squeeze %dma_wait3A_424 : memref<1x32xi32, #tpu.memory_space<vmem>> -> memref<32xi32, #tpu.memory_space<vmem>>
    %dma_wait3A_426 = arith.constant 0 : i32
    %dma_wait3A_427 = arith.constant 0 : i32
    %dma_wait3A_428 = tpu.memref_slice %arg5[%dma_wait3A_426, %dma_wait3A_427] : memref<5128x1024xf32, #tpu.memory_space<hbm>> -> memref<5128x1024xf32, #tpu.memory_space<hbm>>
    tpu.wait_indirect_dma semaphore(%arg11 : memref<!tpu.dma_semaphore, #tpu.memory_space<semaphore_mem>>) src(%dma_wait3A_422 : memref<32x1024xf32, #tpu.memory_space<vmem>>) dst(%dma_wait3A_428 : memref<5128x1024xf32, #tpu.memory_space<hbm>>)
    %dma_wait3A_429 = arith.constant 2 : i32
    %dma_wait3A_430 = arith.constant 2 : i32
    %dma_wait3A_431 = arith.constant 0 : i32
    %dma_wait3A_432 = arith.constant 0 : i32
    %dma_wait3A_433 = tpu.memref_slice %arg8[%dma_wait3A_429, %dma_wait3A_431, %dma_wait3A_432] : memref<3x32x1024xf32, #tpu.memory_space<vmem>> -> memref<1x32x1024xf32, #tpu.memory_space<vmem>>
    %dma_wait3A_434 = tpu.memref_squeeze %dma_wait3A_433 : memref<1x32x1024xf32, #tpu.memory_space<vmem>> -> memref<32x1024xf32, #tpu.memory_space<vmem>>
    %dma_wait3A_435 = arith.constant 0 : i32
    %dma_wait3A_436 = tpu.memref_slice %arg7[%dma_wait3A_430, %dma_wait3A_435] : memref<4x32xi32, #tpu.memory_space<vmem>> -> memref<1x32xi32, #tpu.memory_space<vmem>>
    %dma_wait3A_437 = tpu.memref_squeeze %dma_wait3A_436 : memref<1x32xi32, #tpu.memory_space<vmem>> -> memref<32xi32, #tpu.memory_space<vmem>>
    %dma_wait3A_438 = arith.constant 0 : i32
    %dma_wait3A_439 = arith.constant 0 : i32
    %dma_wait3A_440 = tpu.memref_slice %arg5[%dma_wait3A_438, %dma_wait3A_439] : memref<5128x1024xf32, #tpu.memory_space<hbm>> -> memref<5128x1024xf32, #tpu.memory_space<hbm>>
    tpu.wait_indirect_dma semaphore(%arg11 : memref<!tpu.dma_semaphore, #tpu.memory_space<semaphore_mem>>) src(%dma_wait3A_434 : memref<32x1024xf32, #tpu.memory_space<vmem>>) dst(%dma_wait3A_440 : memref<5128x1024xf32, #tpu.memory_space<hbm>>)
    %dma_wait3A_441 = arith.constant 0 : i32
    %dma_wait3A_442 = arith.constant 3 : i32
    %dma_wait3A_443 = arith.constant 0 : i32
    %dma_wait3A_444 = arith.constant 0 : i32
    %dma_wait3A_445 = tpu.memref_slice %arg8[%dma_wait3A_441, %dma_wait3A_443, %dma_wait3A_444] : memref<3x32x1024xf32, #tpu.memory_space<vmem>> -> memref<1x32x1024xf32, #tpu.memory_space<vmem>>
    %dma_wait3A_446 = tpu.memref_squeeze %dma_wait3A_445 : memref<1x32x1024xf32, #tpu.memory_space<vmem>> -> memref<32x1024xf32, #tpu.memory_space<vmem>>
    %dma_wait3A_447 = arith.constant 0 : i32
    %dma_wait3A_448 = tpu.memref_slice %arg6[%dma_wait3A_442, %dma_wait3A_447] : memref<4x32xi32, #tpu.memory_space<vmem>> -> memref<1x32xi32, #tpu.memory_space<vmem>>
    %dma_wait3A_449 = tpu.memref_squeeze %dma_wait3A_448 : memref<1x32xi32, #tpu.memory_space<vmem>> -> memref<32xi32, #tpu.memory_space<vmem>>
    %dma_wait3A_450 = arith.constant 0 : i32
    %dma_wait3A_451 = arith.constant 0 : i32
    %dma_wait3A_452 = tpu.memref_slice %arg5[%dma_wait3A_450, %dma_wait3A_451] : memref<5128x1024xf32, #tpu.memory_space<hbm>> -> memref<5128x1024xf32, #tpu.memory_space<hbm>>
    tpu.wait_indirect_dma semaphore(%arg11 : memref<!tpu.dma_semaphore, #tpu.memory_space<semaphore_mem>>) src(%dma_wait3A_446 : memref<32x1024xf32, #tpu.memory_space<vmem>>) dst(%dma_wait3A_452 : memref<5128x1024xf32, #tpu.memory_space<hbm>>)
    %dma_wait3A_453 = arith.constant 0 : i32
    %dma_wait3A_454 = arith.constant 3 : i32
    %dma_wait3A_455 = arith.constant 0 : i32
    %dma_wait3A_456 = arith.constant 0 : i32
    %dma_wait3A_457 = tpu.memref_slice %arg8[%dma_wait3A_453, %dma_wait3A_455, %dma_wait3A_456] : memref<3x32x1024xf32, #tpu.memory_space<vmem>> -> memref<1x32x1024xf32, #tpu.memory_space<vmem>>
    %dma_wait3A_458 = tpu.memref_squeeze %dma_wait3A_457 : memref<1x32x1024xf32, #tpu.memory_space<vmem>> -> memref<32x1024xf32, #tpu.memory_space<vmem>>
    %dma_wait3A_459 = arith.constant 0 : i32
    %dma_wait3A_460 = tpu.memref_slice %arg7[%dma_wait3A_454, %dma_wait3A_459] : memref<4x32xi32, #tpu.memory_space<vmem>> -> memref<1x32xi32, #tpu.memory_space<vmem>>
    %dma_wait3A_461 = tpu.memref_squeeze %dma_wait3A_460 : memref<1x32xi32, #tpu.memory_space<vmem>> -> memref<32xi32, #tpu.memory_space<vmem>>
    %dma_wait3A_462 = arith.constant 0 : i32
    %dma_wait3A_463 = arith.constant 0 : i32
    %dma_wait3A_464 = tpu.memref_slice %arg5[%dma_wait3A_462, %dma_wait3A_463] : memref<5128x1024xf32, #tpu.memory_space<hbm>> -> memref<5128x1024xf32, #tpu.memory_space<hbm>>
    tpu.wait_indirect_dma semaphore(%arg11 : memref<!tpu.dma_semaphore, #tpu.memory_space<semaphore_mem>>) src(%dma_wait3A_458 : memref<32x1024xf32, #tpu.memory_space<vmem>>) dst(%dma_wait3A_464 : memref<5128x1024xf32, #tpu.memory_space<hbm>>)
    return
  }
}

#map = affine_map<(d0, d1) -> (0, 0)>
#map1 = affine_map<(d0, d1) -> (0)>
module attributes {stable_mosaic.version = 14 : i64} {
  func.func @_comb_body(%arg0: i32, %arg1: i32, %arg2: memref<5120x1024xf32, #tpu.memory_space<hbm>>, %arg3: memref<4096xi32, #tpu.memory_space<hbm>>, %arg4: memref<4096xi32, #tpu.memory_space<hbm>>, %arg5: memref<4096x1024xf32, #tpu.memory_space<hbm>>, %arg6: memref<4096x1024xf32, #tpu.memory_space<hbm>>, %arg7: memref<8x32xi32, #tpu.memory_space<vmem>>, %arg8: memref<3x32x1024xf32, #tpu.memory_space<vmem>>, %arg9: memref<!tpu.dma_semaphore, #tpu.memory_space<semaphore_mem>>, %arg10: memref<!tpu.dma_semaphore, #tpu.memory_space<semaphore_mem>>, %arg11: memref<!tpu.dma_semaphore, #tpu.memory_space<semaphore_mem>>) attributes {dimension_semantics = [#tpu.dimension_semantics<core_parallel>, #tpu.dimension_semantics<subcore_parallel>], iteration_bounds = array<i64: 2, 16>, scalar_prefetch = 0 : i64, scratch_operands = 5 : i64, tpu.core_type = #tpu.core_type<sc_vector_subcore>, window_params = [{transform_indices = #map}, {transform_indices = #map1}, {transform_indices = #map1}, {transform_indices = #map}, {transform_indices = #map}]} {
    %mul3A = arith.constant 2 : i32
    %mul3A_0 = arith.muli %arg1, %mul3A : i32
    %add3A = arith.addi %mul3A_0, %arg0 : i32
    %mul3A_1 = arith.constant 128 : i32
    %mul3A_2 = arith.muli %add3A, %mul3A_1 : i32
    %add3A_3 = arith.constant 0 : i32
    %add3A_4 = arith.addi %mul3A_2, %add3A_3 : i32
    %dma_start3A = arith.constant 0 : i32
    %dma_start3A_5 = arith.constant 0 : i32
    %dma_start3A_6 = tpu.memref_slice %arg7[%dma_start3A, %dma_start3A_5] : memref<8x32xi32, #tpu.memory_space<vmem>> -> memref<1x32xi32, #tpu.memory_space<vmem>>
    %dma_start3A_7 = tpu.memref_squeeze %dma_start3A_6 : memref<1x32xi32, #tpu.memory_space<vmem>> -> memref<32xi32, #tpu.memory_space<vmem>>
    %dma_start3A_8 = tpu.memref_slice %arg3[%add3A_4] : memref<4096xi32, #tpu.memory_space<hbm>> -> memref<32xi32, #tpu.memory_space<hbm>>
    %dma_start3A_9 = arith.constant 0 : i32
    %dma_start3A_10 = tpu.memref_slice %arg7[%dma_start3A, %dma_start3A_9] : memref<8x32xi32, #tpu.memory_space<vmem>> -> memref<1x32xi32, #tpu.memory_space<vmem>>
    %dma_start3A_11 = tpu.memref_squeeze %dma_start3A_10 : memref<1x32xi32, #tpu.memory_space<vmem>> -> memref<32xi32, #tpu.memory_space<vmem>>
    %dma_start3A_12 = tpu.memref_slice %arg3[%add3A_4] : memref<4096xi32, #tpu.memory_space<hbm>> -> memref<32xi32, #tpu.memory_space<hbm>>
    tpu.enqueue_dma source(%dma_start3A_12 : memref<32xi32, #tpu.memory_space<hbm>>) target(%dma_start3A_11 : memref<32xi32, #tpu.memory_space<vmem>>) target_semaphore(%arg9 : memref<!tpu.dma_semaphore, #tpu.memory_space<semaphore_mem>>)
    %add3A_13 = arith.constant 0 : i32
    %add3A_14 = arith.addi %mul3A_2, %add3A_13 : i32
    %dma_start3A_15 = arith.constant 1 : i32
    %dma_start3A_16 = arith.constant 0 : i32
    %dma_start3A_17 = tpu.memref_slice %arg7[%dma_start3A_15, %dma_start3A_16] : memref<8x32xi32, #tpu.memory_space<vmem>> -> memref<1x32xi32, #tpu.memory_space<vmem>>
    %dma_start3A_18 = tpu.memref_squeeze %dma_start3A_17 : memref<1x32xi32, #tpu.memory_space<vmem>> -> memref<32xi32, #tpu.memory_space<vmem>>
    %dma_start3A_19 = tpu.memref_slice %arg4[%add3A_14] : memref<4096xi32, #tpu.memory_space<hbm>> -> memref<32xi32, #tpu.memory_space<hbm>>
    %dma_start3A_20 = arith.constant 0 : i32
    %dma_start3A_21 = tpu.memref_slice %arg7[%dma_start3A_15, %dma_start3A_20] : memref<8x32xi32, #tpu.memory_space<vmem>> -> memref<1x32xi32, #tpu.memory_space<vmem>>
    %dma_start3A_22 = tpu.memref_squeeze %dma_start3A_21 : memref<1x32xi32, #tpu.memory_space<vmem>> -> memref<32xi32, #tpu.memory_space<vmem>>
    %dma_start3A_23 = tpu.memref_slice %arg4[%add3A_14] : memref<4096xi32, #tpu.memory_space<hbm>> -> memref<32xi32, #tpu.memory_space<hbm>>
    tpu.enqueue_dma source(%dma_start3A_23 : memref<32xi32, #tpu.memory_space<hbm>>) target(%dma_start3A_22 : memref<32xi32, #tpu.memory_space<vmem>>) target_semaphore(%arg9 : memref<!tpu.dma_semaphore, #tpu.memory_space<semaphore_mem>>)
    %add3A_24 = arith.constant 32 : i32
    %add3A_25 = arith.addi %mul3A_2, %add3A_24 : i32
    %dma_start3A_26 = arith.constant 2 : i32
    %dma_start3A_27 = arith.constant 0 : i32
    %dma_start3A_28 = tpu.memref_slice %arg7[%dma_start3A_26, %dma_start3A_27] : memref<8x32xi32, #tpu.memory_space<vmem>> -> memref<1x32xi32, #tpu.memory_space<vmem>>
    %dma_start3A_29 = tpu.memref_squeeze %dma_start3A_28 : memref<1x32xi32, #tpu.memory_space<vmem>> -> memref<32xi32, #tpu.memory_space<vmem>>
    %dma_start3A_30 = tpu.memref_slice %arg3[%add3A_25] : memref<4096xi32, #tpu.memory_space<hbm>> -> memref<32xi32, #tpu.memory_space<hbm>>
    %dma_start3A_31 = arith.constant 0 : i32
    %dma_start3A_32 = tpu.memref_slice %arg7[%dma_start3A_26, %dma_start3A_31] : memref<8x32xi32, #tpu.memory_space<vmem>> -> memref<1x32xi32, #tpu.memory_space<vmem>>
    %dma_start3A_33 = tpu.memref_squeeze %dma_start3A_32 : memref<1x32xi32, #tpu.memory_space<vmem>> -> memref<32xi32, #tpu.memory_space<vmem>>
    %dma_start3A_34 = tpu.memref_slice %arg3[%add3A_25] : memref<4096xi32, #tpu.memory_space<hbm>> -> memref<32xi32, #tpu.memory_space<hbm>>
    tpu.enqueue_dma source(%dma_start3A_34 : memref<32xi32, #tpu.memory_space<hbm>>) target(%dma_start3A_33 : memref<32xi32, #tpu.memory_space<vmem>>) target_semaphore(%arg9 : memref<!tpu.dma_semaphore, #tpu.memory_space<semaphore_mem>>)
    %add3A_35 = arith.constant 32 : i32
    %add3A_36 = arith.addi %mul3A_2, %add3A_35 : i32
    %dma_start3A_37 = arith.constant 3 : i32
    %dma_start3A_38 = arith.constant 0 : i32
    %dma_start3A_39 = tpu.memref_slice %arg7[%dma_start3A_37, %dma_start3A_38] : memref<8x32xi32, #tpu.memory_space<vmem>> -> memref<1x32xi32, #tpu.memory_space<vmem>>
    %dma_start3A_40 = tpu.memref_squeeze %dma_start3A_39 : memref<1x32xi32, #tpu.memory_space<vmem>> -> memref<32xi32, #tpu.memory_space<vmem>>
    %dma_start3A_41 = tpu.memref_slice %arg4[%add3A_36] : memref<4096xi32, #tpu.memory_space<hbm>> -> memref<32xi32, #tpu.memory_space<hbm>>
    %dma_start3A_42 = arith.constant 0 : i32
    %dma_start3A_43 = tpu.memref_slice %arg7[%dma_start3A_37, %dma_start3A_42] : memref<8x32xi32, #tpu.memory_space<vmem>> -> memref<1x32xi32, #tpu.memory_space<vmem>>
    %dma_start3A_44 = tpu.memref_squeeze %dma_start3A_43 : memref<1x32xi32, #tpu.memory_space<vmem>> -> memref<32xi32, #tpu.memory_space<vmem>>
    %dma_start3A_45 = tpu.memref_slice %arg4[%add3A_36] : memref<4096xi32, #tpu.memory_space<hbm>> -> memref<32xi32, #tpu.memory_space<hbm>>
    tpu.enqueue_dma source(%dma_start3A_45 : memref<32xi32, #tpu.memory_space<hbm>>) target(%dma_start3A_44 : memref<32xi32, #tpu.memory_space<vmem>>) target_semaphore(%arg9 : memref<!tpu.dma_semaphore, #tpu.memory_space<semaphore_mem>>)
    %add3A_46 = arith.constant 64 : i32
    %add3A_47 = arith.addi %mul3A_2, %add3A_46 : i32
    %dma_start3A_48 = arith.constant 4 : i32
    %dma_start3A_49 = arith.constant 0 : i32
    %dma_start3A_50 = tpu.memref_slice %arg7[%dma_start3A_48, %dma_start3A_49] : memref<8x32xi32, #tpu.memory_space<vmem>> -> memref<1x32xi32, #tpu.memory_space<vmem>>
    %dma_start3A_51 = tpu.memref_squeeze %dma_start3A_50 : memref<1x32xi32, #tpu.memory_space<vmem>> -> memref<32xi32, #tpu.memory_space<vmem>>
    %dma_start3A_52 = tpu.memref_slice %arg3[%add3A_47] : memref<4096xi32, #tpu.memory_space<hbm>> -> memref<32xi32, #tpu.memory_space<hbm>>
    %dma_start3A_53 = arith.constant 0 : i32
    %dma_start3A_54 = tpu.memref_slice %arg7[%dma_start3A_48, %dma_start3A_53] : memref<8x32xi32, #tpu.memory_space<vmem>> -> memref<1x32xi32, #tpu.memory_space<vmem>>
    %dma_start3A_55 = tpu.memref_squeeze %dma_start3A_54 : memref<1x32xi32, #tpu.memory_space<vmem>> -> memref<32xi32, #tpu.memory_space<vmem>>
    %dma_start3A_56 = tpu.memref_slice %arg3[%add3A_47] : memref<4096xi32, #tpu.memory_space<hbm>> -> memref<32xi32, #tpu.memory_space<hbm>>
    tpu.enqueue_dma source(%dma_start3A_56 : memref<32xi32, #tpu.memory_space<hbm>>) target(%dma_start3A_55 : memref<32xi32, #tpu.memory_space<vmem>>) target_semaphore(%arg9 : memref<!tpu.dma_semaphore, #tpu.memory_space<semaphore_mem>>)
    %add3A_57 = arith.constant 64 : i32
    %add3A_58 = arith.addi %mul3A_2, %add3A_57 : i32
    %dma_start3A_59 = arith.constant 5 : i32
    %dma_start3A_60 = arith.constant 0 : i32
    %dma_start3A_61 = tpu.memref_slice %arg7[%dma_start3A_59, %dma_start3A_60] : memref<8x32xi32, #tpu.memory_space<vmem>> -> memref<1x32xi32, #tpu.memory_space<vmem>>
    %dma_start3A_62 = tpu.memref_squeeze %dma_start3A_61 : memref<1x32xi32, #tpu.memory_space<vmem>> -> memref<32xi32, #tpu.memory_space<vmem>>
    %dma_start3A_63 = tpu.memref_slice %arg4[%add3A_58] : memref<4096xi32, #tpu.memory_space<hbm>> -> memref<32xi32, #tpu.memory_space<hbm>>
    %dma_start3A_64 = arith.constant 0 : i32
    %dma_start3A_65 = tpu.memref_slice %arg7[%dma_start3A_59, %dma_start3A_64] : memref<8x32xi32, #tpu.memory_space<vmem>> -> memref<1x32xi32, #tpu.memory_space<vmem>>
    %dma_start3A_66 = tpu.memref_squeeze %dma_start3A_65 : memref<1x32xi32, #tpu.memory_space<vmem>> -> memref<32xi32, #tpu.memory_space<vmem>>
    %dma_start3A_67 = tpu.memref_slice %arg4[%add3A_58] : memref<4096xi32, #tpu.memory_space<hbm>> -> memref<32xi32, #tpu.memory_space<hbm>>
    tpu.enqueue_dma source(%dma_start3A_67 : memref<32xi32, #tpu.memory_space<hbm>>) target(%dma_start3A_66 : memref<32xi32, #tpu.memory_space<vmem>>) target_semaphore(%arg9 : memref<!tpu.dma_semaphore, #tpu.memory_space<semaphore_mem>>)
    %add3A_68 = arith.constant 96 : i32
    %add3A_69 = arith.addi %mul3A_2, %add3A_68 : i32
    %dma_start3A_70 = arith.constant 6 : i32
    %dma_start3A_71 = arith.constant 0 : i32
    %dma_start3A_72 = tpu.memref_slice %arg7[%dma_start3A_70, %dma_start3A_71] : memref<8x32xi32, #tpu.memory_space<vmem>> -> memref<1x32xi32, #tpu.memory_space<vmem>>
    %dma_start3A_73 = tpu.memref_squeeze %dma_start3A_72 : memref<1x32xi32, #tpu.memory_space<vmem>> -> memref<32xi32, #tpu.memory_space<vmem>>
    %dma_start3A_74 = tpu.memref_slice %arg3[%add3A_69] : memref<4096xi32, #tpu.memory_space<hbm>> -> memref<32xi32, #tpu.memory_space<hbm>>
    %dma_start3A_75 = arith.constant 0 : i32
    %dma_start3A_76 = tpu.memref_slice %arg7[%dma_start3A_70, %dma_start3A_75] : memref<8x32xi32, #tpu.memory_space<vmem>> -> memref<1x32xi32, #tpu.memory_space<vmem>>
    %dma_start3A_77 = tpu.memref_squeeze %dma_start3A_76 : memref<1x32xi32, #tpu.memory_space<vmem>> -> memref<32xi32, #tpu.memory_space<vmem>>
    %dma_start3A_78 = tpu.memref_slice %arg3[%add3A_69] : memref<4096xi32, #tpu.memory_space<hbm>> -> memref<32xi32, #tpu.memory_space<hbm>>
    tpu.enqueue_dma source(%dma_start3A_78 : memref<32xi32, #tpu.memory_space<hbm>>) target(%dma_start3A_77 : memref<32xi32, #tpu.memory_space<vmem>>) target_semaphore(%arg9 : memref<!tpu.dma_semaphore, #tpu.memory_space<semaphore_mem>>)
    %add3A_79 = arith.constant 96 : i32
    %add3A_80 = arith.addi %mul3A_2, %add3A_79 : i32
    %dma_start3A_81 = arith.constant 7 : i32
    %dma_start3A_82 = arith.constant 0 : i32
    %dma_start3A_83 = tpu.memref_slice %arg7[%dma_start3A_81, %dma_start3A_82] : memref<8x32xi32, #tpu.memory_space<vmem>> -> memref<1x32xi32, #tpu.memory_space<vmem>>
    %dma_start3A_84 = tpu.memref_squeeze %dma_start3A_83 : memref<1x32xi32, #tpu.memory_space<vmem>> -> memref<32xi32, #tpu.memory_space<vmem>>
    %dma_start3A_85 = tpu.memref_slice %arg4[%add3A_80] : memref<4096xi32, #tpu.memory_space<hbm>> -> memref<32xi32, #tpu.memory_space<hbm>>
    %dma_start3A_86 = arith.constant 0 : i32
    %dma_start3A_87 = tpu.memref_slice %arg7[%dma_start3A_81, %dma_start3A_86] : memref<8x32xi32, #tpu.memory_space<vmem>> -> memref<1x32xi32, #tpu.memory_space<vmem>>
    %dma_start3A_88 = tpu.memref_squeeze %dma_start3A_87 : memref<1x32xi32, #tpu.memory_space<vmem>> -> memref<32xi32, #tpu.memory_space<vmem>>
    %dma_start3A_89 = tpu.memref_slice %arg4[%add3A_80] : memref<4096xi32, #tpu.memory_space<hbm>> -> memref<32xi32, #tpu.memory_space<hbm>>
    tpu.enqueue_dma source(%dma_start3A_89 : memref<32xi32, #tpu.memory_space<hbm>>) target(%dma_start3A_88 : memref<32xi32, #tpu.memory_space<vmem>>) target_semaphore(%arg9 : memref<!tpu.dma_semaphore, #tpu.memory_space<semaphore_mem>>)
    %dma_wait3A = arith.constant 0 : i32
    %dma_wait3A_90 = arith.constant 0 : i32
    %dma_wait3A_91 = tpu.memref_slice %arg7[%dma_wait3A, %dma_wait3A_90] : memref<8x32xi32, #tpu.memory_space<vmem>> -> memref<1x32xi32, #tpu.memory_space<vmem>>
    %dma_wait3A_92 = tpu.memref_squeeze %dma_wait3A_91 : memref<1x32xi32, #tpu.memory_space<vmem>> -> memref<32xi32, #tpu.memory_space<vmem>>
    %dma_wait3A_93 = tpu.memref_slice %arg3[%add3A_4] : memref<4096xi32, #tpu.memory_space<hbm>> -> memref<32xi32, #tpu.memory_space<hbm>>
    %dma_wait3A_94 = arith.constant 0 : i32
    %dma_wait3A_95 = tpu.memref_slice %arg7[%dma_wait3A, %dma_wait3A_94] : memref<8x32xi32, #tpu.memory_space<vmem>> -> memref<1x32xi32, #tpu.memory_space<vmem>>
    %dma_wait3A_96 = tpu.memref_squeeze %dma_wait3A_95 : memref<1x32xi32, #tpu.memory_space<vmem>> -> memref<32xi32, #tpu.memory_space<vmem>>
    %dma_wait3A_97 = tpu.memref_slice %arg3[%add3A_4] : memref<4096xi32, #tpu.memory_space<hbm>> -> memref<32xi32, #tpu.memory_space<hbm>>
    tpu.wait_dma2 semaphore(%arg9 : memref<!tpu.dma_semaphore, #tpu.memory_space<semaphore_mem>>) src(%dma_wait3A_97 : memref<32xi32, #tpu.memory_space<hbm>>) dst(%dma_wait3A_96 : memref<32xi32, #tpu.memory_space<vmem>>)
    %dma_wait3A_98 = arith.constant 1 : i32
    %dma_wait3A_99 = arith.constant 0 : i32
    %dma_wait3A_100 = tpu.memref_slice %arg7[%dma_wait3A_98, %dma_wait3A_99] : memref<8x32xi32, #tpu.memory_space<vmem>> -> memref<1x32xi32, #tpu.memory_space<vmem>>
    %dma_wait3A_101 = tpu.memref_squeeze %dma_wait3A_100 : memref<1x32xi32, #tpu.memory_space<vmem>> -> memref<32xi32, #tpu.memory_space<vmem>>
    %dma_wait3A_102 = tpu.memref_slice %arg4[%add3A_14] : memref<4096xi32, #tpu.memory_space<hbm>> -> memref<32xi32, #tpu.memory_space<hbm>>
    %dma_wait3A_103 = arith.constant 0 : i32
    %dma_wait3A_104 = tpu.memref_slice %arg7[%dma_wait3A_98, %dma_wait3A_103] : memref<8x32xi32, #tpu.memory_space<vmem>> -> memref<1x32xi32, #tpu.memory_space<vmem>>
    %dma_wait3A_105 = tpu.memref_squeeze %dma_wait3A_104 : memref<1x32xi32, #tpu.memory_space<vmem>> -> memref<32xi32, #tpu.memory_space<vmem>>
    %dma_wait3A_106 = tpu.memref_slice %arg4[%add3A_14] : memref<4096xi32, #tpu.memory_space<hbm>> -> memref<32xi32, #tpu.memory_space<hbm>>
    tpu.wait_dma2 semaphore(%arg9 : memref<!tpu.dma_semaphore, #tpu.memory_space<semaphore_mem>>) src(%dma_wait3A_106 : memref<32xi32, #tpu.memory_space<hbm>>) dst(%dma_wait3A_105 : memref<32xi32, #tpu.memory_space<vmem>>)
    %dma_wait3A_107 = arith.constant 2 : i32
    %dma_wait3A_108 = arith.constant 0 : i32
    %dma_wait3A_109 = tpu.memref_slice %arg7[%dma_wait3A_107, %dma_wait3A_108] : memref<8x32xi32, #tpu.memory_space<vmem>> -> memref<1x32xi32, #tpu.memory_space<vmem>>
    %dma_wait3A_110 = tpu.memref_squeeze %dma_wait3A_109 : memref<1x32xi32, #tpu.memory_space<vmem>> -> memref<32xi32, #tpu.memory_space<vmem>>
    %dma_wait3A_111 = tpu.memref_slice %arg3[%add3A_25] : memref<4096xi32, #tpu.memory_space<hbm>> -> memref<32xi32, #tpu.memory_space<hbm>>
    %dma_wait3A_112 = arith.constant 0 : i32
    %dma_wait3A_113 = tpu.memref_slice %arg7[%dma_wait3A_107, %dma_wait3A_112] : memref<8x32xi32, #tpu.memory_space<vmem>> -> memref<1x32xi32, #tpu.memory_space<vmem>>
    %dma_wait3A_114 = tpu.memref_squeeze %dma_wait3A_113 : memref<1x32xi32, #tpu.memory_space<vmem>> -> memref<32xi32, #tpu.memory_space<vmem>>
    %dma_wait3A_115 = tpu.memref_slice %arg3[%add3A_25] : memref<4096xi32, #tpu.memory_space<hbm>> -> memref<32xi32, #tpu.memory_space<hbm>>
    tpu.wait_dma2 semaphore(%arg9 : memref<!tpu.dma_semaphore, #tpu.memory_space<semaphore_mem>>) src(%dma_wait3A_115 : memref<32xi32, #tpu.memory_space<hbm>>) dst(%dma_wait3A_114 : memref<32xi32, #tpu.memory_space<vmem>>)
    %dma_wait3A_116 = arith.constant 3 : i32
    %dma_wait3A_117 = arith.constant 0 : i32
    %dma_wait3A_118 = tpu.memref_slice %arg7[%dma_wait3A_116, %dma_wait3A_117] : memref<8x32xi32, #tpu.memory_space<vmem>> -> memref<1x32xi32, #tpu.memory_space<vmem>>
    %dma_wait3A_119 = tpu.memref_squeeze %dma_wait3A_118 : memref<1x32xi32, #tpu.memory_space<vmem>> -> memref<32xi32, #tpu.memory_space<vmem>>
    %dma_wait3A_120 = tpu.memref_slice %arg4[%add3A_36] : memref<4096xi32, #tpu.memory_space<hbm>> -> memref<32xi32, #tpu.memory_space<hbm>>
    %dma_wait3A_121 = arith.constant 0 : i32
    %dma_wait3A_122 = tpu.memref_slice %arg7[%dma_wait3A_116, %dma_wait3A_121] : memref<8x32xi32, #tpu.memory_space<vmem>> -> memref<1x32xi32, #tpu.memory_space<vmem>>
    %dma_wait3A_123 = tpu.memref_squeeze %dma_wait3A_122 : memref<1x32xi32, #tpu.memory_space<vmem>> -> memref<32xi32, #tpu.memory_space<vmem>>
    %dma_wait3A_124 = tpu.memref_slice %arg4[%add3A_36] : memref<4096xi32, #tpu.memory_space<hbm>> -> memref<32xi32, #tpu.memory_space<hbm>>
    tpu.wait_dma2 semaphore(%arg9 : memref<!tpu.dma_semaphore, #tpu.memory_space<semaphore_mem>>) src(%dma_wait3A_124 : memref<32xi32, #tpu.memory_space<hbm>>) dst(%dma_wait3A_123 : memref<32xi32, #tpu.memory_space<vmem>>)
    %dma_wait3A_125 = arith.constant 4 : i32
    %dma_wait3A_126 = arith.constant 0 : i32
    %dma_wait3A_127 = tpu.memref_slice %arg7[%dma_wait3A_125, %dma_wait3A_126] : memref<8x32xi32, #tpu.memory_space<vmem>> -> memref<1x32xi32, #tpu.memory_space<vmem>>
    %dma_wait3A_128 = tpu.memref_squeeze %dma_wait3A_127 : memref<1x32xi32, #tpu.memory_space<vmem>> -> memref<32xi32, #tpu.memory_space<vmem>>
    %dma_wait3A_129 = tpu.memref_slice %arg3[%add3A_47] : memref<4096xi32, #tpu.memory_space<hbm>> -> memref<32xi32, #tpu.memory_space<hbm>>
    %dma_wait3A_130 = arith.constant 0 : i32
    %dma_wait3A_131 = tpu.memref_slice %arg7[%dma_wait3A_125, %dma_wait3A_130] : memref<8x32xi32, #tpu.memory_space<vmem>> -> memref<1x32xi32, #tpu.memory_space<vmem>>
    %dma_wait3A_132 = tpu.memref_squeeze %dma_wait3A_131 : memref<1x32xi32, #tpu.memory_space<vmem>> -> memref<32xi32, #tpu.memory_space<vmem>>
    %dma_wait3A_133 = tpu.memref_slice %arg3[%add3A_47] : memref<4096xi32, #tpu.memory_space<hbm>> -> memref<32xi32, #tpu.memory_space<hbm>>
    tpu.wait_dma2 semaphore(%arg9 : memref<!tpu.dma_semaphore, #tpu.memory_space<semaphore_mem>>) src(%dma_wait3A_133 : memref<32xi32, #tpu.memory_space<hbm>>) dst(%dma_wait3A_132 : memref<32xi32, #tpu.memory_space<vmem>>)
    %dma_wait3A_134 = arith.constant 5 : i32
    %dma_wait3A_135 = arith.constant 0 : i32
    %dma_wait3A_136 = tpu.memref_slice %arg7[%dma_wait3A_134, %dma_wait3A_135] : memref<8x32xi32, #tpu.memory_space<vmem>> -> memref<1x32xi32, #tpu.memory_space<vmem>>
    %dma_wait3A_137 = tpu.memref_squeeze %dma_wait3A_136 : memref<1x32xi32, #tpu.memory_space<vmem>> -> memref<32xi32, #tpu.memory_space<vmem>>
    %dma_wait3A_138 = tpu.memref_slice %arg4[%add3A_58] : memref<4096xi32, #tpu.memory_space<hbm>> -> memref<32xi32, #tpu.memory_space<hbm>>
    %dma_wait3A_139 = arith.constant 0 : i32
    %dma_wait3A_140 = tpu.memref_slice %arg7[%dma_wait3A_134, %dma_wait3A_139] : memref<8x32xi32, #tpu.memory_space<vmem>> -> memref<1x32xi32, #tpu.memory_space<vmem>>
    %dma_wait3A_141 = tpu.memref_squeeze %dma_wait3A_140 : memref<1x32xi32, #tpu.memory_space<vmem>> -> memref<32xi32, #tpu.memory_space<vmem>>
    %dma_wait3A_142 = tpu.memref_slice %arg4[%add3A_58] : memref<4096xi32, #tpu.memory_space<hbm>> -> memref<32xi32, #tpu.memory_space<hbm>>
    tpu.wait_dma2 semaphore(%arg9 : memref<!tpu.dma_semaphore, #tpu.memory_space<semaphore_mem>>) src(%dma_wait3A_142 : memref<32xi32, #tpu.memory_space<hbm>>) dst(%dma_wait3A_141 : memref<32xi32, #tpu.memory_space<vmem>>)
    %dma_wait3A_143 = arith.constant 6 : i32
    %dma_wait3A_144 = arith.constant 0 : i32
    %dma_wait3A_145 = tpu.memref_slice %arg7[%dma_wait3A_143, %dma_wait3A_144] : memref<8x32xi32, #tpu.memory_space<vmem>> -> memref<1x32xi32, #tpu.memory_space<vmem>>
    %dma_wait3A_146 = tpu.memref_squeeze %dma_wait3A_145 : memref<1x32xi32, #tpu.memory_space<vmem>> -> memref<32xi32, #tpu.memory_space<vmem>>
    %dma_wait3A_147 = tpu.memref_slice %arg3[%add3A_69] : memref<4096xi32, #tpu.memory_space<hbm>> -> memref<32xi32, #tpu.memory_space<hbm>>
    %dma_wait3A_148 = arith.constant 0 : i32
    %dma_wait3A_149 = tpu.memref_slice %arg7[%dma_wait3A_143, %dma_wait3A_148] : memref<8x32xi32, #tpu.memory_space<vmem>> -> memref<1x32xi32, #tpu.memory_space<vmem>>
    %dma_wait3A_150 = tpu.memref_squeeze %dma_wait3A_149 : memref<1x32xi32, #tpu.memory_space<vmem>> -> memref<32xi32, #tpu.memory_space<vmem>>
    %dma_wait3A_151 = tpu.memref_slice %arg3[%add3A_69] : memref<4096xi32, #tpu.memory_space<hbm>> -> memref<32xi32, #tpu.memory_space<hbm>>
    tpu.wait_dma2 semaphore(%arg9 : memref<!tpu.dma_semaphore, #tpu.memory_space<semaphore_mem>>) src(%dma_wait3A_151 : memref<32xi32, #tpu.memory_space<hbm>>) dst(%dma_wait3A_150 : memref<32xi32, #tpu.memory_space<vmem>>)
    %dma_wait3A_152 = arith.constant 7 : i32
    %dma_wait3A_153 = arith.constant 0 : i32
    %dma_wait3A_154 = tpu.memref_slice %arg7[%dma_wait3A_152, %dma_wait3A_153] : memref<8x32xi32, #tpu.memory_space<vmem>> -> memref<1x32xi32, #tpu.memory_space<vmem>>
    %dma_wait3A_155 = tpu.memref_squeeze %dma_wait3A_154 : memref<1x32xi32, #tpu.memory_space<vmem>> -> memref<32xi32, #tpu.memory_space<vmem>>
    %dma_wait3A_156 = tpu.memref_slice %arg4[%add3A_80] : memref<4096xi32, #tpu.memory_space<hbm>> -> memref<32xi32, #tpu.memory_space<hbm>>
    %dma_wait3A_157 = arith.constant 0 : i32
    %dma_wait3A_158 = tpu.memref_slice %arg7[%dma_wait3A_152, %dma_wait3A_157] : memref<8x32xi32, #tpu.memory_space<vmem>> -> memref<1x32xi32, #tpu.memory_space<vmem>>
    %dma_wait3A_159 = tpu.memref_squeeze %dma_wait3A_158 : memref<1x32xi32, #tpu.memory_space<vmem>> -> memref<32xi32, #tpu.memory_space<vmem>>
    %dma_wait3A_160 = tpu.memref_slice %arg4[%add3A_80] : memref<4096xi32, #tpu.memory_space<hbm>> -> memref<32xi32, #tpu.memory_space<hbm>>
    tpu.wait_dma2 semaphore(%arg9 : memref<!tpu.dma_semaphore, #tpu.memory_space<semaphore_mem>>) src(%dma_wait3A_160 : memref<32xi32, #tpu.memory_space<hbm>>) dst(%dma_wait3A_159 : memref<32xi32, #tpu.memory_space<vmem>>)
    %dma_start3A_161 = arith.constant 0 : i32
    %dma_start3A_162 = arith.constant 0 : i32
    %dma_start3A_163 = arith.constant 0 : i32
    %dma_start3A_164 = arith.constant 0 : i32
    %dma_start3A_165 = tpu.memref_slice %arg8[%dma_start3A_162, %dma_start3A_163, %dma_start3A_164] : memref<3x32x1024xf32, #tpu.memory_space<vmem>> -> memref<1x32x1024xf32, #tpu.memory_space<vmem>>
    %dma_start3A_166 = tpu.memref_squeeze %dma_start3A_165 : memref<1x32x1024xf32, #tpu.memory_space<vmem>> -> memref<32x1024xf32, #tpu.memory_space<vmem>>
    %dma_start3A_167 = arith.constant 0 : i32
    %dma_start3A_168 = tpu.memref_slice %arg7[%dma_start3A_161, %dma_start3A_167] : memref<8x32xi32, #tpu.memory_space<vmem>> -> memref<1x32xi32, #tpu.memory_space<vmem>>
    %dma_start3A_169 = tpu.memref_squeeze %dma_start3A_168 : memref<1x32xi32, #tpu.memory_space<vmem>> -> memref<32xi32, #tpu.memory_space<vmem>>
    %dma_start3A_170 = arith.constant 0 : i32
    %dma_start3A_171 = arith.constant 0 : i32
    %dma_start3A_172 = tpu.memref_slice %arg2[%dma_start3A_170, %dma_start3A_171] : memref<5120x1024xf32, #tpu.memory_space<hbm>> -> memref<5120x1024xf32, #tpu.memory_space<hbm>>
    tpu.enqueue_indirect_dma source(%dma_start3A_172 : memref<5120x1024xf32, #tpu.memory_space<hbm>>) target(%dma_start3A_166 : memref<32x1024xf32, #tpu.memory_space<vmem>>) offsets(%dma_start3A_169 : memref<32xi32, #tpu.memory_space<vmem>>) semaphore(%arg10 : memref<!tpu.dma_semaphore, #tpu.memory_space<semaphore_mem>>)
    %dma_start3A_173 = arith.constant 1 : i32
    %dma_start3A_174 = arith.constant 1 : i32
    %dma_start3A_175 = arith.constant 0 : i32
    %dma_start3A_176 = arith.constant 0 : i32
    %dma_start3A_177 = tpu.memref_slice %arg8[%dma_start3A_174, %dma_start3A_175, %dma_start3A_176] : memref<3x32x1024xf32, #tpu.memory_space<vmem>> -> memref<1x32x1024xf32, #tpu.memory_space<vmem>>
    %dma_start3A_178 = tpu.memref_squeeze %dma_start3A_177 : memref<1x32x1024xf32, #tpu.memory_space<vmem>> -> memref<32x1024xf32, #tpu.memory_space<vmem>>
    %dma_start3A_179 = arith.constant 0 : i32
    %dma_start3A_180 = tpu.memref_slice %arg7[%dma_start3A_173, %dma_start3A_179] : memref<8x32xi32, #tpu.memory_space<vmem>> -> memref<1x32xi32, #tpu.memory_space<vmem>>
    %dma_start3A_181 = tpu.memref_squeeze %dma_start3A_180 : memref<1x32xi32, #tpu.memory_space<vmem>> -> memref<32xi32, #tpu.memory_space<vmem>>
    %dma_start3A_182 = arith.constant 0 : i32
    %dma_start3A_183 = arith.constant 0 : i32
    %dma_start3A_184 = tpu.memref_slice %arg2[%dma_start3A_182, %dma_start3A_183] : memref<5120x1024xf32, #tpu.memory_space<hbm>> -> memref<5120x1024xf32, #tpu.memory_space<hbm>>
    tpu.enqueue_indirect_dma source(%dma_start3A_184 : memref<5120x1024xf32, #tpu.memory_space<hbm>>) target(%dma_start3A_178 : memref<32x1024xf32, #tpu.memory_space<vmem>>) offsets(%dma_start3A_181 : memref<32xi32, #tpu.memory_space<vmem>>) semaphore(%arg10 : memref<!tpu.dma_semaphore, #tpu.memory_space<semaphore_mem>>)
    %dma_start3A_185 = arith.constant 2 : i32
    %dma_start3A_186 = arith.constant 2 : i32
    %dma_start3A_187 = arith.constant 0 : i32
    %dma_start3A_188 = arith.constant 0 : i32
    %dma_start3A_189 = tpu.memref_slice %arg8[%dma_start3A_186, %dma_start3A_187, %dma_start3A_188] : memref<3x32x1024xf32, #tpu.memory_space<vmem>> -> memref<1x32x1024xf32, #tpu.memory_space<vmem>>
    %dma_start3A_190 = tpu.memref_squeeze %dma_start3A_189 : memref<1x32x1024xf32, #tpu.memory_space<vmem>> -> memref<32x1024xf32, #tpu.memory_space<vmem>>
    %dma_start3A_191 = arith.constant 0 : i32
    %dma_start3A_192 = tpu.memref_slice %arg7[%dma_start3A_185, %dma_start3A_191] : memref<8x32xi32, #tpu.memory_space<vmem>> -> memref<1x32xi32, #tpu.memory_space<vmem>>
    %dma_start3A_193 = tpu.memref_squeeze %dma_start3A_192 : memref<1x32xi32, #tpu.memory_space<vmem>> -> memref<32xi32, #tpu.memory_space<vmem>>
    %dma_start3A_194 = arith.constant 0 : i32
    %dma_start3A_195 = arith.constant 0 : i32
    %dma_start3A_196 = tpu.memref_slice %arg2[%dma_start3A_194, %dma_start3A_195] : memref<5120x1024xf32, #tpu.memory_space<hbm>> -> memref<5120x1024xf32, #tpu.memory_space<hbm>>
    tpu.enqueue_indirect_dma source(%dma_start3A_196 : memref<5120x1024xf32, #tpu.memory_space<hbm>>) target(%dma_start3A_190 : memref<32x1024xf32, #tpu.memory_space<vmem>>) offsets(%dma_start3A_193 : memref<32xi32, #tpu.memory_space<vmem>>) semaphore(%arg10 : memref<!tpu.dma_semaphore, #tpu.memory_space<semaphore_mem>>)
    %dma_wait3A_197 = arith.constant 0 : i32
    %dma_wait3A_198 = arith.constant 0 : i32
    %dma_wait3A_199 = arith.constant 0 : i32
    %dma_wait3A_200 = arith.constant 0 : i32
    %dma_wait3A_201 = tpu.memref_slice %arg8[%dma_wait3A_198, %dma_wait3A_199, %dma_wait3A_200] : memref<3x32x1024xf32, #tpu.memory_space<vmem>> -> memref<1x32x1024xf32, #tpu.memory_space<vmem>>
    %dma_wait3A_202 = tpu.memref_squeeze %dma_wait3A_201 : memref<1x32x1024xf32, #tpu.memory_space<vmem>> -> memref<32x1024xf32, #tpu.memory_space<vmem>>
    %dma_wait3A_203 = arith.constant 0 : i32
    %dma_wait3A_204 = tpu.memref_slice %arg7[%dma_wait3A_197, %dma_wait3A_203] : memref<8x32xi32, #tpu.memory_space<vmem>> -> memref<1x32xi32, #tpu.memory_space<vmem>>
    %dma_wait3A_205 = tpu.memref_squeeze %dma_wait3A_204 : memref<1x32xi32, #tpu.memory_space<vmem>> -> memref<32xi32, #tpu.memory_space<vmem>>
    %dma_wait3A_206 = arith.constant 0 : i32
    %dma_wait3A_207 = arith.constant 0 : i32
    %dma_wait3A_208 = tpu.memref_slice %arg2[%dma_wait3A_206, %dma_wait3A_207] : memref<5120x1024xf32, #tpu.memory_space<hbm>> -> memref<5120x1024xf32, #tpu.memory_space<hbm>>
    tpu.wait_indirect_dma semaphore(%arg10 : memref<!tpu.dma_semaphore, #tpu.memory_space<semaphore_mem>>) src(%dma_wait3A_208 : memref<5120x1024xf32, #tpu.memory_space<hbm>>) dst(%dma_wait3A_202 : memref<32x1024xf32, #tpu.memory_space<vmem>>)
    %add3A_209 = arith.constant 0 : i32
    %add3A_210 = arith.addi %mul3A_2, %add3A_209 : i32
    %dma_start3A_211 = arith.constant 0 : i32
    %dma_start3A_212 = arith.constant 0 : i32
    %dma_start3A_213 = arith.constant 0 : i32
    %dma_start3A_214 = tpu.memref_slice %arg8[%dma_start3A_211, %dma_start3A_212, %dma_start3A_213] : memref<3x32x1024xf32, #tpu.memory_space<vmem>> -> memref<1x32x1024xf32, #tpu.memory_space<vmem>>
    %dma_start3A_215 = tpu.memref_squeeze %dma_start3A_214 : memref<1x32x1024xf32, #tpu.memory_space<vmem>> -> memref<32x1024xf32, #tpu.memory_space<vmem>>
    %dma_start3A_216 = arith.constant 0 : i32
    %dma_start3A_217 = tpu.memref_slice %arg5[%add3A_210, %dma_start3A_216] : memref<4096x1024xf32, #tpu.memory_space<hbm>> -> memref<32x1024xf32, #tpu.memory_space<hbm>>
    %dma_start3A_218 = arith.constant 0 : i32
    %dma_start3A_219 = tpu.memref_slice %arg5[%add3A_210, %dma_start3A_218] : memref<4096x1024xf32, #tpu.memory_space<hbm>> -> memref<32x1024xf32, #tpu.memory_space<hbm>>
    %dma_start3A_220 = arith.constant 0 : i32
    %dma_start3A_221 = arith.constant 0 : i32
    %dma_start3A_222 = tpu.memref_slice %arg8[%dma_start3A_211, %dma_start3A_220, %dma_start3A_221] : memref<3x32x1024xf32, #tpu.memory_space<vmem>> -> memref<1x32x1024xf32, #tpu.memory_space<vmem>>
    %dma_start3A_223 = tpu.memref_squeeze %dma_start3A_222 : memref<1x32x1024xf32, #tpu.memory_space<vmem>> -> memref<32x1024xf32, #tpu.memory_space<vmem>>
    tpu.enqueue_dma source(%dma_start3A_223 : memref<32x1024xf32, #tpu.memory_space<vmem>>) target(%dma_start3A_219 : memref<32x1024xf32, #tpu.memory_space<hbm>>) target_semaphore(%arg11 : memref<!tpu.dma_semaphore, #tpu.memory_space<semaphore_mem>>)
    %dma_wait3A_224 = arith.constant 0 : i32
    %dma_wait3A_225 = arith.constant 0 : i32
    %dma_wait3A_226 = arith.constant 0 : i32
    %dma_wait3A_227 = tpu.memref_slice %arg8[%dma_wait3A_224, %dma_wait3A_225, %dma_wait3A_226] : memref<3x32x1024xf32, #tpu.memory_space<vmem>> -> memref<1x32x1024xf32, #tpu.memory_space<vmem>>
    %dma_wait3A_228 = tpu.memref_squeeze %dma_wait3A_227 : memref<1x32x1024xf32, #tpu.memory_space<vmem>> -> memref<32x1024xf32, #tpu.memory_space<vmem>>
    %dma_wait3A_229 = arith.constant 0 : i32
    %dma_wait3A_230 = tpu.memref_slice %arg5[%add3A_210, %dma_wait3A_229] : memref<4096x1024xf32, #tpu.memory_space<hbm>> -> memref<32x1024xf32, #tpu.memory_space<hbm>>
    %dma_wait3A_231 = arith.constant 0 : i32
    %dma_wait3A_232 = tpu.memref_slice %arg5[%add3A_210, %dma_wait3A_231] : memref<4096x1024xf32, #tpu.memory_space<hbm>> -> memref<32x1024xf32, #tpu.memory_space<hbm>>
    %dma_wait3A_233 = arith.constant 0 : i32
    %dma_wait3A_234 = arith.constant 0 : i32
    %dma_wait3A_235 = tpu.memref_slice %arg8[%dma_wait3A_224, %dma_wait3A_233, %dma_wait3A_234] : memref<3x32x1024xf32, #tpu.memory_space<vmem>> -> memref<1x32x1024xf32, #tpu.memory_space<vmem>>
    %dma_wait3A_236 = tpu.memref_squeeze %dma_wait3A_235 : memref<1x32x1024xf32, #tpu.memory_space<vmem>> -> memref<32x1024xf32, #tpu.memory_space<vmem>>
    tpu.wait_dma2 semaphore(%arg11 : memref<!tpu.dma_semaphore, #tpu.memory_space<semaphore_mem>>) src(%dma_wait3A_236 : memref<32x1024xf32, #tpu.memory_space<vmem>>) dst(%dma_wait3A_232 : memref<32x1024xf32, #tpu.memory_space<hbm>>)
    %dma_start3A_237 = arith.constant 3 : i32
    %dma_start3A_238 = arith.constant 0 : i32
    %dma_start3A_239 = arith.constant 0 : i32
    %dma_start3A_240 = arith.constant 0 : i32
    %dma_start3A_241 = tpu.memref_slice %arg8[%dma_start3A_238, %dma_start3A_239, %dma_start3A_240] : memref<3x32x1024xf32, #tpu.memory_space<vmem>> -> memref<1x32x1024xf32, #tpu.memory_space<vmem>>
    %dma_start3A_242 = tpu.memref_squeeze %dma_start3A_241 : memref<1x32x1024xf32, #tpu.memory_space<vmem>> -> memref<32x1024xf32, #tpu.memory_space<vmem>>
    %dma_start3A_243 = arith.constant 0 : i32
    %dma_start3A_244 = tpu.memref_slice %arg7[%dma_start3A_237, %dma_start3A_243] : memref<8x32xi32, #tpu.memory_space<vmem>> -> memref<1x32xi32, #tpu.memory_space<vmem>>
    %dma_start3A_245 = tpu.memref_squeeze %dma_start3A_244 : memref<1x32xi32, #tpu.memory_space<vmem>> -> memref<32xi32, #tpu.memory_space<vmem>>
    %dma_start3A_246 = arith.constant 0 : i32
    %dma_start3A_247 = arith.constant 0 : i32
    %dma_start3A_248 = tpu.memref_slice %arg2[%dma_start3A_246, %dma_start3A_247] : memref<5120x1024xf32, #tpu.memory_space<hbm>> -> memref<5120x1024xf32, #tpu.memory_space<hbm>>
    tpu.enqueue_indirect_dma source(%dma_start3A_248 : memref<5120x1024xf32, #tpu.memory_space<hbm>>) target(%dma_start3A_242 : memref<32x1024xf32, #tpu.memory_space<vmem>>) offsets(%dma_start3A_245 : memref<32xi32, #tpu.memory_space<vmem>>) semaphore(%arg10 : memref<!tpu.dma_semaphore, #tpu.memory_space<semaphore_mem>>)
    %dma_wait3A_249 = arith.constant 1 : i32
    %dma_wait3A_250 = arith.constant 1 : i32
    %dma_wait3A_251 = arith.constant 0 : i32
    %dma_wait3A_252 = arith.constant 0 : i32
    %dma_wait3A_253 = tpu.memref_slice %arg8[%dma_wait3A_250, %dma_wait3A_251, %dma_wait3A_252] : memref<3x32x1024xf32, #tpu.memory_space<vmem>> -> memref<1x32x1024xf32, #tpu.memory_space<vmem>>
    %dma_wait3A_254 = tpu.memref_squeeze %dma_wait3A_253 : memref<1x32x1024xf32, #tpu.memory_space<vmem>> -> memref<32x1024xf32, #tpu.memory_space<vmem>>
    %dma_wait3A_255 = arith.constant 0 : i32
    %dma_wait3A_256 = tpu.memref_slice %arg7[%dma_wait3A_249, %dma_wait3A_255] : memref<8x32xi32, #tpu.memory_space<vmem>> -> memref<1x32xi32, #tpu.memory_space<vmem>>
    %dma_wait3A_257 = tpu.memref_squeeze %dma_wait3A_256 : memref<1x32xi32, #tpu.memory_space<vmem>> -> memref<32xi32, #tpu.memory_space<vmem>>
    %dma_wait3A_258 = arith.constant 0 : i32
    %dma_wait3A_259 = arith.constant 0 : i32
    %dma_wait3A_260 = tpu.memref_slice %arg2[%dma_wait3A_258, %dma_wait3A_259] : memref<5120x1024xf32, #tpu.memory_space<hbm>> -> memref<5120x1024xf32, #tpu.memory_space<hbm>>
    tpu.wait_indirect_dma semaphore(%arg10 : memref<!tpu.dma_semaphore, #tpu.memory_space<semaphore_mem>>) src(%dma_wait3A_260 : memref<5120x1024xf32, #tpu.memory_space<hbm>>) dst(%dma_wait3A_254 : memref<32x1024xf32, #tpu.memory_space<vmem>>)
    %add3A_261 = arith.constant 0 : i32
    %add3A_262 = arith.addi %mul3A_2, %add3A_261 : i32
    %dma_start3A_263 = arith.constant 1 : i32
    %dma_start3A_264 = arith.constant 0 : i32
    %dma_start3A_265 = arith.constant 0 : i32
    %dma_start3A_266 = tpu.memref_slice %arg8[%dma_start3A_263, %dma_start3A_264, %dma_start3A_265] : memref<3x32x1024xf32, #tpu.memory_space<vmem>> -> memref<1x32x1024xf32, #tpu.memory_space<vmem>>
    %dma_start3A_267 = tpu.memref_squeeze %dma_start3A_266 : memref<1x32x1024xf32, #tpu.memory_space<vmem>> -> memref<32x1024xf32, #tpu.memory_space<vmem>>
    %dma_start3A_268 = arith.constant 0 : i32
    %dma_start3A_269 = tpu.memref_slice %arg6[%add3A_262, %dma_start3A_268] : memref<4096x1024xf32, #tpu.memory_space<hbm>> -> memref<32x1024xf32, #tpu.memory_space<hbm>>
    %dma_start3A_270 = arith.constant 0 : i32
    %dma_start3A_271 = tpu.memref_slice %arg6[%add3A_262, %dma_start3A_270] : memref<4096x1024xf32, #tpu.memory_space<hbm>> -> memref<32x1024xf32, #tpu.memory_space<hbm>>
    %dma_start3A_272 = arith.constant 0 : i32
    %dma_start3A_273 = arith.constant 0 : i32
    %dma_start3A_274 = tpu.memref_slice %arg8[%dma_start3A_263, %dma_start3A_272, %dma_start3A_273] : memref<3x32x1024xf32, #tpu.memory_space<vmem>> -> memref<1x32x1024xf32, #tpu.memory_space<vmem>>
    %dma_start3A_275 = tpu.memref_squeeze %dma_start3A_274 : memref<1x32x1024xf32, #tpu.memory_space<vmem>> -> memref<32x1024xf32, #tpu.memory_space<vmem>>
    tpu.enqueue_dma source(%dma_start3A_275 : memref<32x1024xf32, #tpu.memory_space<vmem>>) target(%dma_start3A_271 : memref<32x1024xf32, #tpu.memory_space<hbm>>) target_semaphore(%arg11 : memref<!tpu.dma_semaphore, #tpu.memory_space<semaphore_mem>>)
    %dma_wait3A_276 = arith.constant 1 : i32
    %dma_wait3A_277 = arith.constant 0 : i32
    %dma_wait3A_278 = arith.constant 0 : i32
    %dma_wait3A_279 = tpu.memref_slice %arg8[%dma_wait3A_276, %dma_wait3A_277, %dma_wait3A_278] : memref<3x32x1024xf32, #tpu.memory_space<vmem>> -> memref<1x32x1024xf32, #tpu.memory_space<vmem>>
    %dma_wait3A_280 = tpu.memref_squeeze %dma_wait3A_279 : memref<1x32x1024xf32, #tpu.memory_space<vmem>> -> memref<32x1024xf32, #tpu.memory_space<vmem>>
    %dma_wait3A_281 = arith.constant 0 : i32
    %dma_wait3A_282 = tpu.memref_slice %arg6[%add3A_262, %dma_wait3A_281] : memref<4096x1024xf32, #tpu.memory_space<hbm>> -> memref<32x1024xf32, #tpu.memory_space<hbm>>
    %dma_wait3A_283 = arith.constant 0 : i32
    %dma_wait3A_284 = tpu.memref_slice %arg6[%add3A_262, %dma_wait3A_283] : memref<4096x1024xf32, #tpu.memory_space<hbm>> -> memref<32x1024xf32, #tpu.memory_space<hbm>>
    %dma_wait3A_285 = arith.constant 0 : i32
    %dma_wait3A_286 = arith.constant 0 : i32
    %dma_wait3A_287 = tpu.memref_slice %arg8[%dma_wait3A_276, %dma_wait3A_285, %dma_wait3A_286] : memref<3x32x1024xf32, #tpu.memory_space<vmem>> -> memref<1x32x1024xf32, #tpu.memory_space<vmem>>
    %dma_wait3A_288 = tpu.memref_squeeze %dma_wait3A_287 : memref<1x32x1024xf32, #tpu.memory_space<vmem>> -> memref<32x1024xf32, #tpu.memory_space<vmem>>
    tpu.wait_dma2 semaphore(%arg11 : memref<!tpu.dma_semaphore, #tpu.memory_space<semaphore_mem>>) src(%dma_wait3A_288 : memref<32x1024xf32, #tpu.memory_space<vmem>>) dst(%dma_wait3A_284 : memref<32x1024xf32, #tpu.memory_space<hbm>>)
    %dma_start3A_289 = arith.constant 4 : i32
    %dma_start3A_290 = arith.constant 1 : i32
    %dma_start3A_291 = arith.constant 0 : i32
    %dma_start3A_292 = arith.constant 0 : i32
    %dma_start3A_293 = tpu.memref_slice %arg8[%dma_start3A_290, %dma_start3A_291, %dma_start3A_292] : memref<3x32x1024xf32, #tpu.memory_space<vmem>> -> memref<1x32x1024xf32, #tpu.memory_space<vmem>>
    %dma_start3A_294 = tpu.memref_squeeze %dma_start3A_293 : memref<1x32x1024xf32, #tpu.memory_space<vmem>> -> memref<32x1024xf32, #tpu.memory_space<vmem>>
    %dma_start3A_295 = arith.constant 0 : i32
    %dma_start3A_296 = tpu.memref_slice %arg7[%dma_start3A_289, %dma_start3A_295] : memref<8x32xi32, #tpu.memory_space<vmem>> -> memref<1x32xi32, #tpu.memory_space<vmem>>
    %dma_start3A_297 = tpu.memref_squeeze %dma_start3A_296 : memref<1x32xi32, #tpu.memory_space<vmem>> -> memref<32xi32, #tpu.memory_space<vmem>>
    %dma_start3A_298 = arith.constant 0 : i32
    %dma_start3A_299 = arith.constant 0 : i32
    %dma_start3A_300 = tpu.memref_slice %arg2[%dma_start3A_298, %dma_start3A_299] : memref<5120x1024xf32, #tpu.memory_space<hbm>> -> memref<5120x1024xf32, #tpu.memory_space<hbm>>
    tpu.enqueue_indirect_dma source(%dma_start3A_300 : memref<5120x1024xf32, #tpu.memory_space<hbm>>) target(%dma_start3A_294 : memref<32x1024xf32, #tpu.memory_space<vmem>>) offsets(%dma_start3A_297 : memref<32xi32, #tpu.memory_space<vmem>>) semaphore(%arg10 : memref<!tpu.dma_semaphore, #tpu.memory_space<semaphore_mem>>)
    %dma_wait3A_301 = arith.constant 2 : i32
    %dma_wait3A_302 = arith.constant 2 : i32
    %dma_wait3A_303 = arith.constant 0 : i32
    %dma_wait3A_304 = arith.constant 0 : i32
    %dma_wait3A_305 = tpu.memref_slice %arg8[%dma_wait3A_302, %dma_wait3A_303, %dma_wait3A_304] : memref<3x32x1024xf32, #tpu.memory_space<vmem>> -> memref<1x32x1024xf32, #tpu.memory_space<vmem>>
    %dma_wait3A_306 = tpu.memref_squeeze %dma_wait3A_305 : memref<1x32x1024xf32, #tpu.memory_space<vmem>> -> memref<32x1024xf32, #tpu.memory_space<vmem>>
    %dma_wait3A_307 = arith.constant 0 : i32
    %dma_wait3A_308 = tpu.memref_slice %arg7[%dma_wait3A_301, %dma_wait3A_307] : memref<8x32xi32, #tpu.memory_space<vmem>> -> memref<1x32xi32, #tpu.memory_space<vmem>>
    %dma_wait3A_309 = tpu.memref_squeeze %dma_wait3A_308 : memref<1x32xi32, #tpu.memory_space<vmem>> -> memref<32xi32, #tpu.memory_space<vmem>>
    %dma_wait3A_310 = arith.constant 0 : i32
    %dma_wait3A_311 = arith.constant 0 : i32
    %dma_wait3A_312 = tpu.memref_slice %arg2[%dma_wait3A_310, %dma_wait3A_311] : memref<5120x1024xf32, #tpu.memory_space<hbm>> -> memref<5120x1024xf32, #tpu.memory_space<hbm>>
    tpu.wait_indirect_dma semaphore(%arg10 : memref<!tpu.dma_semaphore, #tpu.memory_space<semaphore_mem>>) src(%dma_wait3A_312 : memref<5120x1024xf32, #tpu.memory_space<hbm>>) dst(%dma_wait3A_306 : memref<32x1024xf32, #tpu.memory_space<vmem>>)
    %add3A_313 = arith.constant 32 : i32
    %add3A_314 = arith.addi %mul3A_2, %add3A_313 : i32
    %dma_start3A_315 = arith.constant 2 : i32
    %dma_start3A_316 = arith.constant 0 : i32
    %dma_start3A_317 = arith.constant 0 : i32
    %dma_start3A_318 = tpu.memref_slice %arg8[%dma_start3A_315, %dma_start3A_316, %dma_start3A_317] : memref<3x32x1024xf32, #tpu.memory_space<vmem>> -> memref<1x32x1024xf32, #tpu.memory_space<vmem>>
    %dma_start3A_319 = tpu.memref_squeeze %dma_start3A_318 : memref<1x32x1024xf32, #tpu.memory_space<vmem>> -> memref<32x1024xf32, #tpu.memory_space<vmem>>
    %dma_start3A_320 = arith.constant 0 : i32
    %dma_start3A_321 = tpu.memref_slice %arg5[%add3A_314, %dma_start3A_320] : memref<4096x1024xf32, #tpu.memory_space<hbm>> -> memref<32x1024xf32, #tpu.memory_space<hbm>>
    %dma_start3A_322 = arith.constant 0 : i32
    %dma_start3A_323 = tpu.memref_slice %arg5[%add3A_314, %dma_start3A_322] : memref<4096x1024xf32, #tpu.memory_space<hbm>> -> memref<32x1024xf32, #tpu.memory_space<hbm>>
    %dma_start3A_324 = arith.constant 0 : i32
    %dma_start3A_325 = arith.constant 0 : i32
    %dma_start3A_326 = tpu.memref_slice %arg8[%dma_start3A_315, %dma_start3A_324, %dma_start3A_325] : memref<3x32x1024xf32, #tpu.memory_space<vmem>> -> memref<1x32x1024xf32, #tpu.memory_space<vmem>>
    %dma_start3A_327 = tpu.memref_squeeze %dma_start3A_326 : memref<1x32x1024xf32, #tpu.memory_space<vmem>> -> memref<32x1024xf32, #tpu.memory_space<vmem>>
    tpu.enqueue_dma source(%dma_start3A_327 : memref<32x1024xf32, #tpu.memory_space<vmem>>) target(%dma_start3A_323 : memref<32x1024xf32, #tpu.memory_space<hbm>>) target_semaphore(%arg11 : memref<!tpu.dma_semaphore, #tpu.memory_space<semaphore_mem>>)
    %dma_wait3A_328 = arith.constant 2 : i32
    %dma_wait3A_329 = arith.constant 0 : i32
    %dma_wait3A_330 = arith.constant 0 : i32
    %dma_wait3A_331 = tpu.memref_slice %arg8[%dma_wait3A_328, %dma_wait3A_329, %dma_wait3A_330] : memref<3x32x1024xf32, #tpu.memory_space<vmem>> -> memref<1x32x1024xf32, #tpu.memory_space<vmem>>
    %dma_wait3A_332 = tpu.memref_squeeze %dma_wait3A_331 : memref<1x32x1024xf32, #tpu.memory_space<vmem>> -> memref<32x1024xf32, #tpu.memory_space<vmem>>
    %dma_wait3A_333 = arith.constant 0 : i32
    %dma_wait3A_334 = tpu.memref_slice %arg5[%add3A_314, %dma_wait3A_333] : memref<4096x1024xf32, #tpu.memory_space<hbm>> -> memref<32x1024xf32, #tpu.memory_space<hbm>>
    %dma_wait3A_335 = arith.constant 0 : i32
    %dma_wait3A_336 = tpu.memref_slice %arg5[%add3A_314, %dma_wait3A_335] : memref<4096x1024xf32, #tpu.memory_space<hbm>> -> memref<32x1024xf32, #tpu.memory_space<hbm>>
    %dma_wait3A_337 = arith.constant 0 : i32
    %dma_wait3A_338 = arith.constant 0 : i32
    %dma_wait3A_339 = tpu.memref_slice %arg8[%dma_wait3A_328, %dma_wait3A_337, %dma_wait3A_338] : memref<3x32x1024xf32, #tpu.memory_space<vmem>> -> memref<1x32x1024xf32, #tpu.memory_space<vmem>>
    %dma_wait3A_340 = tpu.memref_squeeze %dma_wait3A_339 : memref<1x32x1024xf32, #tpu.memory_space<vmem>> -> memref<32x1024xf32, #tpu.memory_space<vmem>>
    tpu.wait_dma2 semaphore(%arg11 : memref<!tpu.dma_semaphore, #tpu.memory_space<semaphore_mem>>) src(%dma_wait3A_340 : memref<32x1024xf32, #tpu.memory_space<vmem>>) dst(%dma_wait3A_336 : memref<32x1024xf32, #tpu.memory_space<hbm>>)
    %dma_start3A_341 = arith.constant 5 : i32
    %dma_start3A_342 = arith.constant 2 : i32
    %dma_start3A_343 = arith.constant 0 : i32
    %dma_start3A_344 = arith.constant 0 : i32
    %dma_start3A_345 = tpu.memref_slice %arg8[%dma_start3A_342, %dma_start3A_343, %dma_start3A_344] : memref<3x32x1024xf32, #tpu.memory_space<vmem>> -> memref<1x32x1024xf32, #tpu.memory_space<vmem>>
    %dma_start3A_346 = tpu.memref_squeeze %dma_start3A_345 : memref<1x32x1024xf32, #tpu.memory_space<vmem>> -> memref<32x1024xf32, #tpu.memory_space<vmem>>
    %dma_start3A_347 = arith.constant 0 : i32
    %dma_start3A_348 = tpu.memref_slice %arg7[%dma_start3A_341, %dma_start3A_347] : memref<8x32xi32, #tpu.memory_space<vmem>> -> memref<1x32xi32, #tpu.memory_space<vmem>>
    %dma_start3A_349 = tpu.memref_squeeze %dma_start3A_348 : memref<1x32xi32, #tpu.memory_space<vmem>> -> memref<32xi32, #tpu.memory_space<vmem>>
    %dma_start3A_350 = arith.constant 0 : i32
    %dma_start3A_351 = arith.constant 0 : i32
    %dma_start3A_352 = tpu.memref_slice %arg2[%dma_start3A_350, %dma_start3A_351] : memref<5120x1024xf32, #tpu.memory_space<hbm>> -> memref<5120x1024xf32, #tpu.memory_space<hbm>>
    tpu.enqueue_indirect_dma source(%dma_start3A_352 : memref<5120x1024xf32, #tpu.memory_space<hbm>>) target(%dma_start3A_346 : memref<32x1024xf32, #tpu.memory_space<vmem>>) offsets(%dma_start3A_349 : memref<32xi32, #tpu.memory_space<vmem>>) semaphore(%arg10 : memref<!tpu.dma_semaphore, #tpu.memory_space<semaphore_mem>>)
    %dma_wait3A_353 = arith.constant 3 : i32
    %dma_wait3A_354 = arith.constant 0 : i32
    %dma_wait3A_355 = arith.constant 0 : i32
    %dma_wait3A_356 = arith.constant 0 : i32
    %dma_wait3A_357 = tpu.memref_slice %arg8[%dma_wait3A_354, %dma_wait3A_355, %dma_wait3A_356] : memref<3x32x1024xf32, #tpu.memory_space<vmem>> -> memref<1x32x1024xf32, #tpu.memory_space<vmem>>
    %dma_wait3A_358 = tpu.memref_squeeze %dma_wait3A_357 : memref<1x32x1024xf32, #tpu.memory_space<vmem>> -> memref<32x1024xf32, #tpu.memory_space<vmem>>
    %dma_wait3A_359 = arith.constant 0 : i32
    %dma_wait3A_360 = tpu.memref_slice %arg7[%dma_wait3A_353, %dma_wait3A_359] : memref<8x32xi32, #tpu.memory_space<vmem>> -> memref<1x32xi32, #tpu.memory_space<vmem>>
    %dma_wait3A_361 = tpu.memref_squeeze %dma_wait3A_360 : memref<1x32xi32, #tpu.memory_space<vmem>> -> memref<32xi32, #tpu.memory_space<vmem>>
    %dma_wait3A_362 = arith.constant 0 : i32
    %dma_wait3A_363 = arith.constant 0 : i32
    %dma_wait3A_364 = tpu.memref_slice %arg2[%dma_wait3A_362, %dma_wait3A_363] : memref<5120x1024xf32, #tpu.memory_space<hbm>> -> memref<5120x1024xf32, #tpu.memory_space<hbm>>
    tpu.wait_indirect_dma semaphore(%arg10 : memref<!tpu.dma_semaphore, #tpu.memory_space<semaphore_mem>>) src(%dma_wait3A_364 : memref<5120x1024xf32, #tpu.memory_space<hbm>>) dst(%dma_wait3A_358 : memref<32x1024xf32, #tpu.memory_space<vmem>>)
    %add3A_365 = arith.constant 32 : i32
    %add3A_366 = arith.addi %mul3A_2, %add3A_365 : i32
    %dma_start3A_367 = arith.constant 0 : i32
    %dma_start3A_368 = arith.constant 0 : i32
    %dma_start3A_369 = arith.constant 0 : i32
    %dma_start3A_370 = tpu.memref_slice %arg8[%dma_start3A_367, %dma_start3A_368, %dma_start3A_369] : memref<3x32x1024xf32, #tpu.memory_space<vmem>> -> memref<1x32x1024xf32, #tpu.memory_space<vmem>>
    %dma_start3A_371 = tpu.memref_squeeze %dma_start3A_370 : memref<1x32x1024xf32, #tpu.memory_space<vmem>> -> memref<32x1024xf32, #tpu.memory_space<vmem>>
    %dma_start3A_372 = arith.constant 0 : i32
    %dma_start3A_373 = tpu.memref_slice %arg6[%add3A_366, %dma_start3A_372] : memref<4096x1024xf32, #tpu.memory_space<hbm>> -> memref<32x1024xf32, #tpu.memory_space<hbm>>
    %dma_start3A_374 = arith.constant 0 : i32
    %dma_start3A_375 = tpu.memref_slice %arg6[%add3A_366, %dma_start3A_374] : memref<4096x1024xf32, #tpu.memory_space<hbm>> -> memref<32x1024xf32, #tpu.memory_space<hbm>>
    %dma_start3A_376 = arith.constant 0 : i32
    %dma_start3A_377 = arith.constant 0 : i32
    %dma_start3A_378 = tpu.memref_slice %arg8[%dma_start3A_367, %dma_start3A_376, %dma_start3A_377] : memref<3x32x1024xf32, #tpu.memory_space<vmem>> -> memref<1x32x1024xf32, #tpu.memory_space<vmem>>
    %dma_start3A_379 = tpu.memref_squeeze %dma_start3A_378 : memref<1x32x1024xf32, #tpu.memory_space<vmem>> -> memref<32x1024xf32, #tpu.memory_space<vmem>>
    tpu.enqueue_dma source(%dma_start3A_379 : memref<32x1024xf32, #tpu.memory_space<vmem>>) target(%dma_start3A_375 : memref<32x1024xf32, #tpu.memory_space<hbm>>) target_semaphore(%arg11 : memref<!tpu.dma_semaphore, #tpu.memory_space<semaphore_mem>>)
    %dma_wait3A_380 = arith.constant 0 : i32
    %dma_wait3A_381 = arith.constant 0 : i32
    %dma_wait3A_382 = arith.constant 0 : i32
    %dma_wait3A_383 = tpu.memref_slice %arg8[%dma_wait3A_380, %dma_wait3A_381, %dma_wait3A_382] : memref<3x32x1024xf32, #tpu.memory_space<vmem>> -> memref<1x32x1024xf32, #tpu.memory_space<vmem>>
    %dma_wait3A_384 = tpu.memref_squeeze %dma_wait3A_383 : memref<1x32x1024xf32, #tpu.memory_space<vmem>> -> memref<32x1024xf32, #tpu.memory_space<vmem>>
    %dma_wait3A_385 = arith.constant 0 : i32
    %dma_wait3A_386 = tpu.memref_slice %arg6[%add3A_366, %dma_wait3A_385] : memref<4096x1024xf32, #tpu.memory_space<hbm>> -> memref<32x1024xf32, #tpu.memory_space<hbm>>
    %dma_wait3A_387 = arith.constant 0 : i32
    %dma_wait3A_388 = tpu.memref_slice %arg6[%add3A_366, %dma_wait3A_387] : memref<4096x1024xf32, #tpu.memory_space<hbm>> -> memref<32x1024xf32, #tpu.memory_space<hbm>>
    %dma_wait3A_389 = arith.constant 0 : i32
    %dma_wait3A_390 = arith.constant 0 : i32
    %dma_wait3A_391 = tpu.memref_slice %arg8[%dma_wait3A_380, %dma_wait3A_389, %dma_wait3A_390] : memref<3x32x1024xf32, #tpu.memory_space<vmem>> -> memref<1x32x1024xf32, #tpu.memory_space<vmem>>
    %dma_wait3A_392 = tpu.memref_squeeze %dma_wait3A_391 : memref<1x32x1024xf32, #tpu.memory_space<vmem>> -> memref<32x1024xf32, #tpu.memory_space<vmem>>
    tpu.wait_dma2 semaphore(%arg11 : memref<!tpu.dma_semaphore, #tpu.memory_space<semaphore_mem>>) src(%dma_wait3A_392 : memref<32x1024xf32, #tpu.memory_space<vmem>>) dst(%dma_wait3A_388 : memref<32x1024xf32, #tpu.memory_space<hbm>>)
    %dma_start3A_393 = arith.constant 6 : i32
    %dma_start3A_394 = arith.constant 0 : i32
    %dma_start3A_395 = arith.constant 0 : i32
    %dma_start3A_396 = arith.constant 0 : i32
    %dma_start3A_397 = tpu.memref_slice %arg8[%dma_start3A_394, %dma_start3A_395, %dma_start3A_396] : memref<3x32x1024xf32, #tpu.memory_space<vmem>> -> memref<1x32x1024xf32, #tpu.memory_space<vmem>>
    %dma_start3A_398 = tpu.memref_squeeze %dma_start3A_397 : memref<1x32x1024xf32, #tpu.memory_space<vmem>> -> memref<32x1024xf32, #tpu.memory_space<vmem>>
    %dma_start3A_399 = arith.constant 0 : i32
    %dma_start3A_400 = tpu.memref_slice %arg7[%dma_start3A_393, %dma_start3A_399] : memref<8x32xi32, #tpu.memory_space<vmem>> -> memref<1x32xi32, #tpu.memory_space<vmem>>
    %dma_start3A_401 = tpu.memref_squeeze %dma_start3A_400 : memref<1x32xi32, #tpu.memory_space<vmem>> -> memref<32xi32, #tpu.memory_space<vmem>>
    %dma_start3A_402 = arith.constant 0 : i32
    %dma_start3A_403 = arith.constant 0 : i32
    %dma_start3A_404 = tpu.memref_slice %arg2[%dma_start3A_402, %dma_start3A_403] : memref<5120x1024xf32, #tpu.memory_space<hbm>> -> memref<5120x1024xf32, #tpu.memory_space<hbm>>
    tpu.enqueue_indirect_dma source(%dma_start3A_404 : memref<5120x1024xf32, #tpu.memory_space<hbm>>) target(%dma_start3A_398 : memref<32x1024xf32, #tpu.memory_space<vmem>>) offsets(%dma_start3A_401 : memref<32xi32, #tpu.memory_space<vmem>>) semaphore(%arg10 : memref<!tpu.dma_semaphore, #tpu.memory_space<semaphore_mem>>)
    %dma_wait3A_405 = arith.constant 4 : i32
    %dma_wait3A_406 = arith.constant 1 : i32
    %dma_wait3A_407 = arith.constant 0 : i32
    %dma_wait3A_408 = arith.constant 0 : i32
    %dma_wait3A_409 = tpu.memref_slice %arg8[%dma_wait3A_406, %dma_wait3A_407, %dma_wait3A_408] : memref<3x32x1024xf32, #tpu.memory_space<vmem>> -> memref<1x32x1024xf32, #tpu.memory_space<vmem>>
    %dma_wait3A_410 = tpu.memref_squeeze %dma_wait3A_409 : memref<1x32x1024xf32, #tpu.memory_space<vmem>> -> memref<32x1024xf32, #tpu.memory_space<vmem>>
    %dma_wait3A_411 = arith.constant 0 : i32
    %dma_wait3A_412 = tpu.memref_slice %arg7[%dma_wait3A_405, %dma_wait3A_411] : memref<8x32xi32, #tpu.memory_space<vmem>> -> memref<1x32xi32, #tpu.memory_space<vmem>>
    %dma_wait3A_413 = tpu.memref_squeeze %dma_wait3A_412 : memref<1x32xi32, #tpu.memory_space<vmem>> -> memref<32xi32, #tpu.memory_space<vmem>>
    %dma_wait3A_414 = arith.constant 0 : i32
    %dma_wait3A_415 = arith.constant 0 : i32
    %dma_wait3A_416 = tpu.memref_slice %arg2[%dma_wait3A_414, %dma_wait3A_415] : memref<5120x1024xf32, #tpu.memory_space<hbm>> -> memref<5120x1024xf32, #tpu.memory_space<hbm>>
    tpu.wait_indirect_dma semaphore(%arg10 : memref<!tpu.dma_semaphore, #tpu.memory_space<semaphore_mem>>) src(%dma_wait3A_416 : memref<5120x1024xf32, #tpu.memory_space<hbm>>) dst(%dma_wait3A_410 : memref<32x1024xf32, #tpu.memory_space<vmem>>)
    %add3A_417 = arith.constant 64 : i32
    %add3A_418 = arith.addi %mul3A_2, %add3A_417 : i32
    %dma_start3A_419 = arith.constant 1 : i32
    %dma_start3A_420 = arith.constant 0 : i32
    %dma_start3A_421 = arith.constant 0 : i32
    %dma_start3A_422 = tpu.memref_slice %arg8[%dma_start3A_419, %dma_start3A_420, %dma_start3A_421] : memref<3x32x1024xf32, #tpu.memory_space<vmem>> -> memref<1x32x1024xf32, #tpu.memory_space<vmem>>
    %dma_start3A_423 = tpu.memref_squeeze %dma_start3A_422 : memref<1x32x1024xf32, #tpu.memory_space<vmem>> -> memref<32x1024xf32, #tpu.memory_space<vmem>>
    %dma_start3A_424 = arith.constant 0 : i32
    %dma_start3A_425 = tpu.memref_slice %arg5[%add3A_418, %dma_start3A_424] : memref<4096x1024xf32, #tpu.memory_space<hbm>> -> memref<32x1024xf32, #tpu.memory_space<hbm>>
    %dma_start3A_426 = arith.constant 0 : i32
    %dma_start3A_427 = tpu.memref_slice %arg5[%add3A_418, %dma_start3A_426] : memref<4096x1024xf32, #tpu.memory_space<hbm>> -> memref<32x1024xf32, #tpu.memory_space<hbm>>
    %dma_start3A_428 = arith.constant 0 : i32
    %dma_start3A_429 = arith.constant 0 : i32
    %dma_start3A_430 = tpu.memref_slice %arg8[%dma_start3A_419, %dma_start3A_428, %dma_start3A_429] : memref<3x32x1024xf32, #tpu.memory_space<vmem>> -> memref<1x32x1024xf32, #tpu.memory_space<vmem>>
    %dma_start3A_431 = tpu.memref_squeeze %dma_start3A_430 : memref<1x32x1024xf32, #tpu.memory_space<vmem>> -> memref<32x1024xf32, #tpu.memory_space<vmem>>
    tpu.enqueue_dma source(%dma_start3A_431 : memref<32x1024xf32, #tpu.memory_space<vmem>>) target(%dma_start3A_427 : memref<32x1024xf32, #tpu.memory_space<hbm>>) target_semaphore(%arg11 : memref<!tpu.dma_semaphore, #tpu.memory_space<semaphore_mem>>)
    %dma_wait3A_432 = arith.constant 1 : i32
    %dma_wait3A_433 = arith.constant 0 : i32
    %dma_wait3A_434 = arith.constant 0 : i32
    %dma_wait3A_435 = tpu.memref_slice %arg8[%dma_wait3A_432, %dma_wait3A_433, %dma_wait3A_434] : memref<3x32x1024xf32, #tpu.memory_space<vmem>> -> memref<1x32x1024xf32, #tpu.memory_space<vmem>>
    %dma_wait3A_436 = tpu.memref_squeeze %dma_wait3A_435 : memref<1x32x1024xf32, #tpu.memory_space<vmem>> -> memref<32x1024xf32, #tpu.memory_space<vmem>>
    %dma_wait3A_437 = arith.constant 0 : i32
    %dma_wait3A_438 = tpu.memref_slice %arg5[%add3A_418, %dma_wait3A_437] : memref<4096x1024xf32, #tpu.memory_space<hbm>> -> memref<32x1024xf32, #tpu.memory_space<hbm>>
    %dma_wait3A_439 = arith.constant 0 : i32
    %dma_wait3A_440 = tpu.memref_slice %arg5[%add3A_418, %dma_wait3A_439] : memref<4096x1024xf32, #tpu.memory_space<hbm>> -> memref<32x1024xf32, #tpu.memory_space<hbm>>
    %dma_wait3A_441 = arith.constant 0 : i32
    %dma_wait3A_442 = arith.constant 0 : i32
    %dma_wait3A_443 = tpu.memref_slice %arg8[%dma_wait3A_432, %dma_wait3A_441, %dma_wait3A_442] : memref<3x32x1024xf32, #tpu.memory_space<vmem>> -> memref<1x32x1024xf32, #tpu.memory_space<vmem>>
    %dma_wait3A_444 = tpu.memref_squeeze %dma_wait3A_443 : memref<1x32x1024xf32, #tpu.memory_space<vmem>> -> memref<32x1024xf32, #tpu.memory_space<vmem>>
    tpu.wait_dma2 semaphore(%arg11 : memref<!tpu.dma_semaphore, #tpu.memory_space<semaphore_mem>>) src(%dma_wait3A_444 : memref<32x1024xf32, #tpu.memory_space<vmem>>) dst(%dma_wait3A_440 : memref<32x1024xf32, #tpu.memory_space<hbm>>)
    %dma_start3A_445 = arith.constant 7 : i32
    %dma_start3A_446 = arith.constant 1 : i32
    %dma_start3A_447 = arith.constant 0 : i32
    %dma_start3A_448 = arith.constant 0 : i32
    %dma_start3A_449 = tpu.memref_slice %arg8[%dma_start3A_446, %dma_start3A_447, %dma_start3A_448] : memref<3x32x1024xf32, #tpu.memory_space<vmem>> -> memref<1x32x1024xf32, #tpu.memory_space<vmem>>
    %dma_start3A_450 = tpu.memref_squeeze %dma_start3A_449 : memref<1x32x1024xf32, #tpu.memory_space<vmem>> -> memref<32x1024xf32, #tpu.memory_space<vmem>>
    %dma_start3A_451 = arith.constant 0 : i32
    %dma_start3A_452 = tpu.memref_slice %arg7[%dma_start3A_445, %dma_start3A_451] : memref<8x32xi32, #tpu.memory_space<vmem>> -> memref<1x32xi32, #tpu.memory_space<vmem>>
    %dma_start3A_453 = tpu.memref_squeeze %dma_start3A_452 : memref<1x32xi32, #tpu.memory_space<vmem>> -> memref<32xi32, #tpu.memory_space<vmem>>
    %dma_start3A_454 = arith.constant 0 : i32
    %dma_start3A_455 = arith.constant 0 : i32
    %dma_start3A_456 = tpu.memref_slice %arg2[%dma_start3A_454, %dma_start3A_455] : memref<5120x1024xf32, #tpu.memory_space<hbm>> -> memref<5120x1024xf32, #tpu.memory_space<hbm>>
    tpu.enqueue_indirect_dma source(%dma_start3A_456 : memref<5120x1024xf32, #tpu.memory_space<hbm>>) target(%dma_start3A_450 : memref<32x1024xf32, #tpu.memory_space<vmem>>) offsets(%dma_start3A_453 : memref<32xi32, #tpu.memory_space<vmem>>) semaphore(%arg10 : memref<!tpu.dma_semaphore, #tpu.memory_space<semaphore_mem>>)
    %dma_wait3A_457 = arith.constant 5 : i32
    %dma_wait3A_458 = arith.constant 2 : i32
    %dma_wait3A_459 = arith.constant 0 : i32
    %dma_wait3A_460 = arith.constant 0 : i32
    %dma_wait3A_461 = tpu.memref_slice %arg8[%dma_wait3A_458, %dma_wait3A_459, %dma_wait3A_460] : memref<3x32x1024xf32, #tpu.memory_space<vmem>> -> memref<1x32x1024xf32, #tpu.memory_space<vmem>>
    %dma_wait3A_462 = tpu.memref_squeeze %dma_wait3A_461 : memref<1x32x1024xf32, #tpu.memory_space<vmem>> -> memref<32x1024xf32, #tpu.memory_space<vmem>>
    %dma_wait3A_463 = arith.constant 0 : i32
    %dma_wait3A_464 = tpu.memref_slice %arg7[%dma_wait3A_457, %dma_wait3A_463] : memref<8x32xi32, #tpu.memory_space<vmem>> -> memref<1x32xi32, #tpu.memory_space<vmem>>
    %dma_wait3A_465 = tpu.memref_squeeze %dma_wait3A_464 : memref<1x32xi32, #tpu.memory_space<vmem>> -> memref<32xi32, #tpu.memory_space<vmem>>
    %dma_wait3A_466 = arith.constant 0 : i32
    %dma_wait3A_467 = arith.constant 0 : i32
    %dma_wait3A_468 = tpu.memref_slice %arg2[%dma_wait3A_466, %dma_wait3A_467] : memref<5120x1024xf32, #tpu.memory_space<hbm>> -> memref<5120x1024xf32, #tpu.memory_space<hbm>>
    tpu.wait_indirect_dma semaphore(%arg10 : memref<!tpu.dma_semaphore, #tpu.memory_space<semaphore_mem>>) src(%dma_wait3A_468 : memref<5120x1024xf32, #tpu.memory_space<hbm>>) dst(%dma_wait3A_462 : memref<32x1024xf32, #tpu.memory_space<vmem>>)
    %add3A_469 = arith.constant 64 : i32
    %add3A_470 = arith.addi %mul3A_2, %add3A_469 : i32
    %dma_start3A_471 = arith.constant 2 : i32
    %dma_start3A_472 = arith.constant 0 : i32
    %dma_start3A_473 = arith.constant 0 : i32
    %dma_start3A_474 = tpu.memref_slice %arg8[%dma_start3A_471, %dma_start3A_472, %dma_start3A_473] : memref<3x32x1024xf32, #tpu.memory_space<vmem>> -> memref<1x32x1024xf32, #tpu.memory_space<vmem>>
    %dma_start3A_475 = tpu.memref_squeeze %dma_start3A_474 : memref<1x32x1024xf32, #tpu.memory_space<vmem>> -> memref<32x1024xf32, #tpu.memory_space<vmem>>
    %dma_start3A_476 = arith.constant 0 : i32
    %dma_start3A_477 = tpu.memref_slice %arg6[%add3A_470, %dma_start3A_476] : memref<4096x1024xf32, #tpu.memory_space<hbm>> -> memref<32x1024xf32, #tpu.memory_space<hbm>>
    %dma_start3A_478 = arith.constant 0 : i32
    %dma_start3A_479 = tpu.memref_slice %arg6[%add3A_470, %dma_start3A_478] : memref<4096x1024xf32, #tpu.memory_space<hbm>> -> memref<32x1024xf32, #tpu.memory_space<hbm>>
    %dma_start3A_480 = arith.constant 0 : i32
    %dma_start3A_481 = arith.constant 0 : i32
    %dma_start3A_482 = tpu.memref_slice %arg8[%dma_start3A_471, %dma_start3A_480, %dma_start3A_481] : memref<3x32x1024xf32, #tpu.memory_space<vmem>> -> memref<1x32x1024xf32, #tpu.memory_space<vmem>>
    %dma_start3A_483 = tpu.memref_squeeze %dma_start3A_482 : memref<1x32x1024xf32, #tpu.memory_space<vmem>> -> memref<32x1024xf32, #tpu.memory_space<vmem>>
    tpu.enqueue_dma source(%dma_start3A_483 : memref<32x1024xf32, #tpu.memory_space<vmem>>) target(%dma_start3A_479 : memref<32x1024xf32, #tpu.memory_space<hbm>>) target_semaphore(%arg11 : memref<!tpu.dma_semaphore, #tpu.memory_space<semaphore_mem>>)
    %dma_wait3A_484 = arith.constant 6 : i32
    %dma_wait3A_485 = arith.constant 0 : i32
    %dma_wait3A_486 = arith.constant 0 : i32
    %dma_wait3A_487 = arith.constant 0 : i32
    %dma_wait3A_488 = tpu.memref_slice %arg8[%dma_wait3A_485, %dma_wait3A_486, %dma_wait3A_487] : memref<3x32x1024xf32, #tpu.memory_space<vmem>> -> memref<1x32x1024xf32, #tpu.memory_space<vmem>>
    %dma_wait3A_489 = tpu.memref_squeeze %dma_wait3A_488 : memref<1x32x1024xf32, #tpu.memory_space<vmem>> -> memref<32x1024xf32, #tpu.memory_space<vmem>>
    %dma_wait3A_490 = arith.constant 0 : i32
    %dma_wait3A_491 = tpu.memref_slice %arg7[%dma_wait3A_484, %dma_wait3A_490] : memref<8x32xi32, #tpu.memory_space<vmem>> -> memref<1x32xi32, #tpu.memory_space<vmem>>
    %dma_wait3A_492 = tpu.memref_squeeze %dma_wait3A_491 : memref<1x32xi32, #tpu.memory_space<vmem>> -> memref<32xi32, #tpu.memory_space<vmem>>
    %dma_wait3A_493 = arith.constant 0 : i32
    %dma_wait3A_494 = arith.constant 0 : i32
    %dma_wait3A_495 = tpu.memref_slice %arg2[%dma_wait3A_493, %dma_wait3A_494] : memref<5120x1024xf32, #tpu.memory_space<hbm>> -> memref<5120x1024xf32, #tpu.memory_space<hbm>>
    tpu.wait_indirect_dma semaphore(%arg10 : memref<!tpu.dma_semaphore, #tpu.memory_space<semaphore_mem>>) src(%dma_wait3A_495 : memref<5120x1024xf32, #tpu.memory_space<hbm>>) dst(%dma_wait3A_489 : memref<32x1024xf32, #tpu.memory_space<vmem>>)
    %add3A_496 = arith.constant 96 : i32
    %add3A_497 = arith.addi %mul3A_2, %add3A_496 : i32
    %dma_start3A_498 = arith.constant 0 : i32
    %dma_start3A_499 = arith.constant 0 : i32
    %dma_start3A_500 = arith.constant 0 : i32
    %dma_start3A_501 = tpu.memref_slice %arg8[%dma_start3A_498, %dma_start3A_499, %dma_start3A_500] : memref<3x32x1024xf32, #tpu.memory_space<vmem>> -> memref<1x32x1024xf32, #tpu.memory_space<vmem>>
    %dma_start3A_502 = tpu.memref_squeeze %dma_start3A_501 : memref<1x32x1024xf32, #tpu.memory_space<vmem>> -> memref<32x1024xf32, #tpu.memory_space<vmem>>
    %dma_start3A_503 = arith.constant 0 : i32
    %dma_start3A_504 = tpu.memref_slice %arg5[%add3A_497, %dma_start3A_503] : memref<4096x1024xf32, #tpu.memory_space<hbm>> -> memref<32x1024xf32, #tpu.memory_space<hbm>>
    %dma_start3A_505 = arith.constant 0 : i32
    %dma_start3A_506 = tpu.memref_slice %arg5[%add3A_497, %dma_start3A_505] : memref<4096x1024xf32, #tpu.memory_space<hbm>> -> memref<32x1024xf32, #tpu.memory_space<hbm>>
    %dma_start3A_507 = arith.constant 0 : i32
    %dma_start3A_508 = arith.constant 0 : i32
    %dma_start3A_509 = tpu.memref_slice %arg8[%dma_start3A_498, %dma_start3A_507, %dma_start3A_508] : memref<3x32x1024xf32, #tpu.memory_space<vmem>> -> memref<1x32x1024xf32, #tpu.memory_space<vmem>>
    %dma_start3A_510 = tpu.memref_squeeze %dma_start3A_509 : memref<1x32x1024xf32, #tpu.memory_space<vmem>> -> memref<32x1024xf32, #tpu.memory_space<vmem>>
    tpu.enqueue_dma source(%dma_start3A_510 : memref<32x1024xf32, #tpu.memory_space<vmem>>) target(%dma_start3A_506 : memref<32x1024xf32, #tpu.memory_space<hbm>>) target_semaphore(%arg11 : memref<!tpu.dma_semaphore, #tpu.memory_space<semaphore_mem>>)
    %dma_wait3A_511 = arith.constant 7 : i32
    %dma_wait3A_512 = arith.constant 1 : i32
    %dma_wait3A_513 = arith.constant 0 : i32
    %dma_wait3A_514 = arith.constant 0 : i32
    %dma_wait3A_515 = tpu.memref_slice %arg8[%dma_wait3A_512, %dma_wait3A_513, %dma_wait3A_514] : memref<3x32x1024xf32, #tpu.memory_space<vmem>> -> memref<1x32x1024xf32, #tpu.memory_space<vmem>>
    %dma_wait3A_516 = tpu.memref_squeeze %dma_wait3A_515 : memref<1x32x1024xf32, #tpu.memory_space<vmem>> -> memref<32x1024xf32, #tpu.memory_space<vmem>>
    %dma_wait3A_517 = arith.constant 0 : i32
    %dma_wait3A_518 = tpu.memref_slice %arg7[%dma_wait3A_511, %dma_wait3A_517] : memref<8x32xi32, #tpu.memory_space<vmem>> -> memref<1x32xi32, #tpu.memory_space<vmem>>
    %dma_wait3A_519 = tpu.memref_squeeze %dma_wait3A_518 : memref<1x32xi32, #tpu.memory_space<vmem>> -> memref<32xi32, #tpu.memory_space<vmem>>
    %dma_wait3A_520 = arith.constant 0 : i32
    %dma_wait3A_521 = arith.constant 0 : i32
    %dma_wait3A_522 = tpu.memref_slice %arg2[%dma_wait3A_520, %dma_wait3A_521] : memref<5120x1024xf32, #tpu.memory_space<hbm>> -> memref<5120x1024xf32, #tpu.memory_space<hbm>>
    tpu.wait_indirect_dma semaphore(%arg10 : memref<!tpu.dma_semaphore, #tpu.memory_space<semaphore_mem>>) src(%dma_wait3A_522 : memref<5120x1024xf32, #tpu.memory_space<hbm>>) dst(%dma_wait3A_516 : memref<32x1024xf32, #tpu.memory_space<vmem>>)
    %add3A_523 = arith.constant 96 : i32
    %add3A_524 = arith.addi %mul3A_2, %add3A_523 : i32
    %dma_start3A_525 = arith.constant 1 : i32
    %dma_start3A_526 = arith.constant 0 : i32
    %dma_start3A_527 = arith.constant 0 : i32
    %dma_start3A_528 = tpu.memref_slice %arg8[%dma_start3A_525, %dma_start3A_526, %dma_start3A_527] : memref<3x32x1024xf32, #tpu.memory_space<vmem>> -> memref<1x32x1024xf32, #tpu.memory_space<vmem>>
    %dma_start3A_529 = tpu.memref_squeeze %dma_start3A_528 : memref<1x32x1024xf32, #tpu.memory_space<vmem>> -> memref<32x1024xf32, #tpu.memory_space<vmem>>
    %dma_start3A_530 = arith.constant 0 : i32
    %dma_start3A_531 = tpu.memref_slice %arg6[%add3A_524, %dma_start3A_530] : memref<4096x1024xf32, #tpu.memory_space<hbm>> -> memref<32x1024xf32, #tpu.memory_space<hbm>>
    %dma_start3A_532 = arith.constant 0 : i32
    %dma_start3A_533 = tpu.memref_slice %arg6[%add3A_524, %dma_start3A_532] : memref<4096x1024xf32, #tpu.memory_space<hbm>> -> memref<32x1024xf32, #tpu.memory_space<hbm>>
    %dma_start3A_534 = arith.constant 0 : i32
    %dma_start3A_535 = arith.constant 0 : i32
    %dma_start3A_536 = tpu.memref_slice %arg8[%dma_start3A_525, %dma_start3A_534, %dma_start3A_535] : memref<3x32x1024xf32, #tpu.memory_space<vmem>> -> memref<1x32x1024xf32, #tpu.memory_space<vmem>>
    %dma_start3A_537 = tpu.memref_squeeze %dma_start3A_536 : memref<1x32x1024xf32, #tpu.memory_space<vmem>> -> memref<32x1024xf32, #tpu.memory_space<vmem>>
    tpu.enqueue_dma source(%dma_start3A_537 : memref<32x1024xf32, #tpu.memory_space<vmem>>) target(%dma_start3A_533 : memref<32x1024xf32, #tpu.memory_space<hbm>>) target_semaphore(%arg11 : memref<!tpu.dma_semaphore, #tpu.memory_space<semaphore_mem>>)
    %dma_wait3A_538 = arith.constant 2 : i32
    %dma_wait3A_539 = arith.constant 0 : i32
    %dma_wait3A_540 = arith.constant 0 : i32
    %dma_wait3A_541 = tpu.memref_slice %arg8[%dma_wait3A_538, %dma_wait3A_539, %dma_wait3A_540] : memref<3x32x1024xf32, #tpu.memory_space<vmem>> -> memref<1x32x1024xf32, #tpu.memory_space<vmem>>
    %dma_wait3A_542 = tpu.memref_squeeze %dma_wait3A_541 : memref<1x32x1024xf32, #tpu.memory_space<vmem>> -> memref<32x1024xf32, #tpu.memory_space<vmem>>
    %dma_wait3A_543 = arith.constant 0 : i32
    %dma_wait3A_544 = tpu.memref_slice %arg6[%add3A_470, %dma_wait3A_543] : memref<4096x1024xf32, #tpu.memory_space<hbm>> -> memref<32x1024xf32, #tpu.memory_space<hbm>>
    %dma_wait3A_545 = arith.constant 0 : i32
    %dma_wait3A_546 = tpu.memref_slice %arg6[%add3A_470, %dma_wait3A_545] : memref<4096x1024xf32, #tpu.memory_space<hbm>> -> memref<32x1024xf32, #tpu.memory_space<hbm>>
    %dma_wait3A_547 = arith.constant 0 : i32
    %dma_wait3A_548 = arith.constant 0 : i32
    %dma_wait3A_549 = tpu.memref_slice %arg8[%dma_wait3A_538, %dma_wait3A_547, %dma_wait3A_548] : memref<3x32x1024xf32, #tpu.memory_space<vmem>> -> memref<1x32x1024xf32, #tpu.memory_space<vmem>>
    %dma_wait3A_550 = tpu.memref_squeeze %dma_wait3A_549 : memref<1x32x1024xf32, #tpu.memory_space<vmem>> -> memref<32x1024xf32, #tpu.memory_space<vmem>>
    tpu.wait_dma2 semaphore(%arg11 : memref<!tpu.dma_semaphore, #tpu.memory_space<semaphore_mem>>) src(%dma_wait3A_550 : memref<32x1024xf32, #tpu.memory_space<vmem>>) dst(%dma_wait3A_546 : memref<32x1024xf32, #tpu.memory_space<hbm>>)
    %dma_wait3A_551 = arith.constant 0 : i32
    %dma_wait3A_552 = arith.constant 0 : i32
    %dma_wait3A_553 = arith.constant 0 : i32
    %dma_wait3A_554 = tpu.memref_slice %arg8[%dma_wait3A_551, %dma_wait3A_552, %dma_wait3A_553] : memref<3x32x1024xf32, #tpu.memory_space<vmem>> -> memref<1x32x1024xf32, #tpu.memory_space<vmem>>
    %dma_wait3A_555 = tpu.memref_squeeze %dma_wait3A_554 : memref<1x32x1024xf32, #tpu.memory_space<vmem>> -> memref<32x1024xf32, #tpu.memory_space<vmem>>
    %dma_wait3A_556 = arith.constant 0 : i32
    %dma_wait3A_557 = tpu.memref_slice %arg5[%add3A_497, %dma_wait3A_556] : memref<4096x1024xf32, #tpu.memory_space<hbm>> -> memref<32x1024xf32, #tpu.memory_space<hbm>>
    %dma_wait3A_558 = arith.constant 0 : i32
    %dma_wait3A_559 = tpu.memref_slice %arg5[%add3A_497, %dma_wait3A_558] : memref<4096x1024xf32, #tpu.memory_space<hbm>> -> memref<32x1024xf32, #tpu.memory_space<hbm>>
    %dma_wait3A_560 = arith.constant 0 : i32
    %dma_wait3A_561 = arith.constant 0 : i32
    %dma_wait3A_562 = tpu.memref_slice %arg8[%dma_wait3A_551, %dma_wait3A_560, %dma_wait3A_561] : memref<3x32x1024xf32, #tpu.memory_space<vmem>> -> memref<1x32x1024xf32, #tpu.memory_space<vmem>>
    %dma_wait3A_563 = tpu.memref_squeeze %dma_wait3A_562 : memref<1x32x1024xf32, #tpu.memory_space<vmem>> -> memref<32x1024xf32, #tpu.memory_space<vmem>>
    tpu.wait_dma2 semaphore(%arg11 : memref<!tpu.dma_semaphore, #tpu.memory_space<semaphore_mem>>) src(%dma_wait3A_563 : memref<32x1024xf32, #tpu.memory_space<vmem>>) dst(%dma_wait3A_559 : memref<32x1024xf32, #tpu.memory_space<hbm>>)
    %dma_wait3A_564 = arith.constant 1 : i32
    %dma_wait3A_565 = arith.constant 0 : i32
    %dma_wait3A_566 = arith.constant 0 : i32
    %dma_wait3A_567 = tpu.memref_slice %arg8[%dma_wait3A_564, %dma_wait3A_565, %dma_wait3A_566] : memref<3x32x1024xf32, #tpu.memory_space<vmem>> -> memref<1x32x1024xf32, #tpu.memory_space<vmem>>
    %dma_wait3A_568 = tpu.memref_squeeze %dma_wait3A_567 : memref<1x32x1024xf32, #tpu.memory_space<vmem>> -> memref<32x1024xf32, #tpu.memory_space<vmem>>
    %dma_wait3A_569 = arith.constant 0 : i32
    %dma_wait3A_570 = tpu.memref_slice %arg6[%add3A_524, %dma_wait3A_569] : memref<4096x1024xf32, #tpu.memory_space<hbm>> -> memref<32x1024xf32, #tpu.memory_space<hbm>>
    %dma_wait3A_571 = arith.constant 0 : i32
    %dma_wait3A_572 = tpu.memref_slice %arg6[%add3A_524, %dma_wait3A_571] : memref<4096x1024xf32, #tpu.memory_space<hbm>> -> memref<32x1024xf32, #tpu.memory_space<hbm>>
    %dma_wait3A_573 = arith.constant 0 : i32
    %dma_wait3A_574 = arith.constant 0 : i32
    %dma_wait3A_575 = tpu.memref_slice %arg8[%dma_wait3A_564, %dma_wait3A_573, %dma_wait3A_574] : memref<3x32x1024xf32, #tpu.memory_space<vmem>> -> memref<1x32x1024xf32, #tpu.memory_space<vmem>>
    %dma_wait3A_576 = tpu.memref_squeeze %dma_wait3A_575 : memref<1x32x1024xf32, #tpu.memory_space<vmem>> -> memref<32x1024xf32, #tpu.memory_space<vmem>>
    tpu.wait_dma2 semaphore(%arg11 : memref<!tpu.dma_semaphore, #tpu.memory_space<semaphore_mem>>) src(%dma_wait3A_576 : memref<32x1024xf32, #tpu.memory_space<vmem>>) dst(%dma_wait3A_572 : memref<32x1024xf32, #tpu.memory_space<hbm>>)
    return
  }
}

module attributes {stable_mosaic.version = 14 : i64} {
  func.func @_route_body(%arg0: memref<4096x8xf32, #tpu.memory_space<vmem>>, %arg1: memref<4096x1xi32, #tpu.memory_space<vmem>>, %arg2: memref<4096x1xi32, #tpu.memory_space<vmem>>, %arg3: memref<4096x1xi32, #tpu.memory_space<vmem>>, %arg4: memref<4096x1xi32, #tpu.memory_space<vmem>>, %arg5: memref<4096x1xi32, #tpu.memory_space<vmem>>, %arg6: memref<4096x1xi32, #tpu.memory_space<vmem>>, %arg7: memref<4096x1xf32, #tpu.memory_space<vmem>>, %arg8: memref<4096x1xf32, #tpu.memory_space<vmem>>, %arg9: memref<1x1xf32, #tpu.memory_space<vmem>>) attributes {dimension_semantics = [], scalar_prefetch = 0 : i64, scratch_operands = 0 : i64, tpu.core_type = #tpu.core_type<tc>} {
    %get3A = arith.constant 0 : index
    %get3A_0 = arith.constant 0 : index
    %get3A_1 = vector.load %arg0[%get3A, %get3A_0] : memref<4096x8xf32, #tpu.memory_space<vmem>>, vector<4096x8xf32>
    %bitcast_convert_type3A = tpu.bitcast %get3A_1 : vector<4096x8xf32> -> vector<4096x8xi32>
    %broadcast_in_dim3A = arith.constant 0 : i32
    %broadcast_in_dim3A_2 = vector.broadcast %broadcast_in_dim3A : i32 to vector<1x8xi32>
    %broadcast_in_dim3A_3 = arith.constant 2139095040 : i32
    %broadcast_in_dim3A_4 = vector.broadcast %broadcast_in_dim3A_3 : i32 to vector<1x8xi32>
    %scan3A = arith.constant 0 : i32
    %scan3A_5 = arith.constant 31 : i32
    %scan3A_6 = arith.addi %scan3A, %scan3A_5 : i32
    %scan3A_7 = arith.constant 1 : i32
    %scan3A_8:2 = scf.for %scan3A_198 = %scan3A to %scan3A_6 step %scan3A_7 iter_args(%scan3A_199 = %broadcast_in_dim3A_2, %scan3A_200 = %broadcast_in_dim3A_4) -> (vector<1x8xi32>, vector<1x8xi32>)  : i32 {
      %sub3A_201 = arith.subi %scan3A_200, %scan3A_199 : vector<1x8xi32>
      %jit3A_202 = arith.constant 2 : i32
      %div3A_203 = vector.broadcast %jit3A_202 : i32 to vector<1x8xi32>
      %div3A_204 = arith.divsi %sub3A_201, %div3A_203 : vector<1x8xi32>
      %sign3A = arith.constant 0 : i32
      %sign3A_205 = vector.broadcast %sign3A : i32 to vector<1x8xi32>
      %sign3A_206 = arith.cmpi sgt, %sub3A_201, %sign3A_205 : vector<1x8xi32>
      %sign3A_207 = arith.extui %sign3A_206 : vector<1x8xi1> to vector<1x8xi32>
      %sign3A_208 = arith.constant 0 : i32
      %sign3A_209 = vector.broadcast %sign3A_208 : i32 to vector<1x8xi32>
      %sign3A_210 = arith.cmpi slt, %sub3A_201, %sign3A_209 : vector<1x8xi32>
      %sign3A_211 = arith.extui %sign3A_210 : vector<1x8xi1> to vector<1x8xi32>
      %sign3A_212 = arith.subi %sign3A_207, %sign3A_211 : vector<1x8xi32>
      %sign3A_213 = arith.constant 0 : i32
      %sign3A_214 = arith.cmpi sgt, %jit3A_202, %sign3A_213 : i32
      %sign3A_215 = arith.extui %sign3A_214 : i1 to i32
      %sign3A_216 = arith.constant 0 : i32
      %sign3A_217 = arith.cmpi slt, %jit3A_202, %sign3A_216 : i32
      %sign3A_218 = arith.extui %sign3A_217 : i1 to i32
      %sign3A_219 = arith.subi %sign3A_215, %sign3A_218 : i32
      %ne3A = vector.broadcast %sign3A_219 : i32 to vector<1x8xi32>
      %ne3A_220 = arith.cmpi ne, %sign3A_212, %ne3A : vector<1x8xi32>
      %rem3A = vector.broadcast %jit3A_202 : i32 to vector<1x8xi32>
      %rem3A_221 = arith.remsi %sub3A_201, %rem3A : vector<1x8xi32>
      %ne3A_222 = arith.constant 0 : i32
      %ne3A_223 = vector.broadcast %ne3A_222 : i32 to vector<1x8xi32>
      %ne3A_224 = arith.cmpi ne, %rem3A_221, %ne3A_223 : vector<1x8xi32>
      %and3A_225 = arith.andi %ne3A_220, %ne3A_224 : vector<1x8xi1>
      %sub3A_226 = arith.constant 1 : i32
      %sub3A_227 = vector.broadcast %sub3A_226 : i32 to vector<1x8xi32>
      %sub3A_228 = arith.subi %div3A_204, %sub3A_227 : vector<1x8xi32>
      %select_n3A_229 = arith.select %and3A_225, %sub3A_228, %div3A_204 : vector<1x8xi1>, vector<1x8xi32>
      %add3A_230 = arith.addi %scan3A_199, %select_n3A_229 : vector<1x8xi32>
      %ge3A_231 = vector.broadcast %add3A_230 : vector<1x8xi32> to vector<4096x8xi32>
      %ge3A_232 = arith.cmpi sge, %bitcast_convert_type3A, %ge3A_231 : vector<4096x8xi32>
      %convert_element_type3A_233 = arith.extui %ge3A_232 : vector<4096x8xi1> to vector<4096x8xi32>
      %reduce_sum3A_234 = arith.constant dense<0> : vector<8xi32>
      %reduce_sum3A_235 = vector.multi_reduction <add>, %convert_element_type3A_233, %reduce_sum3A_234 [0] : vector<4096x8xi32> to vector<8xi32>
      %broadcast_in_dim3A_236 = vector.shape_cast %reduce_sum3A_235 : vector<8xi32> to vector<1x8xi32>
      %ge3A_237 = arith.constant 640 : i32
      %ge3A_238 = vector.broadcast %ge3A_237 : i32 to vector<1x8xi32>
      %ge3A_239 = arith.cmpi sge, %broadcast_in_dim3A_236, %ge3A_238 : vector<1x8xi32>
      %select_n3A_240 = arith.select %ge3A_239, %add3A_230, %scan3A_199 : vector<1x8xi1>, vector<1x8xi32>
      %select_n3A_241 = arith.select %ge3A_239, %scan3A_200, %add3A_230 : vector<1x8xi1>, vector<1x8xi32>
      scf.yield %select_n3A_240, %select_n3A_241 : vector<1x8xi32>, vector<1x8xi32>
    }
    %ge3A = vector.broadcast %scan3A_8#0 : vector<1x8xi32> to vector<4096x8xi32>
    %ge3A_9 = arith.cmpi sge, %bitcast_convert_type3A, %ge3A : vector<4096x8xi32>
    %jit3A = arith.constant 0.000000e+00 : f32
    %broadcast_in_dim3A_10 = vector.broadcast %jit3A : f32 to vector<4096x8xf32>
    %select_n3A = arith.select %ge3A_9, %get3A_1, %broadcast_in_dim3A_10 : vector<4096x8xi1>, vector<4096x8xf32>
    %reduce_sum3A = arith.constant dense<0.000000e+00> : vector<4096xf32>
    %reduce_sum3A_11 = vector.multi_reduction <add>, %select_n3A, %reduce_sum3A [1] : vector<4096x8xf32> to vector<4096xf32>
    %broadcast_in_dim3A_12 = vector.shape_cast %reduce_sum3A_11 : vector<4096xf32> to vector<4096x1xf32>
    %add3A = arith.constant 9.99999971E-10 : f32
    %add3A_13 = vector.broadcast %add3A : f32 to vector<4096x1xf32>
    %add3A_14 = arith.addf %broadcast_in_dim3A_12, %add3A_13 : vector<4096x1xf32>
    %div3A = vector.broadcast %add3A_14 : vector<4096x1xf32> to vector<4096x8xf32>
    %div3A_15 = arith.divf %select_n3A, %div3A : vector<4096x8xf32>
    %gt3A = arith.constant 0.000000e+00 : f32
    %gt3A_16 = vector.broadcast %gt3A : f32 to vector<4096x8xf32>
    %gt3A_17 = arith.cmpf ogt, %select_n3A, %gt3A_16 : vector<4096x8xf32>
    %convert_element_type3A = arith.extui %gt3A_17 : vector<4096x8xi1> to vector<4096x8xi32>
    %broadcast_in_dim3A_18 = arith.constant 0 : i32
    %broadcast_in_dim3A_19 = vector.broadcast %broadcast_in_dim3A_18 : i32 to vector<1x8xi32>
    %slice3A = vector.extract_strided_slice %convert_element_type3A {offsets = [0, 0], sizes = [4095, 8], strides = [1, 1]} : vector<4096x8xi32> to vector<4095x8xi32>
    %concatenate3A = tpu.concatenate %broadcast_in_dim3A_19, %slice3A in 0 : vector<1x8xi32>, vector<4095x8xi32> -> vector<4096x8xi32>
    %add3A_20 = arith.addi %convert_element_type3A, %concatenate3A : vector<4096x8xi32>
    %broadcast_in_dim3A_21 = arith.constant 0 : i32
    %broadcast_in_dim3A_22 = vector.broadcast %broadcast_in_dim3A_21 : i32 to vector<2x8xi32>
    %slice3A_23 = vector.extract_strided_slice %add3A_20 {offsets = [0, 0], sizes = [4094, 8], strides = [1, 1]} : vector<4096x8xi32> to vector<4094x8xi32>
    %concatenate3A_24 = tpu.concatenate %broadcast_in_dim3A_22, %slice3A_23 in 0 : vector<2x8xi32>, vector<4094x8xi32> -> vector<4096x8xi32>
    %add3A_25 = arith.addi %add3A_20, %concatenate3A_24 : vector<4096x8xi32>
    %broadcast_in_dim3A_26 = arith.constant 0 : i32
    %broadcast_in_dim3A_27 = vector.broadcast %broadcast_in_dim3A_26 : i32 to vector<4x8xi32>
    %slice3A_28 = vector.extract_strided_slice %add3A_25 {offsets = [0, 0], sizes = [4092, 8], strides = [1, 1]} : vector<4096x8xi32> to vector<4092x8xi32>
    %concatenate3A_29 = tpu.concatenate %broadcast_in_dim3A_27, %slice3A_28 in 0 : vector<4x8xi32>, vector<4092x8xi32> -> vector<4096x8xi32>
    %add3A_30 = arith.addi %add3A_25, %concatenate3A_29 : vector<4096x8xi32>
    %broadcast_in_dim3A_31 = arith.constant 0 : i32
    %broadcast_in_dim3A_32 = vector.broadcast %broadcast_in_dim3A_31 : i32 to vector<8x8xi32>
    %slice3A_33 = vector.extract_strided_slice %add3A_30 {offsets = [0, 0], sizes = [4088, 8], strides = [1, 1]} : vector<4096x8xi32> to vector<4088x8xi32>
    %concatenate3A_34 = tpu.concatenate %broadcast_in_dim3A_32, %slice3A_33 in 0 : vector<8x8xi32>, vector<4088x8xi32> -> vector<4096x8xi32>
    %add3A_35 = arith.addi %add3A_30, %concatenate3A_34 : vector<4096x8xi32>
    %broadcast_in_dim3A_36 = arith.constant 0 : i32
    %broadcast_in_dim3A_37 = vector.broadcast %broadcast_in_dim3A_36 : i32 to vector<16x8xi32>
    %slice3A_38 = vector.extract_strided_slice %add3A_35 {offsets = [0, 0], sizes = [4080, 8], strides = [1, 1]} : vector<4096x8xi32> to vector<4080x8xi32>
    %concatenate3A_39 = tpu.concatenate %broadcast_in_dim3A_37, %slice3A_38 in 0 : vector<16x8xi32>, vector<4080x8xi32> -> vector<4096x8xi32>
    %add3A_40 = arith.addi %add3A_35, %concatenate3A_39 : vector<4096x8xi32>
    %broadcast_in_dim3A_41 = arith.constant 0 : i32
    %broadcast_in_dim3A_42 = vector.broadcast %broadcast_in_dim3A_41 : i32 to vector<32x8xi32>
    %slice3A_43 = vector.extract_strided_slice %add3A_40 {offsets = [0, 0], sizes = [4064, 8], strides = [1, 1]} : vector<4096x8xi32> to vector<4064x8xi32>
    %concatenate3A_44 = tpu.concatenate %broadcast_in_dim3A_42, %slice3A_43 in 0 : vector<32x8xi32>, vector<4064x8xi32> -> vector<4096x8xi32>
    %add3A_45 = arith.addi %add3A_40, %concatenate3A_44 : vector<4096x8xi32>
    %broadcast_in_dim3A_46 = arith.constant 0 : i32
    %broadcast_in_dim3A_47 = vector.broadcast %broadcast_in_dim3A_46 : i32 to vector<64x8xi32>
    %slice3A_48 = vector.extract_strided_slice %add3A_45 {offsets = [0, 0], sizes = [4032, 8], strides = [1, 1]} : vector<4096x8xi32> to vector<4032x8xi32>
    %concatenate3A_49 = tpu.concatenate %broadcast_in_dim3A_47, %slice3A_48 in 0 : vector<64x8xi32>, vector<4032x8xi32> -> vector<4096x8xi32>
    %add3A_50 = arith.addi %add3A_45, %concatenate3A_49 : vector<4096x8xi32>
    %broadcast_in_dim3A_51 = arith.constant 0 : i32
    %broadcast_in_dim3A_52 = vector.broadcast %broadcast_in_dim3A_51 : i32 to vector<128x8xi32>
    %slice3A_53 = vector.extract_strided_slice %add3A_50 {offsets = [0, 0], sizes = [3968, 8], strides = [1, 1]} : vector<4096x8xi32> to vector<3968x8xi32>
    %concatenate3A_54 = tpu.concatenate %broadcast_in_dim3A_52, %slice3A_53 in 0 : vector<128x8xi32>, vector<3968x8xi32> -> vector<4096x8xi32>
    %add3A_55 = arith.addi %add3A_50, %concatenate3A_54 : vector<4096x8xi32>
    %broadcast_in_dim3A_56 = arith.constant 0 : i32
    %broadcast_in_dim3A_57 = vector.broadcast %broadcast_in_dim3A_56 : i32 to vector<256x8xi32>
    %slice3A_58 = vector.extract_strided_slice %add3A_55 {offsets = [0, 0], sizes = [3840, 8], strides = [1, 1]} : vector<4096x8xi32> to vector<3840x8xi32>
    %concatenate3A_59 = tpu.concatenate %broadcast_in_dim3A_57, %slice3A_58 in 0 : vector<256x8xi32>, vector<3840x8xi32> -> vector<4096x8xi32>
    %add3A_60 = arith.addi %add3A_55, %concatenate3A_59 : vector<4096x8xi32>
    %broadcast_in_dim3A_61 = arith.constant 0 : i32
    %broadcast_in_dim3A_62 = vector.broadcast %broadcast_in_dim3A_61 : i32 to vector<512x8xi32>
    %slice3A_63 = vector.extract_strided_slice %add3A_60 {offsets = [0, 0], sizes = [3584, 8], strides = [1, 1]} : vector<4096x8xi32> to vector<3584x8xi32>
    %concatenate3A_64 = tpu.concatenate %broadcast_in_dim3A_62, %slice3A_63 in 0 : vector<512x8xi32>, vector<3584x8xi32> -> vector<4096x8xi32>
    %add3A_65 = arith.addi %add3A_60, %concatenate3A_64 : vector<4096x8xi32>
    %broadcast_in_dim3A_66 = arith.constant 0 : i32
    %broadcast_in_dim3A_67 = vector.broadcast %broadcast_in_dim3A_66 : i32 to vector<1024x8xi32>
    %slice3A_68 = vector.extract_strided_slice %add3A_65 {offsets = [0, 0], sizes = [3072, 8], strides = [1, 1]} : vector<4096x8xi32> to vector<3072x8xi32>
    %concatenate3A_69 = tpu.concatenate %broadcast_in_dim3A_67, %slice3A_68 in 0 : vector<1024x8xi32>, vector<3072x8xi32> -> vector<4096x8xi32>
    %add3A_70 = arith.addi %add3A_65, %concatenate3A_69 : vector<4096x8xi32>
    %broadcast_in_dim3A_71 = arith.constant 0 : i32
    %broadcast_in_dim3A_72 = vector.broadcast %broadcast_in_dim3A_71 : i32 to vector<2048x8xi32>
    %slice3A_73 = vector.extract_strided_slice %add3A_70 {offsets = [0, 0], sizes = [2048, 8], strides = [1, 1]} : vector<4096x8xi32> to vector<2048x8xi32>
    %concatenate3A_74 = tpu.concatenate %broadcast_in_dim3A_72, %slice3A_73 in 0 : vector<2048x8xi32>, vector<2048x8xi32> -> vector<4096x8xi32>
    %add3A_75 = arith.addi %add3A_70, %concatenate3A_74 : vector<4096x8xi32>
    %sub3A = arith.subi %add3A_75, %convert_element_type3A : vector<4096x8xi32>
    %iota3A = tpu.iota {dimensions = array<i32: 1>} : vector<4096x8xi32>
    %get3A_76 = arith.constant 0 : index
    %get3A_77 = arith.constant 0 : index
    %get3A_78 = vector.load %arg1[%get3A_76, %get3A_77] : memref<4096x1xi32, #tpu.memory_space<vmem>>, vector<4096x1xi32>
    %eq3A = vector.broadcast %get3A_78 : vector<4096x1xi32> to vector<4096x8xi32>
    %eq3A_79 = arith.cmpi eq, %iota3A, %eq3A : vector<4096x8xi32>
    %jit3A_80 = arith.constant 0 : i32
    %broadcast_in_dim3A_81 = vector.broadcast %jit3A_80 : i32 to vector<4096x8xi32>
    %select_n3A_82 = arith.select %eq3A_79, %sub3A, %broadcast_in_dim3A_81 : vector<4096x8xi1>, vector<4096x8xi32>
    %reduce_sum3A_83 = arith.constant dense<0> : vector<4096xi32>
    %reduce_sum3A_84 = vector.multi_reduction <add>, %select_n3A_82, %reduce_sum3A_83 [1] : vector<4096x8xi32> to vector<4096xi32>
    %broadcast_in_dim3A_85 = vector.shape_cast %reduce_sum3A_84 : vector<4096xi32> to vector<4096x1xi32>
    %and3A = arith.andi %eq3A_79, %gt3A_17 : vector<4096x8xi1>
    %jit3A_86 = arith.constant 1 : i32
    %jit3A_87 = arith.constant 0 : i32
    %broadcast_in_dim3A_88 = vector.broadcast %jit3A_86 : i32 to vector<4096x8xi32>
    %broadcast_in_dim3A_89 = vector.broadcast %jit3A_87 : i32 to vector<4096x8xi32>
    %select_n3A_90 = arith.select %and3A, %broadcast_in_dim3A_88, %broadcast_in_dim3A_89 : vector<4096x8xi1>, vector<4096x8xi32>
    %reduce_sum3A_91 = arith.constant dense<0> : vector<4096xi32>
    %reduce_sum3A_92 = vector.multi_reduction <add>, %select_n3A_90, %reduce_sum3A_91 [1] : vector<4096x8xi32> to vector<4096xi32>
    %broadcast_in_dim3A_93 = vector.shape_cast %reduce_sum3A_92 : vector<4096xi32> to vector<4096x1xi32>
    %gt3A_94 = arith.constant 0 : i32
    %gt3A_95 = vector.broadcast %gt3A_94 : i32 to vector<4096x1xi32>
    %gt3A_96 = arith.cmpi sgt, %broadcast_in_dim3A_93, %gt3A_95 : vector<4096x1xi32>
    %jit3A_97 = arith.constant 0.000000e+00 : f32
    %broadcast_in_dim3A_98 = vector.broadcast %jit3A_97 : f32 to vector<4096x8xf32>
    %select_n3A_99 = arith.select %eq3A_79, %div3A_15, %broadcast_in_dim3A_98 : vector<4096x8xi1>, vector<4096x8xf32>
    %reduce_sum3A_100 = arith.constant dense<0.000000e+00> : vector<4096xf32>
    %reduce_sum3A_101 = vector.multi_reduction <add>, %select_n3A_99, %reduce_sum3A_100 [1] : vector<4096x8xf32> to vector<4096xf32>
    %broadcast_in_dim3A_102 = vector.shape_cast %reduce_sum3A_101 : vector<4096xf32> to vector<4096x1xf32>
    %mul3A = arith.constant 640 : i32
    %mul3A_103 = vector.broadcast %mul3A : i32 to vector<4096x1xi32>
    %mul3A_104 = arith.muli %get3A_78, %mul3A_103 : vector<4096x1xi32>
    %add3A_105 = arith.addi %mul3A_104, %broadcast_in_dim3A_85 : vector<4096x1xi32>
    %jit3A_106 = arith.constant 5120 : i32
    %broadcast_in_dim3A_107 = vector.broadcast %jit3A_106 : i32 to vector<4096x1xi32>
    %select_n3A_108 = arith.select %gt3A_96, %add3A_105, %broadcast_in_dim3A_107 : vector<4096x1xi1>, vector<4096x1xi32>
    %jit3A_109 = arith.constant 0 : i32
    %broadcast_in_dim3A_110 = vector.broadcast %jit3A_109 : i32 to vector<4096x1xi32>
    %select_n3A_111 = arith.select %gt3A_96, %add3A_105, %broadcast_in_dim3A_110 : vector<4096x1xi1>, vector<4096x1xi32>
    %get3A_112 = arith.constant 0 : index
    %get3A_113 = arith.constant 0 : index
    %get3A_114 = vector.load %arg2[%get3A_112, %get3A_113] : memref<4096x1xi32, #tpu.memory_space<vmem>>, vector<4096x1xi32>
    %eq3A_115 = vector.broadcast %get3A_114 : vector<4096x1xi32> to vector<4096x8xi32>
    %eq3A_116 = arith.cmpi eq, %iota3A, %eq3A_115 : vector<4096x8xi32>
    %jit3A_117 = arith.constant 0 : i32
    %broadcast_in_dim3A_118 = vector.broadcast %jit3A_117 : i32 to vector<4096x8xi32>
    %select_n3A_119 = arith.select %eq3A_116, %sub3A, %broadcast_in_dim3A_118 : vector<4096x8xi1>, vector<4096x8xi32>
    %reduce_sum3A_120 = arith.constant dense<0> : vector<4096xi32>
    %reduce_sum3A_121 = vector.multi_reduction <add>, %select_n3A_119, %reduce_sum3A_120 [1] : vector<4096x8xi32> to vector<4096xi32>
    %broadcast_in_dim3A_122 = vector.shape_cast %reduce_sum3A_121 : vector<4096xi32> to vector<4096x1xi32>
    %and3A_123 = arith.andi %eq3A_116, %gt3A_17 : vector<4096x8xi1>
    %jit3A_124 = arith.constant 1 : i32
    %jit3A_125 = arith.constant 0 : i32
    %broadcast_in_dim3A_126 = vector.broadcast %jit3A_124 : i32 to vector<4096x8xi32>
    %broadcast_in_dim3A_127 = vector.broadcast %jit3A_125 : i32 to vector<4096x8xi32>
    %select_n3A_128 = arith.select %and3A_123, %broadcast_in_dim3A_126, %broadcast_in_dim3A_127 : vector<4096x8xi1>, vector<4096x8xi32>
    %reduce_sum3A_129 = arith.constant dense<0> : vector<4096xi32>
    %reduce_sum3A_130 = vector.multi_reduction <add>, %select_n3A_128, %reduce_sum3A_129 [1] : vector<4096x8xi32> to vector<4096xi32>
    %broadcast_in_dim3A_131 = vector.shape_cast %reduce_sum3A_130 : vector<4096xi32> to vector<4096x1xi32>
    %gt3A_132 = arith.constant 0 : i32
    %gt3A_133 = vector.broadcast %gt3A_132 : i32 to vector<4096x1xi32>
    %gt3A_134 = arith.cmpi sgt, %broadcast_in_dim3A_131, %gt3A_133 : vector<4096x1xi32>
    %jit3A_135 = arith.constant 0.000000e+00 : f32
    %broadcast_in_dim3A_136 = vector.broadcast %jit3A_135 : f32 to vector<4096x8xf32>
    %select_n3A_137 = arith.select %eq3A_116, %div3A_15, %broadcast_in_dim3A_136 : vector<4096x8xi1>, vector<4096x8xf32>
    %reduce_sum3A_138 = arith.constant dense<0.000000e+00> : vector<4096xf32>
    %reduce_sum3A_139 = vector.multi_reduction <add>, %select_n3A_137, %reduce_sum3A_138 [1] : vector<4096x8xf32> to vector<4096xf32>
    %broadcast_in_dim3A_140 = vector.shape_cast %reduce_sum3A_139 : vector<4096xf32> to vector<4096x1xf32>
    %mul3A_141 = arith.constant 640 : i32
    %mul3A_142 = vector.broadcast %mul3A_141 : i32 to vector<4096x1xi32>
    %mul3A_143 = arith.muli %get3A_114, %mul3A_142 : vector<4096x1xi32>
    %add3A_144 = arith.addi %mul3A_143, %broadcast_in_dim3A_122 : vector<4096x1xi32>
    %jit3A_145 = arith.constant 5120 : i32
    %broadcast_in_dim3A_146 = vector.broadcast %jit3A_145 : i32 to vector<4096x1xi32>
    %select_n3A_147 = arith.select %gt3A_134, %add3A_144, %broadcast_in_dim3A_146 : vector<4096x1xi1>, vector<4096x1xi32>
    %jit3A_148 = arith.constant 0 : i32
    %broadcast_in_dim3A_149 = vector.broadcast %jit3A_148 : i32 to vector<4096x1xi32>
    %select_n3A_150 = arith.select %gt3A_134, %add3A_144, %broadcast_in_dim3A_149 : vector<4096x1xi1>, vector<4096x1xi32>
    %swap3A = arith.constant 0 : index
    %swap3A_151 = arith.constant 0 : index
    %swap3A_152 = vector.load %arg3[%swap3A, %swap3A_151] : memref<4096x1xi32, #tpu.memory_space<vmem>>, vector<4096x1xi32>
    tpu.vector_store %arg3[%swap3A, %swap3A_151], %select_n3A_108 {strides = array<i32>} : memref<4096x1xi32, #tpu.memory_space<vmem>>, vector<4096x1xi32>,
    %swap3A_153 = arith.constant 0 : index
    %swap3A_154 = arith.constant 0 : index
    %swap3A_155 = vector.load %arg4[%swap3A_153, %swap3A_154] : memref<4096x1xi32, #tpu.memory_space<vmem>>, vector<4096x1xi32>
    tpu.vector_store %arg4[%swap3A_153, %swap3A_154], %select_n3A_147 {strides = array<i32>} : memref<4096x1xi32, #tpu.memory_space<vmem>>, vector<4096x1xi32>,
    %swap3A_156 = arith.constant 0 : index
    %swap3A_157 = arith.constant 0 : index
    %swap3A_158 = vector.load %arg5[%swap3A_156, %swap3A_157] : memref<4096x1xi32, #tpu.memory_space<vmem>>, vector<4096x1xi32>
    tpu.vector_store %arg5[%swap3A_156, %swap3A_157], %select_n3A_111 {strides = array<i32>} : memref<4096x1xi32, #tpu.memory_space<vmem>>, vector<4096x1xi32>,
    %swap3A_159 = arith.constant 0 : index
    %swap3A_160 = arith.constant 0 : index
    %swap3A_161 = vector.load %arg6[%swap3A_159, %swap3A_160] : memref<4096x1xi32, #tpu.memory_space<vmem>>, vector<4096x1xi32>
    tpu.vector_store %arg6[%swap3A_159, %swap3A_160], %select_n3A_150 {strides = array<i32>} : memref<4096x1xi32, #tpu.memory_space<vmem>>, vector<4096x1xi32>,
    %swap3A_162 = arith.constant 0 : index
    %swap3A_163 = arith.constant 0 : index
    %swap3A_164 = vector.load %arg7[%swap3A_162, %swap3A_163] : memref<4096x1xf32, #tpu.memory_space<vmem>>, vector<4096x1xf32>
    tpu.vector_store %arg7[%swap3A_162, %swap3A_163], %broadcast_in_dim3A_102 {strides = array<i32>} : memref<4096x1xf32, #tpu.memory_space<vmem>>, vector<4096x1xf32>,
    %swap3A_165 = arith.constant 0 : index
    %swap3A_166 = arith.constant 0 : index
    %swap3A_167 = vector.load %arg8[%swap3A_165, %swap3A_166] : memref<4096x1xf32, #tpu.memory_space<vmem>>, vector<4096x1xf32>
    tpu.vector_store %arg8[%swap3A_165, %swap3A_166], %broadcast_in_dim3A_140 {strides = array<i32>} : memref<4096x1xf32, #tpu.memory_space<vmem>>, vector<4096x1xf32>,
    %reduce_sum3A_168 = arith.constant dense<0.000000e+00> : vector<8xf32>
    %reduce_sum3A_169 = vector.multi_reduction <add>, %div3A_15, %reduce_sum3A_168 [0] : vector<4096x8xf32> to vector<8xf32>
    %div3A_170 = arith.constant 4.096000e+03 : f32
    %div3A_171 = vector.broadcast %div3A_170 : f32 to vector<8xf32>
    %div3A_172 = arith.divf %reduce_sum3A_169, %div3A_171 : vector<8xf32>
    %convert_element_type3A_173 = arith.extui %gt3A_17 : vector<4096x8xi1> to vector<4096x8xi32>
    %convert_element_type3A_174 = arith.sitofp %convert_element_type3A_173 : vector<4096x8xi32> to vector<4096x8xf32>
    %reduce_sum3A_175 = arith.constant dense<0.000000e+00> : vector<8xf32>
    %reduce_sum3A_176 = vector.multi_reduction <add>, %convert_element_type3A_174, %reduce_sum3A_175 [0] : vector<4096x8xf32> to vector<8xf32>
    %div3A_177 = arith.constant 4.096000e+03 : f32
    %div3A_178 = vector.broadcast %div3A_177 : f32 to vector<8xf32>
    %div3A_179 = arith.divf %reduce_sum3A_176, %div3A_178 : vector<8xf32>
    %mul3A_180 = arith.mulf %div3A_172, %div3A_172 : vector<8xf32>
    %reduce_sum3A_181 = vector.shape_cast %mul3A_180 : vector<8xf32> to vector<1x8xf32>
    %reduce_sum3A_182 = arith.constant dense<0.000000e+00> : vector<1xf32>
    %reduce_sum3A_183 = vector.multi_reduction <add>, %reduce_sum3A_181, %reduce_sum3A_182 [1] : vector<1x8xf32> to vector<1xf32>
    %reduce_sum3A_184 = vector.shape_cast %reduce_sum3A_183 : vector<1xf32> to vector<1x1xf32>
    %reduce_sum3A_185 = vector.extract %reduce_sum3A_184[0, 0] : f32 from vector<1x1xf32>
    %mul3A_186 = arith.mulf %div3A_179, %div3A_179 : vector<8xf32>
    %reduce_sum3A_187 = vector.shape_cast %mul3A_186 : vector<8xf32> to vector<1x8xf32>
    %reduce_sum3A_188 = arith.constant dense<0.000000e+00> : vector<1xf32>
    %reduce_sum3A_189 = vector.multi_reduction <add>, %reduce_sum3A_187, %reduce_sum3A_188 [1] : vector<1x8xf32> to vector<1xf32>
    %reduce_sum3A_190 = vector.shape_cast %reduce_sum3A_189 : vector<1xf32> to vector<1x1xf32>
    %reduce_sum3A_191 = vector.extract %reduce_sum3A_190[0, 0] : f32 from vector<1x1xf32>
    %add3A_192 = arith.addf %reduce_sum3A_185, %reduce_sum3A_191 : f32
    %mul3A_193 = arith.constant 4.000000e-02 : f32
    %mul3A_194 = arith.mulf %mul3A_193, %add3A_192 : f32
    %reshape3A = vector.broadcast %mul3A_194 : f32 to vector<1x1xf32>
    %swap3A_195 = arith.constant 0 : index
    %swap3A_196 = arith.constant 0 : index
    %swap3A_197 = vector.load %arg9[%swap3A_195, %swap3A_196] : memref<1x1xf32, #tpu.memory_space<vmem>>, vector<1x1xf32>
    tpu.vector_store %arg9[%swap3A_195, %swap3A_196], %reshape3A {strides = array<i32>} : memref<1x1xf32, #tpu.memory_space<vmem>>, vector<1x1xf32>,
    return
  }
}

module attributes {stable_mosaic.version = 14 : i64} {
  func.func @_gate_body(%arg0: i32, %arg1: memref<2048x1024xf32, #tpu.memory_space<vmem>>, %arg2: memref<8x1024xf32, #tpu.memory_space<vmem>>, %arg3: memref<1x8xf32, #tpu.memory_space<vmem>>, %arg4: memref<2048x8xf32, #tpu.memory_space<vmem>>, %arg5: memref<2048x1xi32, #tpu.memory_space<vmem>>, %arg6: memref<2048x1xi32, #tpu.memory_space<vmem>>) attributes {dimension_semantics = [#tpu.dimension_semantics<arbitrary>], iteration_bounds = array<i64: 2>, scalar_prefetch = 0 : i64, scratch_operands = 0 : i64, tpu.core_type = #tpu.core_type<tc>, window_params = [{transform_indices = @transform_0, window_bounds = array<i64: 2048, 1024>}, {pipeline_mode = #tpu.pipeline_mode<synchronous>, transform_indices = @transform_1, window_bounds = array<i64: 8, 1024>}, {pipeline_mode = #tpu.pipeline_mode<synchronous>, transform_indices = @transform_2, window_bounds = array<i64: 1, 8>}, {transform_indices = @transform_3, window_bounds = array<i64: 2048, 8>}, {transform_indices = @transform_4, window_bounds = array<i64: 2048, 1>}, {transform_indices = @transform_5, window_bounds = array<i64: 2048, 1>}]} {
    %get3A = arith.constant 0 : index
    %get3A_0 = arith.constant 0 : index
    %get3A_1 = vector.load %arg1[%get3A, %get3A_0] : memref<2048x1024xf32, #tpu.memory_space<vmem>>, vector<2048x1024xf32>
    %get3A_2 = arith.constant 0 : index
    %get3A_3 = arith.constant 0 : index
    %get3A_4 = vector.load %arg2[%get3A_2, %get3A_3] : memref<8x1024xf32, #tpu.memory_space<vmem>>, vector<8x1024xf32>
    %dot_general3A = arith.constant dense<0.000000e+00> : vector<2048x8xf32>
    %dot_general3A_5 = tpu.matmul %get3A_1, %get3A_4, %dot_general3A {dimension_numbers = #tpu.dot_dimension_numbers<[1], [1], [0], [0], [0, 0, 1, 0], [], []>, transpose_lhs_hint = false} : vector<2048x1024xf32>, vector<8x1024xf32>, vector<2048x8xf32> -> vector<2048x8xf32>
    %get3A_6 = arith.constant 0 : index
    %get3A_7 = arith.constant 0 : index
    %get3A_8 = vector.load %arg3[%get3A_6, %get3A_7] : memref<1x8xf32, #tpu.memory_space<vmem>>, vector<1x8xf32>
    %add3A = vector.broadcast %get3A_8 : vector<1x8xf32> to vector<2048x8xf32>
    %add3A_9 = arith.addf %dot_general3A_5, %add3A : vector<2048x8xf32>
    %reduce_max3A = arith.constant dense<0xFF800000> : vector<2048xf32>
    %reduce_max3A_10 = vector.multi_reduction <maximumf>, %add3A_9, %reduce_max3A [1] : vector<2048x8xf32> to vector<2048xf32>
    %broadcast_in_dim3A = vector.shape_cast %reduce_max3A_10 : vector<2048xf32> to vector<2048x1xf32>
    %sub3A = vector.broadcast %broadcast_in_dim3A : vector<2048x1xf32> to vector<2048x8xf32>
    %sub3A_11 = arith.subf %add3A_9, %sub3A : vector<2048x8xf32>
    %exp3A = math.exp %sub3A_11 : vector<2048x8xf32>
    %reduce_sum3A = arith.constant dense<0.000000e+00> : vector<2048xf32>
    %reduce_sum3A_12 = vector.multi_reduction <add>, %exp3A, %reduce_sum3A [1] : vector<2048x8xf32> to vector<2048xf32>
    %broadcast_in_dim3A_13 = vector.shape_cast %reduce_sum3A_12 : vector<2048xf32> to vector<2048x1xf32>
    %div3A = vector.broadcast %broadcast_in_dim3A_13 : vector<2048x1xf32> to vector<2048x8xf32>
    %div3A_14 = arith.divf %exp3A, %div3A : vector<2048x8xf32>
    %iota3A = tpu.iota {dimensions = array<i32: 1>} : vector<2048x8xi32>
    %eq3A = vector.broadcast %broadcast_in_dim3A : vector<2048x1xf32> to vector<2048x8xf32>
    %eq3A_15 = arith.cmpf oeq, %add3A_9, %eq3A : vector<2048x8xf32>
    %jit3A = arith.constant 127 : i32
    %broadcast_in_dim3A_16 = vector.broadcast %jit3A : i32 to vector<2048x8xi32>
    %select_n3A = arith.select %eq3A_15, %iota3A, %broadcast_in_dim3A_16 : vector<2048x8xi1>, vector<2048x8xi32>
    %reduce_min3A = arith.constant dense<2147483647> : vector<2048xi32>
    %reduce_min3A_17 = vector.multi_reduction <minsi>, %select_n3A, %reduce_min3A [1] : vector<2048x8xi32> to vector<2048xi32>
    %broadcast_in_dim3A_18 = vector.shape_cast %reduce_min3A_17 : vector<2048xi32> to vector<2048x1xi32>
    %eq3A_19 = vector.broadcast %broadcast_in_dim3A_18 : vector<2048x1xi32> to vector<2048x8xi32>
    %eq3A_20 = arith.cmpi eq, %iota3A, %eq3A_19 : vector<2048x8xi32>
    %jit3A_21 = arith.constant 0xFF800000 : f32
    %broadcast_in_dim3A_22 = vector.broadcast %jit3A_21 : f32 to vector<2048x8xf32>
    %select_n3A_23 = arith.select %eq3A_20, %broadcast_in_dim3A_22, %add3A_9 : vector<2048x8xi1>, vector<2048x8xf32>
    %reduce_max3A_24 = arith.constant dense<0xFF800000> : vector<2048xf32>
    %reduce_max3A_25 = vector.multi_reduction <maximumf>, %select_n3A_23, %reduce_max3A_24 [1] : vector<2048x8xf32> to vector<2048xf32>
    %broadcast_in_dim3A_26 = vector.shape_cast %reduce_max3A_25 : vector<2048xf32> to vector<2048x1xf32>
    %eq3A_27 = vector.broadcast %broadcast_in_dim3A_26 : vector<2048x1xf32> to vector<2048x8xf32>
    %eq3A_28 = arith.cmpf oeq, %add3A_9, %eq3A_27 : vector<2048x8xf32>
    %ne3A = vector.broadcast %broadcast_in_dim3A_18 : vector<2048x1xi32> to vector<2048x8xi32>
    %ne3A_29 = arith.cmpi ne, %iota3A, %ne3A : vector<2048x8xi32>
    %and3A = arith.andi %eq3A_28, %ne3A_29 : vector<2048x8xi1>
    %jit3A_30 = arith.constant 127 : i32
    %broadcast_in_dim3A_31 = vector.broadcast %jit3A_30 : i32 to vector<2048x8xi32>
    %select_n3A_32 = arith.select %and3A, %iota3A, %broadcast_in_dim3A_31 : vector<2048x8xi1>, vector<2048x8xi32>
    %reduce_min3A_33 = arith.constant dense<2147483647> : vector<2048xi32>
    %reduce_min3A_34 = vector.multi_reduction <minsi>, %select_n3A_32, %reduce_min3A_33 [1] : vector<2048x8xi32> to vector<2048xi32>
    %broadcast_in_dim3A_35 = vector.shape_cast %reduce_min3A_34 : vector<2048xi32> to vector<2048x1xi32>
    %eq3A_36 = vector.broadcast %broadcast_in_dim3A_18 : vector<2048x1xi32> to vector<2048x8xi32>
    %eq3A_37 = arith.cmpi eq, %iota3A, %eq3A_36 : vector<2048x8xi32>
    %eq3A_38 = vector.broadcast %broadcast_in_dim3A_35 : vector<2048x1xi32> to vector<2048x8xi32>
    %eq3A_39 = arith.cmpi eq, %iota3A, %eq3A_38 : vector<2048x8xi32>
    %or3A = arith.ori %eq3A_37, %eq3A_39 : vector<2048x8xi1>
    %jit3A_40 = arith.constant 0.000000e+00 : f32
    %broadcast_in_dim3A_41 = vector.broadcast %jit3A_40 : f32 to vector<2048x8xf32>
    %select_n3A_42 = arith.select %or3A, %div3A_14, %broadcast_in_dim3A_41 : vector<2048x8xi1>, vector<2048x8xf32>
    %swap3A = arith.constant 0 : index
    %swap3A_43 = arith.constant 0 : index
    %swap3A_44 = vector.load %arg4[%swap3A, %swap3A_43] : memref<2048x8xf32, #tpu.memory_space<vmem>>, vector<2048x8xf32>
    tpu.vector_store %arg4[%swap3A, %swap3A_43], %select_n3A_42 {strides = array<i32>} : memref<2048x8xf32, #tpu.memory_space<vmem>>, vector<2048x8xf32>,
    %swap3A_45 = arith.constant 0 : index
    %swap3A_46 = arith.constant 0 : index
    %swap3A_47 = vector.load %arg5[%swap3A_45, %swap3A_46] : memref<2048x1xi32, #tpu.memory_space<vmem>>, vector<2048x1xi32>
    tpu.vector_store %arg5[%swap3A_45, %swap3A_46], %broadcast_in_dim3A_18 {strides = array<i32>} : memref<2048x1xi32, #tpu.memory_space<vmem>>, vector<2048x1xi32>,
    %swap3A_48 = arith.constant 0 : index
    %swap3A_49 = arith.constant 0 : index
    %swap3A_50 = vector.load %arg6[%swap3A_48, %swap3A_49] : memref<2048x1xi32, #tpu.memory_space<vmem>>, vector<2048x1xi32>
    tpu.vector_store %arg6[%swap3A_48, %swap3A_49], %broadcast_in_dim3A_35 {strides = array<i32>} : memref<2048x1xi32, #tpu.memory_space<vmem>>, vector<2048x1xi32>,
    return
  }
  func.func @transform_0(%arg0: i32) -> (i32, i32) {
    %c0_i32 = arith.constant 0 : i32
    %c0_i32_0 = arith.constant 0 : i32
    return %arg0, %c0_i32 : i32, i32
  }
  func.func @transform_1(%arg0: i32) -> (i32, i32) {
    %c0_i32 = arith.constant 0 : i32
    %c0_i32_0 = arith.constant 0 : i32
    %c0_i32_1 = arith.constant 0 : i32
    return %c0_i32, %c0_i32_0 : i32, i32
  }
  func.func @transform_2(%arg0: i32) -> (i32, i32) {
    %c0_i32 = arith.constant 0 : i32
    %c0_i32_0 = arith.constant 0 : i32
    %c0_i32_1 = arith.constant 0 : i32
    return %c0_i32, %c0_i32_0 : i32, i32
  }
  func.func @transform_3(%arg0: i32) -> (i32, i32) {
    %c0_i32 = arith.constant 0 : i32
    %c0_i32_0 = arith.constant 0 : i32
    return %arg0, %c0_i32 : i32, i32
  }
  func.func @transform_4(%arg0: i32) -> (i32, i32) {
    %c0_i32 = arith.constant 0 : i32
    %c0_i32_0 = arith.constant 0 : i32
    return %arg0, %c0_i32 : i32, i32
  }
  func.func @transform_5(%arg0: i32) -> (i32, i32) {
    %c0_i32 = arith.constant 0 : i32
    %c0_i32_0 = arith.constant 0 : i32
    return %arg0, %c0_i32 : i32, i32
  }
}

module attributes {stable_mosaic.version = 14 : i64} {
  func.func @_ffn_body(%arg0: i32, %arg1: i32, %arg2: memref<1x640x1024xf32, #tpu.memory_space<vmem>>, %arg3: memref<1x1024x512xf32, #tpu.memory_space<vmem>>, %arg4: memref<1x1x512xf32, #tpu.memory_space<vmem>>, %arg5: memref<1x512x1024xf32, #tpu.memory_space<vmem>>, %arg6: memref<1x1x1024xf32, #tpu.memory_space<vmem>>, %arg7: memref<1x640x1024xf32, #tpu.memory_space<vmem>>, %arg8: memref<640x1024xf32, #tpu.memory_space<vmem>>) attributes {dimension_semantics = [#tpu.dimension_semantics<parallel>, #tpu.dimension_semantics<arbitrary>], iteration_bounds = array<i64: 8, 8>, scalar_prefetch = 0 : i64, scratch_operands = 1 : i64, tpu.core_type = #tpu.core_type<tc>, window_params = [{transform_indices = @transform_0, window_bounds = array<i64: 1, 640, 1024>}, {transform_indices = @transform_1, window_bounds = array<i64: 1, 1024, 512>}, {transform_indices = @transform_2, window_bounds = array<i64: 1, 1, 512>}, {transform_indices = @transform_3, window_bounds = array<i64: 1, 512, 1024>}, {transform_indices = @transform_4, window_bounds = array<i64: 1, 1, 1024>}, {transform_indices = @transform_5, window_bounds = array<i64: 1, 640, 1024>}]} {
    %get3A = arith.constant 0 : index
    %get3A_0 = arith.constant 0 : index
    %get3A_1 = arith.constant 0 : index
    %get3A_2 = vector.load %arg2[%get3A, %get3A_0, %get3A_1] : memref<1x640x1024xf32, #tpu.memory_space<vmem>>, vector<1x640x1024xf32>
    %get3A_3 = vector.shape_cast %get3A_2 : vector<1x640x1024xf32> to vector<640x1024xf32>
    %convert_element_type3A = arith.truncf %get3A_3 : vector<640x1024xf32> to vector<640x1024xbf16>
    %get3A_4 = arith.constant 0 : index
    %get3A_5 = arith.constant 0 : index
    %get3A_6 = arith.constant 0 : index
    %get3A_7 = vector.load %arg3[%get3A_4, %get3A_5, %get3A_6] : memref<1x1024x512xf32, #tpu.memory_space<vmem>>, vector<1x1024x512xf32>
    %get3A_8 = vector.shape_cast %get3A_7 : vector<1x1024x512xf32> to vector<1024x512xf32>
    %convert_element_type3A_9 = arith.truncf %get3A_8 : vector<1024x512xf32> to vector<1024x512xbf16>
    %dot_general3A = arith.constant dense<0.000000e+00> : vector<640x512xf32>
    %dot_general3A_10 = tpu.matmul %convert_element_type3A, %convert_element_type3A_9, %dot_general3A {dimension_numbers = #tpu.dot_dimension_numbers<[1], [0], [0], [1], [0, 0, 1, 1], [], []>, transpose_lhs_hint = false} : vector<640x1024xbf16>, vector<1024x512xbf16>, vector<640x512xf32> -> vector<640x512xf32>
    %get3A_11 = arith.constant 0 : index
    %get3A_12 = arith.constant 0 : index
    %get3A_13 = arith.constant 0 : index
    %get3A_14 = vector.load %arg4[%get3A_11, %get3A_12, %get3A_13] : memref<1x1x512xf32, #tpu.memory_space<vmem>>, vector<1x1x512xf32>
    %get3A_15 = vector.shape_cast %get3A_14 : vector<1x1x512xf32> to vector<1x512xf32>
    %add3A = vector.broadcast %get3A_15 : vector<1x512xf32> to vector<640x512xf32>
    %add3A_16 = arith.addf %dot_general3A_10, %add3A : vector<640x512xf32>
    %mul3A = arith.constant 5.000000e-01 : f32
    %mul3A_17 = vector.broadcast %mul3A : f32 to vector<640x512xf32>
    %mul3A_18 = arith.mulf %mul3A_17, %add3A_16 : vector<640x512xf32>
    %mul3A_19 = arith.constant 0.707106769 : f32
    %mul3A_20 = vector.broadcast %mul3A_19 : f32 to vector<640x512xf32>
    %mul3A_21 = arith.mulf %add3A_16, %mul3A_20 : vector<640x512xf32>
    %erf3A = math.erf %mul3A_21 : vector<640x512xf32>
    %add3A_22 = arith.constant 1.000000e+00 : f32
    %add3A_23 = vector.broadcast %add3A_22 : f32 to vector<640x512xf32>
    %add3A_24 = arith.addf %add3A_23, %erf3A : vector<640x512xf32>
    %mul3A_25 = arith.mulf %mul3A_18, %add3A_24 : vector<640x512xf32>
    %convert_element_type3A_26 = arith.truncf %mul3A_25 : vector<640x512xf32> to vector<640x512xbf16>
    %get3A_27 = arith.constant 0 : index
    %get3A_28 = arith.constant 0 : index
    %get3A_29 = arith.constant 0 : index
    %get3A_30 = vector.load %arg5[%get3A_27, %get3A_28, %get3A_29] : memref<1x512x1024xf32, #tpu.memory_space<vmem>>, vector<1x512x1024xf32>
    %get3A_31 = vector.shape_cast %get3A_30 : vector<1x512x1024xf32> to vector<512x1024xf32>
    %convert_element_type3A_32 = arith.truncf %get3A_31 : vector<512x1024xf32> to vector<512x1024xbf16>
    %dot_general3A_33 = arith.constant dense<0.000000e+00> : vector<640x1024xf32>
    %dot_general3A_34 = tpu.matmul %convert_element_type3A_26, %convert_element_type3A_32, %dot_general3A_33 {dimension_numbers = #tpu.dot_dimension_numbers<[1], [0], [0], [1], [0, 0, 1, 1], [], []>, transpose_lhs_hint = false} : vector<640x512xbf16>, vector<512x1024xbf16>, vector<640x1024xf32> -> vector<640x1024xf32>
    %eq3A = arith.constant 0 : i32
    %eq3A_35 = arith.cmpi eq, %arg1, %eq3A : i32
    %convert_element_type3A_36 = arith.extui %eq3A_35 : i1 to i32
    %cond3A = arith.constant 0 : i32
    %cond3A_37 = arith.cmpi ne, %convert_element_type3A_36, %cond3A : i32
    scf.if %cond3A_37 {
      %get3A_47 = arith.constant 0 : index
      %get3A_48 = arith.constant 0 : index
      %get3A_49 = arith.constant 0 : index
      %get3A_50 = vector.load %arg6[%get3A_47, %get3A_48, %get3A_49] : memref<1x1x1024xf32, #tpu.memory_space<vmem>>, vector<1x1x1024xf32>
      %get3A_51 = vector.shape_cast %get3A_50 : vector<1x1x1024xf32> to vector<1x1024xf32>
      %add3A_52 = vector.broadcast %get3A_51 : vector<1x1024xf32> to vector<640x1024xf32>
      %add3A_53 = arith.addf %dot_general3A_34, %add3A_52 : vector<640x1024xf32>
      %swap3A = arith.constant 0 : index
      %swap3A_54 = arith.constant 0 : index
      %swap3A_55 = vector.load %arg8[%swap3A, %swap3A_54] : memref<640x1024xf32, #tpu.memory_space<vmem>>, vector<640x1024xf32>
      tpu.vector_store %arg8[%swap3A, %swap3A_54], %add3A_53 {strides = array<i32>} : memref<640x1024xf32, #tpu.memory_space<vmem>>, vector<640x1024xf32>,
    } else {
    }
    %gt3A = arith.constant 0 : i32
    %gt3A_38 = arith.cmpi sgt, %arg1, %gt3A : i32
    %convert_element_type3A_39 = arith.extui %gt3A_38 : i1 to i32
    %cond3A_40 = arith.constant 0 : i32
    %cond3A_41 = arith.cmpi ne, %convert_element_type3A_39, %cond3A_40 : i32
    scf.if %cond3A_41 {
      %get3A_47 = arith.constant 0 : index
      %get3A_48 = arith.constant 0 : index
      %get3A_49 = vector.load %arg8[%get3A_47, %get3A_48] : memref<640x1024xf32, #tpu.memory_space<vmem>>, vector<640x1024xf32>
      %add3A_50 = arith.addf %get3A_49, %dot_general3A_34 : vector<640x1024xf32>
      %swap3A = arith.constant 0 : index
      %swap3A_51 = arith.constant 0 : index
      %swap3A_52 = vector.load %arg8[%swap3A, %swap3A_51] : memref<640x1024xf32, #tpu.memory_space<vmem>>, vector<640x1024xf32>
      tpu.vector_store %arg8[%swap3A, %swap3A_51], %add3A_50 {strides = array<i32>} : memref<640x1024xf32, #tpu.memory_space<vmem>>, vector<640x1024xf32>,
    } else {
    }
    %eq3A_42 = arith.constant 7 : i32
    %eq3A_43 = arith.cmpi eq, %arg1, %eq3A_42 : i32
    %convert_element_type3A_44 = arith.extui %eq3A_43 : i1 to i32
    %cond3A_45 = arith.constant 0 : i32
    %cond3A_46 = arith.cmpi ne, %convert_element_type3A_44, %cond3A_45 : i32
    scf.if %cond3A_46 {
      %get3A_47 = arith.constant 0 : index
      %get3A_48 = arith.constant 0 : index
      %get3A_49 = vector.load %arg8[%get3A_47, %get3A_48] : memref<640x1024xf32, #tpu.memory_space<vmem>>, vector<640x1024xf32>
      %swap3A = arith.constant 0 : index
      %swap3A_50 = arith.constant 0 : index
      %swap3A_51 = arith.constant 0 : index
      %swap3A_52 = vector.load %arg7[%swap3A, %swap3A_50, %swap3A_51] : memref<1x640x1024xf32, #tpu.memory_space<vmem>>, vector<1x640x1024xf32>
      %swap3A_53 = vector.shape_cast %swap3A_52 : vector<1x640x1024xf32> to vector<640x1024xf32>
      %swap3A_54 = vector.shape_cast %get3A_49 : vector<640x1024xf32> to vector<1x640x1024xf32>
      tpu.vector_store %arg7[%swap3A, %swap3A_50, %swap3A_51], %swap3A_54 {strides = array<i32>} : memref<1x640x1024xf32, #tpu.memory_space<vmem>>, vector<1x640x1024xf32>,
    } else {
    }
    return
  }
  func.func @transform_0(%arg0: i32, %arg1: i32) -> (i32, i32, i32) {
    %c0_i32 = arith.constant 0 : i32
    %c0_i32_0 = arith.constant 0 : i32
    %c0_i32_1 = arith.constant 0 : i32
    return %arg0, %c0_i32, %c0_i32_0 : i32, i32, i32
  }
  func.func @transform_1(%arg0: i32, %arg1: i32) -> (i32, i32, i32) {
    %c0_i32 = arith.constant 0 : i32
    %c0_i32_0 = arith.constant 0 : i32
    return %arg0, %c0_i32, %arg1 : i32, i32, i32
  }
  func.func @transform_2(%arg0: i32, %arg1: i32) -> (i32, i32, i32) {
    %c0_i32 = arith.constant 0 : i32
    %c0_i32_0 = arith.constant 0 : i32
    return %arg0, %c0_i32, %arg1 : i32, i32, i32
  }
  func.func @transform_3(%arg0: i32, %arg1: i32) -> (i32, i32, i32) {
    %c0_i32 = arith.constant 0 : i32
    %c0_i32_0 = arith.constant 0 : i32
    return %arg0, %arg1, %c0_i32 : i32, i32, i32
  }
  func.func @transform_4(%arg0: i32, %arg1: i32) -> (i32, i32, i32) {
    %c0_i32 = arith.constant 0 : i32
    %c0_i32_0 = arith.constant 0 : i32
    %c0_i32_1 = arith.constant 0 : i32
    return %arg0, %c0_i32, %c0_i32_0 : i32, i32, i32
  }
  func.func @transform_5(%arg0: i32, %arg1: i32) -> (i32, i32, i32) {
    %c0_i32 = arith.constant 0 : i32
    %c0_i32_0 = arith.constant 0 : i32
    %c0_i32_1 = arith.constant 0 : i32
    return %arg0, %c0_i32, %c0_i32_0 : i32, i32, i32
  }
}

module attributes {stable_mosaic.version = 14 : i64} {
  func.func @_wsum_body(%arg0: i32, %arg1: memref<1024x1024xf32, #tpu.memory_space<vmem>>, %arg2: memref<1024x1024xf32, #tpu.memory_space<vmem>>, %arg3: memref<1024x1xf32, #tpu.memory_space<vmem>>, %arg4: memref<1024x1xf32, #tpu.memory_space<vmem>>, %arg5: memref<1024x1024xf32, #tpu.memory_space<vmem>>) attributes {dimension_semantics = [#tpu.dimension_semantics<arbitrary>], iteration_bounds = array<i64: 4>, scalar_prefetch = 0 : i64, scratch_operands = 0 : i64, tpu.core_type = #tpu.core_type<tc>, window_params = [{transform_indices = @transform_0, window_bounds = array<i64: 1024, 1024>}, {transform_indices = @transform_1, window_bounds = array<i64: 1024, 1024>}, {transform_indices = @transform_2, window_bounds = array<i64: 1024, 1>}, {transform_indices = @transform_3, window_bounds = array<i64: 1024, 1>}, {transform_indices = @transform_4, window_bounds = array<i64: 1024, 1024>}]} {
    %get3A = arith.constant 0 : index
    %get3A_0 = arith.constant 0 : index
    %get3A_1 = vector.load %arg3[%get3A, %get3A_0] : memref<1024x1xf32, #tpu.memory_space<vmem>>, vector<1024x1xf32>
    %get3A_2 = arith.constant 0 : index
    %get3A_3 = arith.constant 0 : index
    %get3A_4 = vector.load %arg4[%get3A_2, %get3A_3] : memref<1024x1xf32, #tpu.memory_space<vmem>>, vector<1024x1xf32>
    %gt3A = arith.constant 0.000000e+00 : f32
    %gt3A_5 = vector.broadcast %gt3A : f32 to vector<1024x1xf32>
    %gt3A_6 = arith.cmpf ogt, %get3A_1, %gt3A_5 : vector<1024x1xf32>
    %get3A_7 = arith.constant 0 : index
    %get3A_8 = arith.constant 0 : index
    %get3A_9 = vector.load %arg1[%get3A_7, %get3A_8] : memref<1024x1024xf32, #tpu.memory_space<vmem>>, vector<1024x1024xf32>
    %mul3A = vector.broadcast %get3A_1 : vector<1024x1xf32> to vector<1024x1024xf32>
    %mul3A_10 = arith.mulf %mul3A, %get3A_9 : vector<1024x1024xf32>
    %jit3A = arith.constant 0.000000e+00 : f32
    %broadcast_in_dim3A = vector.shape_cast %gt3A_6 : vector<1024x1xi1> to vector<1024x1xi1>
    %broadcast_in_dim3A_11 = vector.broadcast %broadcast_in_dim3A : vector<1024x1xi1> to vector<1024x1024xi1>
    %broadcast_in_dim3A_12 = vector.broadcast %jit3A : f32 to vector<1024x1024xf32>
    %select_n3A = arith.select %broadcast_in_dim3A_11, %mul3A_10, %broadcast_in_dim3A_12 : vector<1024x1024xi1>, vector<1024x1024xf32>
    %gt3A_13 = arith.constant 0.000000e+00 : f32
    %gt3A_14 = vector.broadcast %gt3A_13 : f32 to vector<1024x1xf32>
    %gt3A_15 = arith.cmpf ogt, %get3A_4, %gt3A_14 : vector<1024x1xf32>
    %get3A_16 = arith.constant 0 : index
    %get3A_17 = arith.constant 0 : index
    %get3A_18 = vector.load %arg2[%get3A_16, %get3A_17] : memref<1024x1024xf32, #tpu.memory_space<vmem>>, vector<1024x1024xf32>
    %mul3A_19 = vector.broadcast %get3A_4 : vector<1024x1xf32> to vector<1024x1024xf32>
    %mul3A_20 = arith.mulf %mul3A_19, %get3A_18 : vector<1024x1024xf32>
    %jit3A_21 = arith.constant 0.000000e+00 : f32
    %broadcast_in_dim3A_22 = vector.shape_cast %gt3A_15 : vector<1024x1xi1> to vector<1024x1xi1>
    %broadcast_in_dim3A_23 = vector.broadcast %broadcast_in_dim3A_22 : vector<1024x1xi1> to vector<1024x1024xi1>
    %broadcast_in_dim3A_24 = vector.broadcast %jit3A_21 : f32 to vector<1024x1024xf32>
    %select_n3A_25 = arith.select %broadcast_in_dim3A_23, %mul3A_20, %broadcast_in_dim3A_24 : vector<1024x1024xi1>, vector<1024x1024xf32>
    %add3A = arith.addf %select_n3A, %select_n3A_25 : vector<1024x1024xf32>
    %swap3A = arith.constant 0 : index
    %swap3A_26 = arith.constant 0 : index
    %swap3A_27 = vector.load %arg5[%swap3A, %swap3A_26] : memref<1024x1024xf32, #tpu.memory_space<vmem>>, vector<1024x1024xf32>
    tpu.vector_store %arg5[%swap3A, %swap3A_26], %add3A {strides = array<i32>} : memref<1024x1024xf32, #tpu.memory_space<vmem>>, vector<1024x1024xf32>,
    return
  }
  func.func @transform_0(%arg0: i32) -> (i32, i32) {
    %c0_i32 = arith.constant 0 : i32
    %c0_i32_0 = arith.constant 0 : i32
    return %arg0, %c0_i32 : i32, i32
  }
  func.func @transform_1(%arg0: i32) -> (i32, i32) {
    %c0_i32 = arith.constant 0 : i32
    %c0_i32_0 = arith.constant 0 : i32
    return %arg0, %c0_i32 : i32, i32
  }
  func.func @transform_2(%arg0: i32) -> (i32, i32) {
    %c0_i32 = arith.constant 0 : i32
    %c0_i32_0 = arith.constant 0 : i32
    return %arg0, %c0_i32 : i32, i32
  }
  func.func @transform_3(%arg0: i32) -> (i32, i32) {
    %c0_i32 = arith.constant 0 : i32
    %c0_i32_0 = arith.constant 0 : i32
    return %arg0, %c0_i32 : i32, i32
  }
  func.func @transform_4(%arg0: i32) -> (i32, i32) {
    %c0_i32 = arith.constant 0 : i32
    %c0_i32_0 = arith.constant 0 : i32
    return %arg0, %c0_i32 : i32, i32
  }
}

</mosaic_0001>

<sc_bundles>
// kernel: kernel.11.cloned.1.call-start
scs
__scs_entry_jumppad:
0x0: {  	(pc) =	sbr.rel $0x88, $3  }
0x1: {  	(tag) =	ssettag $0x0;
	lr =	simm.s32 $0x1  }
0x2: {  	[smem:$0x3F9A] =	sst lr;
	_ =	strace $0xD0000000  }
0x3: {  	_ = 	snop  }
0x4: {  	_ = 	snop  }
0x5: {  	_ = 	snop  }
0x6: {  	_ = 	snop  }
0x7: {  	_ = 	snop  }
__scs_overlays_trampoline_lowered:
0x8: {  	[smem:$0x3FA9] =	sst s0  }
0x9: {  	[smem:$0x3FAA] =	sst s1  }
0xa: {  	[smem:$0x3FAB] =	sst s2  }
0xb: {  	[smem:$0x3FAC] =	sst s3  }
0xc: {  	[smem:$0x3FAD] =	sst s4  }
0xd: {  	[smem:$0x3FAE] =	sst s5  }
0xe: {  	[smem:$0x3FAF] =	sst s6  }
0xf: {  	[smem:$0x3FB0] =	sst s7  }
0x10: {  	[smem:$0x3FB1] =	sst s8  }
0x11: {  	[smem:$0x3FB2] =	sst s9;
	s0 =	simm.s32 @!p0 $0x0  }
0x12: {  	s1 =	sld [smem:$0x3F98];
	s0 =	simm.s32 @p0 $0x1  }
0x13: {  	[smem:$0x3FB3] =	sst s0;
	s0 =	simm.s32 @!p1 $0x0  }
0x14: {  	s2 =	sld [smem:$0x3F97];
	s0 =	simm.s32 @p1 $0x1  }
0x15: {  	[smem:$0x3FB4] =	sst s0;
	s0 =	simm.s32 @!p2 $0x0  }
0x16: {  	s3 =	sld [smem:$0x3FDB];
	s0 =	simm.s32 @p2 $0x1  }
0x17: {  	s4 =	simm.s32 $0x1BF5;
	[smem:$0x3FB6] =	sst s0  }
0x18: {  	s0 =	sld [smem:$0x3F99];
	_ =	swait.ge [sflag:s4], $0x0  }
0x19: {  	s7 =	sld [smem:$0x3F9A]  }
0x1a: {  	s8 =	sadd.s32 $0xFFFFE003, lr  }
0x1b: {  	s9 =	sadd.s32 $0xFFFFFEF7, lr;
	s5 =	simm.s32 $0xFFFFFFFF;
	p2 =	slt.u32 s8, $0xFFFFF086  }
0x1c: {  	p1 =	slt.u32 s9, $0xF7A;
	s5 =	simm.s32 @!p2 $0x0  }
0x1d: {  	s5 =	simm.s32 @p1 $0x1;
	p0 =	seq.s32 s7, s2  }
0x1e: {  	s7 =	smul.u32 @!p0 $0xF7A, s2;
	p2 =	seq.s32 @!p0 s5, $0x0  }
0x1f: {  	s9 =	smul.u32 $0xF7A, s1;
	s8 =	simm.s32 @!p0 $0x1BF5;
	p2 =	por !p2, p0  }
0x20: {  	[sflag:s8] =	ssyncset.s32 @!p0 $0xFFFFF086;
	s6 =	sadd.s32 @!p0 s3, s7;
	s7 =	simm.s32 @!p0 $0x108  }
0x21: {  	s3 =	sadd.s32 s3, s9;
	s6 =	sadd.s32 @!p0 $0x88, s6;
	s7 =	simm.s32 @p2 $0x1082  }
0x22: {  	[simem:s7], [sflag:s8] =	dma.local @!p0 [hbm:s6], $0xF7A  }
0x23: {  	s9 =	sor.u32 $0xD0000000, s2;
	s6 =	simm.s32 $0x108;
	_ =	swait.ge @!p0 [sflag:s8], $0x0  }
0x24: {  	s3 =	sadd.s32 $0x88, s3;
	s6 =	simm.s32 @!p1 $0x1082;
	[sflag:s4] =	ssyncset.s32 $0xFFFFF086  }
0x25: {  	[simem:s6], [sflag:s4] =	dma.local [hbm:s3], $0xF7A  }
0x26: {  	[smem:$0x3F9A] =	sst s1;
	(tag) =	ssettag s2;
	_ =	strace s9  }
0x27: {  	s1 =	sld [smem:$0x3FAA]  }
0x28: {  	s2 =	sld [smem:$0x3FAB]  }
0x29: {  	s4 =	sld [smem:$0x3FAD]  }
0x2a: {  	p0 =	seq.s32 s5, $0x0;
	s5 =	sld [smem:$0x3FAE]  }
0x2b: {  	s6 =	sld [smem:$0x3FAF]  }
0x2c: {  	s7 =	sld [smem:$0x3FB0]  }
0x2d: {  	s3 =	simm.s32 $0x108;
	s8 =	sld [smem:$0x3FB1]  }
0x2e: {  	s3 =	simm.s32 @!p0 $0x1082;
	s9 =	sld [smem:$0x3FB2]  }
0x2f: {  	lr =	sadd.s32 s0, s3;
	s0 =	sld [smem:$0x3FA9]  }
0x30: {  	s3 =	sld [smem:$0x3FAC]  }
0x31: {  	[smem:$0x3FB5] =	sst s10  }
0x32: {  	s10 =	sld [smem:$0x3FB3];
	_ =	sdelay $0x3  }
0x33: {  	p0 =	seq.s32 s10, $0x1;
	s10 =	sld [smem:$0x3FB5];
	_ =	sdelay $0x3  }
0x34: {  	[smem:$0x3FB5] =	sst s10  }
0x35: {  	s10 =	sld [smem:$0x3FB4];
	_ =	sdelay $0x3  }
0x36: {  	p1 =	seq.s32 s10, $0x1;
	s10 =	sld [smem:$0x3FB5];
	_ =	sdelay $0x3  }
0x37: {  	[smem:$0x3FB5] =	sst s10  }
0x38: {  	s10 =	sld [smem:$0x3FB6]  }
0x39: {  	_ = 	snop;
	(pc) =	sbr.ind lr, $3  }
0x3a: {  	_ = 	snop  }
0x3b: {  	_ = 	snop  }
0x3c: {  	p2 =	seq.s32 s10, $0x1;
	s10 =	sld [smem:$0x3FB5]  }
0x3d: {  	_ =	shalt  }
0x3e: {  	_ =	shalt  }
0x3f: {  	_ =	shalt  }
0x40: {  	_ =	shalt  }
0x41: {  	_ =	shalt  }
0x42: {  	_ =	shalt  }
0x43: {  	_ =	shalt  }
0x44: {  	_ =	shalt  }
0x45: {  	_ =	shalt  }
0x46: {  	_ =	shalt  }
0x47: {  	_ =	shalt  }
0x48: {  	_ =	shalt  }
0x49: {  	_ =	shalt  }
0x4a: {  	_ =	shalt  }
0x4b: {  	_ =	shalt  }
0x4c: {  	_ =	shalt  }
0x4d: {  	_ =	shalt  }
0x4e: {  	_ =	shalt  }
0x4f: {  	_ =	shalt  }
0x50: {  	_ =	shalt  }
0x51: {  	_ =	shalt  }
0x52: {  	_ =	shalt  }
0x53: {  	_ =	shalt  }
0x54: {  	_ =	shalt  }
0x55: {  	_ =	shalt  }
0x56: {  	_ =	shalt  }
0x57: {  	_ =	shalt  }
0x58: {  	_ =	shalt  }
0x59: {  	_ =	shalt  }
0x5a: {  	_ =	shalt  }
0x5b: {  	_ =	shalt  }
0x5c: {  	_ =	shalt  }
0x5d: {  	_ =	shalt  }
0x5e: {  	_ =	shalt  }
0x5f: {  	_ =	shalt  }
0x60: {  	_ =	shalt  }
0x61: {  	_ =	shalt  }
0x62: {  	_ =	shalt  }
0x63: {  	_ =	shalt  }
0x64: {  	_ =	shalt  }
0x65: {  	_ =	shalt  }
0x66: {  	_ =	shalt  }
0x67: {  	_ =	shalt  }
0x68: {  	_ =	shalt  }
0x69: {  	_ =	shalt  }
0x6a: {  	_ =	shalt  }
0x6b: {  	_ =	shalt  }
0x6c: {  	_ =	shalt  }
0x6d: {  	_ =	shalt  }
0x6e: {  	_ =	shalt  }
0x6f: {  	_ =	shalt  }
0x70: {  	_ =	shalt  }
0x71: {  	_ =	shalt  }
0x72: {  	_ =	shalt  }
0x73: {  	_ =	shalt  }
0x74: {  	_ =	shalt  }
0x75: {  	_ =	shalt  }
0x76: {  	_ =	shalt  }
0x77: {  	_ =	shalt  }
0x78: {  	_ =	shalt  }
0x79: {  	_ =	shalt  }
0x7a: {  	_ =	shalt  }
0x7b: {  	_ =	shalt  }
0x7c: {  	_ =	shalt  }
0x7d: {  	_ =	shalt  }
0x7e: {  	_ =	shalt  }
0x7f: {  	_ =	shalt  }
0x80: {  	_ =	shalt  }
0x81: {  	_ =	shalt  }
0x82: {  	_ =	shalt  }
0x83: {  	_ =	shalt  }
0x84: {  	_ =	shalt  }
0x85: {  	_ =	shalt  }
0x86: {  	_ =	shalt  }
0x87: {  	_ =	shalt  }
.Lfunc_end0:
.L_simem_size_0:
called_computation.1_lowered:
.L_overlay_start_0:
0x88: {  	s2 =	sld [smem:$0x3FD9]  }
0x89: {  	s3 =	sld [smem:$0x3FFE];
	_ =	sdelay $0x1  }
0x8a: {  	s1 =	srdreg.scid  }
0x8b: {  	s0 =	sand.u32 $0x1, s1  }
0x8c: {  	s14 =	sshll.u32 s0, $0xA;
	s2 =	sadd.s32 s3, s2  }
0x8d: {  	s2 =	sadd.s32 s2, s14  }
0x8e: {  	[smem:$0x3FC1] =	sst s2  }
0x8f: {  	_ = 	snop  }
0x90: {  	s2 =	sld [smem:$0x3FD0];
	_ =	sdelay $0x2  }
0x91: {  	s15 =	simm.s32 $0xA;
	s4 =	simm.s32 $0x10  }
0x92: {  	[smem:s4], [sflag:s15] =	dma.local [hbm:s2], $0x1  }
0x93: {  	_ =	swait.eq [sflag:s15], $0x1  }
0x94: {  	[sflag:s15] =	ssyncset.done $0x0  }
0x95: {  	[sflag:s15] =	ssyncadd.s32 $0xFFFFFFFF  }
0x96: {  	s16 =	sld [smem:$0x10];
	(tm) =	ssettm $0x1  }
0x97: {  	s17 =	sld [smem:$0x3FFB];
	_ =	sdelay $0x3  }
0x98: {  	_ =	strace s17  }
0x99: {  	s3 =	sld [smem:$0x3FFC];
	_ =	sdelay $0x3  }
0x9a: {  	_ =	strace s3  }
0x9b: {  	s3 =	sld [smem:$0x3FFD];
	_ =	sdelay $0x3  }
0x9c: {  	_ =	strace s3  }
0x9d: {  	_ =	strace $0x8FFFFFFF  }
0x9e: {  	s18 =	sld [smem:$0x3FDB];
	_ =	sdelay $0x1  }
0x9f: {  	s19 =	simm.s32 $_scs_section_size  }
0xa0: {  	s5 =	simm.s32 $_size__tile_overlayer_lowered;
	s6 =	simm.s32 $_tile_overlayer_lowered  }
0xa1: {  	s22 =	simm.s32 $0x1BFF;
	s21 =	sshll.u32 s6, $0x1;
	s3 =	sadd.s32 s19, s18  }
0xa2: {  	s7 =	simm.s32 $0x0;
	s20 =	sshll.u32 s5, $0x1;
	s5 =	sadd.s32 s21, s3  }
0xa3: {  	[timem:s7], [sflag:s22] =	dma.local [hbm:s5], s20  }
0xa4: {  	_ =	swait.ge [sflag:s22], s20  }
0xa5: {  	s4 =	ssub.s32 $0x0, s20;
	[sflag:s22] =	ssyncset.done $0x0  }
0xa6: {  	[sflag:s22] =	ssyncadd.s32 s4;
	_ =	sdelay $0x1  }
0xa7: {  	s23 =	simm.s32 $0x1B8B  }
0xa8: {  	_ =	swait.ge [sflag:s23], $0x1  }
0xa9: {  	[sflag:s23] =	ssyncset.done $0x0  }
0xaa: {  	s25 =	simm.s32 $0x1B8E;
	s24 =	sld [smem:$0x3FFE];
	[sflag:s23] =	ssyncadd.s32 $0xFFFFFFFF  }
0xab: {  	s26 =	simm.s32 $execute0_lowered;
	[smem:$0x3FD2] =	sst s25  }
0xac: {  	s5 =	sshll.u32 s26, $0x1;
	_ =	strace $0x80000049;
	[dreg:$0x1] =	wrdreg $0xFFFFFFFF  }
0xad: {  	s28 =	simm.s32 $_size_execute0_lowered;
	s3 =	sadd.s32 s3, s5;
	[dreg:$0x0] =	wrdreg $0x0  }
0xae: {  	s5 =	sshll.u32 s28, $0x1;
	[dreg:$0x2] =	wrdreg s3  }
0xaf: {  	[dreg:$0x3] =	wrdreg s5  }
0xb0: {  	[dreg:$0x4] =	wrdreg $0xC0  }
0xb1: {  	_ =	task [dreg:s7], $0x5FFFF  }
0xb2: {  	[dreg:$0x1] =	wrdreg $0xFFFFFFFF  }
0xb3: {  	[dreg:$0x0] =	wrdreg $0x60  }
0xb4: {  	[dreg:$0x2] =	wrdreg s24  }
0xb5: {  	[dreg:$0x3] =	wrdreg s16  }
0xb6: {  	[dreg:$0x4] =	wrdreg $0x9  }
0xb7: {  	_ =	task.clear_ibuf [dreg:s7], $0x5FFFF;
	_ =	strace $0x90000049  }
0xb8: {  	s29 =	simm.s32 $0x9;
	_ =	strace $0x8000004B  }
0xb9: {  	_ =	swait.ge [sflag:s29], $0x1  }
0xba: {  	[sflag:s29] =	ssyncadd.s32 $0xFFFFFFFF  }
0xbb: {  	_ =	strace $0x9000004B  }
0xbc: {  	_ =	sfence  }
0xbd: {  	s30 =	sld [smem:$0x0];
	_ =	sdelay $0x2  }
0xbe: {  	s31 =	sshll.u32 s1, $0xD;
	s1 =	sshrl.u32 s1, $0x2  }
0xbf: {  	s3 =	sand.u32 $0x4000, s31;
	s1 =	sadd.s32 s1, s30  }
0xc0: {  	s0 =	sor.u32 s3, s0;
	s1 =	sshll.u32 s1, $0x11  }
0xc1: {  	s0 =	sor.u32 s1, s0  }
0xc2: {  	s0 =	sadd.s32 $0x8F2B, s0  }
0xc3: {  	[sflag:s0] =	ssyncadd.remote.s32 $0x1  }
0xc4: {  	_ =	sfence.sel $0xFFFF  }
0xc5: {  	[dreg:$0x0] =	wrdreg $0xFFFFFFFF;
	(pc) =	sbr.abs _section_cstart, $3  }
0xc6: {  	[dreg:$0x1] =	wrdreg $0xFFFFFFFF  }
0xc7: {  	_ =	task.clear_ibuf [dreg:s7], $0x2FFFF;
	_ =	strace $0x9FFFFFFF  }
0xc8: {  	(tm) =	ssettm $0x7FFFFFFF  }
0xc9: {  	_ =	shalt  }
tec
execute0_lowered:
.L_overlay_start_1:
0x0: {  	(tag) =	ssettag $0x1  }
0x1: {  	s0 =	rddreg [dreg:$0x0]  }
0x2: {  	s1 =	rddreg [dreg:$0x1]  }
0x3: {  	s2 =	srdreg.scid;
	s3 =	stileid.u32;
	s29 =	simm.s32 $0x3400  }
0x4: {  	s30 =	simm.s32 $0x3C00;
	s31 =	simm.s32 $0x4400;
	s28 =	simm.s32 $0x10400  }
0x5: {  	s4 =	sand.u32 $0x1, s2;
	s2 =	simm.s32 $0x0;
	s3 =	sshll.u32 s3, $0x8  }
0x6: {  	s17 =	sadd.s32 $0xC1400, s0;
	s7 =	sadd.s32 $0xC1600, s0;
	s5 =	sshll.u32 s4, $0x7  }
0x7: {  	s26 =	sadd.s32 $0xC1800, s0;
	[smem:$0x7FF] =	sst s2;
	s3 =	sor.u32 s5, s3  }
0x8: {  	s4 =	ssub.s32 $0x2, s4;
	_ =	strace $0x8000004A;
	s6 =	sshrl.u32 s3, $0x3  }
0x9: {  	s9 =	sor.u32 $0x20, s3;
	s10 =	sor.u32 $0x40, s3;
	s8 =	sadd.s32 s17, s6  }
0xa: {  	s6 =	sadd.s32 s7, s6;
	s18 =	sshrl.u32 s9, $0x3;
	[dreg:$0x3] =	wrdreg s8  }
0xb: {  	s11 =	sor.u32 $0x60, s3;
	[dreg:$0x4] =	wrdreg s6;
	s19 =	sadd.s32 s17, s18  }
0xc: {  	s21 =	sshrl.u32 s10, $0x3;
	s20 =	sadd.s32 s7, s18;
	[dreg:$0x5] =	wrdreg s19  }
0xd: {  	s3 =	sshll.u32 s3, $0x7;
	s22 =	sadd.s32 s17, s21;
	[dreg:$0x6] =	wrdreg s20  }
0xe: {  	s24 =	sshrl.u32 s11, $0x3;
	s23 =	sadd.s32 s7, s21;
	[dreg:$0x7] =	wrdreg s22  }
0xf: {  	s13 =	sshll.u32 s10, $0x7;
	s5 =	sadd.s32 s17, s24;
	[dreg:$0x8] =	wrdreg s23  }
0x10: {  	s16 =	sshll.u32 s11, $0x7;
	s25 =	sadd.s32 s7, s24;
	[dreg:$0x9] =	wrdreg s5  }
0x11: {  	s10 =	simm.s32 $0x11C00;
	s7 =	sadd.s32 s1, s3;
	[dreg:$0xa] =	wrdreg s25  }
0x12: {  	s11 =	simm.s32 $0x12400;
	s3 =	sadd.s32 s26, s3;
	[dreg:$0xb] =	wrdreg s7  }
0x13: {  	s8 =	sshll.u32 s9, $0x7;
	s14 =	sadd.s32 s1, s13;
	[dreg:$0xc] =	wrdreg s3  }
0x14: {  	s15 =	sadd.s32 s26, s13;
	s17 =	sadd.s32 s26, s16;
	[dreg:$0xf] =	wrdreg s14  }
0x15: {  	s18 =	simm.s32 $0x80;
	s21 =	sshrl.u32 s4, $0x1;
	[dreg:$0x10] =	wrdreg s15  }
0x16: {  	s24 =	simm.s32 $0x280;
	s6 =	sadd.s32 $0x21100, s0;
	[dreg:$0x12] =	wrdreg s17  }
0x17: {  	s13 =	simm.s32 $0x13400;
	s9 =	sadd.s32 s1, s8;
	[dreg:$0x13] =	wrdreg s18  }
0x18: {  	s12 =	sadd.s32 s26, s8;
	s1 =	sadd.s32 s1, s16;
	[dreg:$0x17] =	wrdreg s24  }
0x19: {  	s3 =	sadd.s32 $0x20E00, s0;
	s19 =	simm.s32 $0x100;
	[dreg:$0xd] =	wrdreg s9  }
0x1a: {  	s20 =	simm.s32 $0x180;
	s22 =	simm.s32 $0x200;
	[dreg:$0xe] =	wrdreg s12  }
0x1b: {  	s23 =	ssub.s32 s4, s21;
	s4 =	sadd.s32 $0x20F00, s0;
	[dreg:$0x11] =	wrdreg s1  }
0x1c: {  	s25 =	simm.s32 $0x300;
	s5 =	sadd.s32 $0x21000, s0;
	[dreg:$0x14] =	wrdreg s19  }
0x1d: {  	s26 =	simm.s32 $0x380;
	s8 =	simm.s32 $0x1;
	[dreg:$0x15] =	wrdreg s20  }
0x1e: {  	s14 =	simm.s32 $0x13C00;
	s15 =	simm.s32 $0x14400;
	[dreg:$0x16] =	wrdreg s22  }
0x1f: {  	s16 =	simm.s32 $0x14C00;
	s17 =	simm.s32 $0x15400;
	[dreg:$0x18] =	wrdreg s25  }
0x20: {  	v2 =	vlaneseq.u32;
	s18 =	simm.s32 $0x15C00;
	s7 =	smax.u32 s23, $0x1;
	[dreg:$0x19] =	wrdreg s26  }
0x21: {  	vm0 =	vmmov $0xffff;
	v1 =	vshrl.u32 v2, $0x3;
	s19 =	simm.s32 $0x2;
	s20 =	simm.s32 $0x3;
	s25 =	simm.s32 $0x400  }
0x22: {  	v0 =	vand.u32 $0x7, v2;
	v2 =	vor.u32 $0x8, v2;
	v1 =	vmul.u32 $0x8, v1;
	s9 =	simm.s32 $0x11400;
	s12 =	simm.s32 $0x12C00;
	s26 =	simm.s32 $0x17C00  }
.LBB2_1:
0x23: {  	s21 =	rddreg [dreg:$0x3]  }
0x24: {  	s22 =	rddreg [dreg:$0x4]  }
0x25: {  	s23 =	rddreg [dreg:$0x13]  }
0x26: {  	s0 =	rddreg [dreg:$0x14]  }
0x27: {  	s1 =	rddreg [dreg:$0x6]  }
0x28: {  	[tilespmem:s2], [sflag:$0x1] =	stream.linear.gather [hbm4b:s21+s2], $0x20, $0x38;
	[tilespmem:$0x18400] =	vst v63  }
0x29: {  	s24 =	rddreg [dreg:$0x15]  }
0x2a: {  	[tilespmem:s23], [sflag:$0x1] =	stream.linear.gather [hbm4b:s22+s2], $0x20, $0x38;
	[tilespmem:$0x18400] =	vst v63  }
0x2b: {  	s23 =	rddreg [dreg:$0x5]  }
0x2c: {  	[tilespmem:s0], [sflag:$0x1] =	stream.linear.gather [hbm4b:s23+s2], $0x20, $0x38;
	[tilespmem:$0x18400] =	vst v63  }
0x2d: {  	s23 =	rddreg [dreg:$0x7]  }
0x2e: {  	s0 =	rddreg [dreg:$0x8]  }
0x2f: {  	[tilespmem:s24], [sflag:$0x1] =	stream.linear.gather [hbm4b:s1+s2], $0x20, $0x38;
	[tilespmem:$0x18400] =	vst v63  }
0x30: {  	s24 =	rddreg [dreg:$0x16]  }
0x31: {  	s1 =	rddreg [dreg:$0x17]  }
0x32: {  	[tilespmem:s24], [sflag:$0x1] =	stream.linear.gather [hbm4b:s23+s2], $0x20, $0x38;
	[tilespmem:$0x18400] =	vst v63  }
0x33: {  	s23 =	rddreg [dreg:$0x9]  }
0x34: {  	s24 =	rddreg [dreg:$0x18]  }
0x35: {  	[tilespmem:s1], [sflag:$0x1] =	stream.linear.gather [hbm4b:s0+s2], $0x20, $0x38;
	[tilespmem:$0x18400] =	vst v63  }
0x36: {  	s0 =	rddreg [dreg:$0xa]  }
0x37: {  	[tilespmem:s24], [sflag:$0x1] =	stream.linear.gather [hbm4b:s23+s2], $0x20, $0x38;
	[tilespmem:$0x18400] =	vst v63  }
0x38: {  	s1 =	rddreg [dreg:$0x19]  }
0x39: {  	[tilespmem:s1], [sflag:$0x1] =	stream.linear.gather [hbm4b:s0+s2], $0x20, $0x38;
	[tilespmem:$0x18400] =	vst v63  }
0x3a: {  	_ =	swait.ge [sflag:s8], $0x20  }
0x3b: {  	[sflag:s8] =	ssyncset.done $0x0  }
0x3c: {  	[sflag:s8] =	ssyncadd.s32 $0xFFFFFFE0  }
0x3d: {  	_ =	swait.ge [sflag:s8], $0x20  }
0x3e: {  	[sflag:s8] =	ssyncset.done $0x0  }
0x3f: {  	[sflag:s8] =	ssyncadd.s32 $0xFFFFFFE0  }
0x40: {  	_ =	swait.ge [sflag:s8], $0x20  }
0x41: {  	[sflag:s8] =	ssyncset.done $0x0  }
0x42: {  	[sflag:s8] =	ssyncadd.s32 $0xFFFFFFE0  }
0x43: {  	_ =	swait.ge [sflag:s8], $0x20  }
0x44: {  	[sflag:s8] =	ssyncset.done $0x0  }
0x45: {  	[sflag:s8] =	ssyncadd.s32 $0xFFFFFFE0  }
0x46: {  	_ =	swait.ge [sflag:s8], $0x20  }
0x47: {  	[sflag:s8] =	ssyncset.done $0x0  }
0x48: {  	[sflag:s8] =	ssyncadd.s32 $0xFFFFFFE0  }
0x49: {  	_ =	swait.ge [sflag:s8], $0x20  }
0x4a: {  	[sflag:s8] =	ssyncset.done $0x0  }
0x4b: {  	[sflag:s8] =	ssyncadd.s32 $0xFFFFFFE0  }
0x4c: {  	_ =	swait.ge [sflag:s8], $0x20  }
0x4d: {  	[sflag:s8] =	ssyncset.done $0x0  }
0x4e: {  	[sflag:s8] =	ssyncadd.s32 $0xFFFFFFE0  }
0x4f: {  	_ =	swait.ge [sflag:s8], $0x20  }
0x50: {  	[sflag:s8] =	ssyncset.done $0x0  }
0x51: {  	[sflag:s8] =	ssyncadd.s32 $0xFFFFFFE0  }
0x52: {  	v3 =	vld [tilespmem:$0x0];
	_ =	sdelay $0x4  }
0x53: {  	v4 =	vshll.u32 v3, $0x3  }
0x54: {  	v3 =	vand.u32 $0x7, v3;
	v4 =	vand.u32 $0xFFFFFFC0, v4  }
0x55: {  	v3 =	vor.u32 v3, v4  }
0x56: {  	v4 =	vperm.xlane v3, v0;
	_ =	sdelay $0x1  }
0x57: {  	v4 =	vadd.s32 v1, v4;
	_ =	sdelay $0x4  }
0x58: {  	[tilespmem:s25], [sflag:$0x2] =	stream.indirect_vreg.gather [hbm4b:s3+s2], $0x80, v4, vm0, $0xb8;
	[tilespmem:$0x18400] =	vst v63  }
0x59: {  	s0 =	simm.s32 $0xC00;
	v3 =	vperm.xlane v3, v2  }
0x5a: {  	[tilespmem:s0], [sflag:$0x2] =	stream.indirect_vreg.gather [hbm4b:s4+s2], $0x80, v4, vm0, $0xb8;
	[tilespmem:$0x18400] =	vst v63  }
0x5b: {  	s22 =	simm.s32 $0x1400;
	v3 =	vadd.s32 v1, v3  }
0x5c: {  	[tilespmem:s22], [sflag:$0x2] =	stream.indirect_vreg.gather [hbm4b:s5+s2], $0x80, v4, vm0, $0xb8;
	[tilespmem:$0x18400] =	vst v63  }
0x5d: {  	s23 =	simm.s32 $0x1C00  }
0x5e: {  	[tilespmem:s23], [sflag:$0x2] =	stream.indirect_vreg.gather [hbm4b:s6+s2], $0x80, v4, vm0, $0xb8;
	[tilespmem:$0x18400] =	vst v63  }
0x5f: {  	s24 =	simm.s32 $0x2400  }
0x60: {  	[tilespmem:s24], [sflag:$0x2] =	stream.indirect_vreg.gather [hbm4b:s3+s2], $0x80, v3, vm0, $0xb8;
	[tilespmem:$0x18400] =	vst v63  }
0x61: {  	s1 =	simm.s32 $0x2C00  }
0x62: {  	[tilespmem:s1], [sflag:$0x2] =	stream.indirect_vreg.gather [hbm4b:s4+s2], $0x80, v3, vm0, $0xb8;
	[tilespmem:$0x18400] =	vst v63  }
0x63: {  	_ = 	snop  }
0x64: {  	[tilespmem:s29], [sflag:$0x2] =	stream.indirect_vreg.gather [hbm4b:s5+s2], $0x80, v3, vm0, $0xb8;
	[tilespmem:$0x18400] =	vst v63  }
0x65: {  	_ = 	snop  }
0x66: {  	[tilespmem:s30], [sflag:$0x2] =	stream.indirect_vreg.gather [hbm4b:s6+s2], $0x80, v3, vm0, $0xb8;
	[tilespmem:$0x18400] =	vst v63  }
0x67: {  	v3 =	vld [tilespmem:$0x10];
	_ =	sdelay $0x4  }
0x68: {  	v49 =	vshll.u32 v3, $0x3  }
0x69: {  	v3 =	vand.u32 $0x7, v3;
	v4 =	vand.u32 $0xFFFFFFC0, v49  }
0x6a: {  	v3 =	vor.u32 v3, v4  }
0x6b: {  	v4 =	vperm.xlane v3, v0;
	_ =	sdelay $0x1  }
0x6c: {  	v4 =	vadd.s32 v1, v4;
	_ =	sdelay $0x4  }
0x6d: {  	[tilespmem:s31], [sflag:$0x2] =	stream.indirect_vreg.gather [hbm4b:s3+s2], $0x80, v4, vm0, $0xb8;
	[tilespmem:$0x18400] =	vst v63  }
0x6e: {  	s21 =	simm.s32 $0x4C00;
	v3 =	vperm.xlane v3, v2  }
0x6f: {  	[tilespmem:s21], [sflag:$0x2] =	stream.indirect_vreg.gather [hbm4b:s4+s2], $0x80, v4, vm0, $0xb8;
	[tilespmem:$0x18400] =	vst v63  }
0x70: {  	s22 =	simm.s32 $0x5400;
	v3 =	vadd.s32 v1, v3  }
0x71: {  	[tilespmem:s22], [sflag:$0x2] =	stream.indirect_vreg.gather [hbm4b:s5+s2], $0x80, v4, vm0, $0xb8;
	[tilespmem:$0x18400] =	vst v63  }
0x72: {  	s23 =	simm.s32 $0x5C00  }
0x73: {  	[tilespmem:s23], [sflag:$0x2] =	stream.indirect_vreg.gather [hbm4b:s6+s2], $0x80, v4, vm0, $0xb8;
	[tilespmem:$0x18400] =	vst v63  }
0x74: {  	s24 =	simm.s32 $0x6400  }
0x75: {  	[tilespmem:s24], [sflag:$0x2] =	stream.indirect_vreg.gather [hbm4b:s3+s2], $0x80, v3, vm0, $0xb8;
	[tilespmem:$0x18400] =	vst v63  }
0x76: {  	s1 =	simm.s32 $0x6C00  }
0x77: {  	[tilespmem:s1], [sflag:$0x2] =	stream.indirect_vreg.gather [hbm4b:s4+s2], $0x80, v3, vm0, $0xb8;
	[tilespmem:$0x18400] =	vst v63  }
0x78: {  	s21 =	simm.s32 $0x7400  }
0x79: {  	[tilespmem:s21], [sflag:$0x2] =	stream.indirect_vreg.gather [hbm4b:s5+s2], $0x80, v3, vm0, $0xb8;
	[tilespmem:$0x18400] =	vst v63  }
0x7a: {  	s22 =	simm.s32 $0x7C00  }
0x7b: {  	[tilespmem:s22], [sflag:$0x2] =	stream.indirect_vreg.gather [hbm4b:s6+s2], $0x80, v3, vm0, $0xb8;
	[tilespmem:$0x18400] =	vst v63  }
0x7c: {  	v3 =	vld [tilespmem:$0x80];
	_ =	sdelay $0x4  }
0x7d: {  	v50 =	vshll.u32 v3, $0x3  }
0x7e: {  	v3 =	vand.u32 $0x7, v3;
	v4 =	vand.u32 $0xFFFFFFC0, v50  }
0x7f: {  	v3 =	vor.u32 v3, v4  }
0x80: {  	v4 =	vperm.xlane v3, v0;
	_ =	sdelay $0x1  }
0x81: {  	v4 =	vadd.s32 v1, v4;
	_ =	sdelay $0x3  }
0x82: {  	s0 =	simm.s32 $0x8400  }
0x83: {  	[tilespmem:s0], [sflag:$0x2] =	stream.indirect_vreg.gather [hbm4b:s3+s2], $0x80, v4, vm0, $0xb8;
	[tilespmem:$0x18400] =	vst v63  }
0x84: {  	s1 =	simm.s32 $0x8C00;
	v3 =	vperm.xlane v3, v2  }
0x85: {  	[tilespmem:s1], [sflag:$0x2] =	stream.indirect_vreg.gather [hbm4b:s4+s2], $0x80, v4, vm0, $0xb8;
	[tilespmem:$0x18400] =	vst v63  }
0x86: {  	s23 =	simm.s32 $0x9400;
	v3 =	vadd.s32 v1, v3  }
0x87: {  	[tilespmem:s23], [sflag:$0x2] =	stream.indirect_vreg.gather [hbm4b:s5+s2], $0x80, v4, vm0, $0xb8;
	[tilespmem:$0x18400] =	vst v63  }
0x88: {  	s24 =	simm.s32 $0x9C00  }
0x89: {  	[tilespmem:s24], [sflag:$0x2] =	stream.indirect_vreg.gather [hbm4b:s6+s2], $0x80, v4, vm0, $0xb8;
	[tilespmem:$0x18400] =	vst v63  }
0x8a: {  	s21 =	simm.s32 $0xA400  }
0x8b: {  	[tilespmem:s21], [sflag:$0x2] =	stream.indirect_vreg.gather [hbm4b:s3+s2], $0x80, v3, vm0, $0xb8;
	[tilespmem:$0x18400] =	vst v63  }
0x8c: {  	s22 =	simm.s32 $0xAC00  }
0x8d: {  	[tilespmem:s22], [sflag:$0x2] =	stream.indirect_vreg.gather [hbm4b:s4+s2], $0x80, v3, vm0, $0xb8;
	[tilespmem:$0x18400] =	vst v63  }
0x8e: {  	s23 =	simm.s32 $0xB400  }
0x8f: {  	[tilespmem:s23], [sflag:$0x2] =	stream.indirect_vreg.gather [hbm4b:s5+s2], $0x80, v3, vm0, $0xb8;
	[tilespmem:$0x18400] =	vst v63  }
0x90: {  	s24 =	simm.s32 $0xBC00  }
0x91: {  	[tilespmem:s24], [sflag:$0x2] =	stream.indirect_vreg.gather [hbm4b:s6+s2], $0x80, v3, vm0, $0xb8;
	[tilespmem:$0x18400] =	vst v63  }
0x92: {  	v3 =	vld [tilespmem:$0x90];
	_ =	sdelay $0x4  }
0x93: {  	v51 =	vshll.u32 v3, $0x3  }
0x94: {  	v3 =	vand.u32 $0x7, v3;
	v4 =	vand.u32 $0xFFFFFFC0, v51  }
0x95: {  	v3 =	vor.u32 v3, v4  }
0x96: {  	v4 =	vperm.xlane v3, v0;
	_ =	sdelay $0x1  }
0x97: {  	v4 =	vadd.s32 v1, v4;
	_ =	sdelay $0x3  }
0x98: {  	s21 =	simm.s32 $0xC400  }
0x99: {  	[tilespmem:s21], [sflag:$0x2] =	stream.indirect_vreg.gather [hbm4b:s3+s2], $0x80, v4, vm0, $0xb8;
	[tilespmem:$0x18400] =	vst v63  }
0x9a: {  	s22 =	simm.s32 $0xCC00;
	v3 =	vperm.xlane v3, v2  }
0x9b: {  	[tilespmem:s22], [sflag:$0x2] =	stream.indirect_vreg.gather [hbm4b:s4+s2], $0x80, v4, vm0, $0xb8;
	[tilespmem:$0x18400] =	vst v63  }
0x9c: {  	s23 =	simm.s32 $0xD400;
	v3 =	vadd.s32 v1, v3  }
0x9d: {  	[tilespmem:s23], [sflag:$0x2] =	stream.indirect_vreg.gather [hbm4b:s5+s2], $0x80, v4, vm0, $0xb8;
	[tilespmem:$0x18400] =	vst v63  }
0x9e: {  	s24 =	simm.s32 $0xDC00  }
0x9f: {  	[tilespmem:s24], [sflag:$0x2] =	stream.indirect_vreg.gather [hbm4b:s6+s2], $0x80, v4, vm0, $0xb8;
	[tilespmem:$0x18400] =	vst v63  }
0xa0: {  	s21 =	simm.s32 $0xE400  }
0xa1: {  	[tilespmem:s21], [sflag:$0x2] =	stream.indirect_vreg.gather [hbm4b:s3+s2], $0x80, v3, vm0, $0xb8;
	[tilespmem:$0x18400] =	vst v63  }
0xa2: {  	s22 =	simm.s32 $0xEC00  }
0xa3: {  	[tilespmem:s22], [sflag:$0x2] =	stream.indirect_vreg.gather [hbm4b:s4+s2], $0x80, v3, vm0, $0xb8;
	[tilespmem:$0x18400] =	vst v63  }
0xa4: {  	s23 =	simm.s32 $0xF400  }
0xa5: {  	[tilespmem:s23], [sflag:$0x2] =	stream.indirect_vreg.gather [hbm4b:s5+s2], $0x80, v3, vm0, $0xb8;
	[tilespmem:$0x18400] =	vst v63  }
0xa6: {  	s24 =	simm.s32 $0xFC00  }
0xa7: {  	[tilespmem:s24], [sflag:$0x2] =	stream.indirect_vreg.gather [hbm4b:s6+s2], $0x80, v3, vm0, $0xb8;
	[tilespmem:$0x18400] =	vst v63  }
0xa8: {  	v3 =	vld [tilespmem:$0x100];
	_ =	sdelay $0x4  }
0xa9: {  	v52 =	vshll.u32 v3, $0x3  }
0xaa: {  	v3 =	vand.u32 $0x7, v3;
	v4 =	vand.u32 $0xFFFFFFC0, v52  }
0xab: {  	v3 =	vor.u32 v3, v4  }
0xac: {  	v4 =	vperm.xlane v3, v0;
	_ =	sdelay $0x1  }
0xad: {  	v4 =	vadd.s32 v1, v4;
	_ =	sdelay $0x4  }
0xae: {  	[tilespmem:s28], [sflag:$0x2] =	stream.indirect_vreg.gather [hbm4b:s3+s2], $0x80, v4, vm0, $0xb8;
	[tilespmem:$0x18400] =	vst v63  }
0xaf: {  	s1 =	simm.s32 $0x10C00;
	v3 =	vperm.xlane v3, v2  }
0xb0: {  	[tilespmem:s1], [sflag:$0x2] =	stream.indirect_vreg.gather [hbm4b:s4+s2], $0x80, v4, vm0, $0xb8;
	[tilespmem:$0x18400] =	vst v63  }
0xb1: {  	v3 =	vadd.s32 v1, v3  }
0xb2: {  	[tilespmem:s9], [sflag:$0x2] =	stream.indirect_vreg.gather [hbm4b:s5+s2], $0x80, v4, vm0, $0xb8;
	[tilespmem:$0x18400] =	vst v63  }
0xb3: {  	_ = 	snop  }
0xb4: {  	[tilespmem:s10], [sflag:$0x2] =	stream.indirect_vreg.gather [hbm4b:s6+s2], $0x80, v4, vm0, $0xb8;
	[tilespmem:$0x18400] =	vst v63  }
0xb5: {  	_ = 	snop  }
0xb6: {  	[tilespmem:s11], [sflag:$0x2] =	stream.indirect_vreg.gather [hbm4b:s3+s2], $0x80, v3, vm0, $0xb8;
	[tilespmem:$0x18400] =	vst v63  }
0xb7: {  	_ = 	snop  }
0xb8: {  	[tilespmem:s12], [sflag:$0x2] =	stream.indirect_vreg.gather [hbm4b:s4+s2], $0x80, v3, vm0, $0xb8;
	[tilespmem:$0x18400] =	vst v63  }
0xb9: {  	_ = 	snop  }
0xba: {  	[tilespmem:s13], [sflag:$0x2] =	stream.indirect_vreg.gather [hbm4b:s5+s2], $0x80, v3, vm0, $0xb8;
	[tilespmem:$0x18400] =	vst v63  }
0xbb: {  	_ = 	snop  }
0xbc: {  	[tilespmem:s14], [sflag:$0x2] =	stream.indirect_vreg.gather [hbm4b:s6+s2], $0x80, v3, vm0, $0xb8;
	[tilespmem:$0x18400] =	vst v63  }
0xbd: {  	v3 =	vld [tilespmem:$0x110];
	_ =	sdelay $0x4  }
0xbe: {  	v53 =	vshll.u32 v3, $0x3  }
0xbf: {  	v3 =	vand.u32 $0x7, v3;
	v4 =	vand.u32 $0xFFFFFFC0, v53  }
0xc0: {  	v3 =	vor.u32 v3, v4  }
0xc1: {  	v4 =	vperm.xlane v3, v0;
	_ =	sdelay $0x1  }
0xc2: {  	v4 =	vadd.s32 v1, v4;
	_ =	sdelay $0x4  }
0xc3: {  	[tilespmem:s15], [sflag:$0x2] =	stream.indirect_vreg.gather [hbm4b:s3+s2], $0x80, v4, vm0, $0xb8;
	[tilespmem:$0x18400] =	vst v63  }
0xc4: {  	v3 =	vperm.xlane v3, v2  }
0xc5: {  	[tilespmem:s16], [sflag:$0x2] =	stream.indirect_vreg.gather [hbm4b:s4+s2], $0x80, v4, vm0, $0xb8;
	[tilespmem:$0x18400] =	vst v63  }
0xc6: {  	v3 =	vadd.s32 v1, v3  }
0xc7: {  	[tilespmem:s17], [sflag:$0x2] =	stream.indirect_vreg.gather [hbm4b:s5+s2], $0x80, v4, vm0, $0xb8;
	[tilespmem:$0x18400] =	vst v63  }
0xc8: {  	_ = 	snop  }
0xc9: {  	[tilespmem:s18], [sflag:$0x2] =	stream.indirect_vreg.gather [hbm4b:s6+s2], $0x80, v4, vm0, $0xb8;
	[tilespmem:$0x18400] =	vst v63  }
0xca: {  	s22 =	simm.s32 $0x16400  }
0xcb: {  	[tilespmem:s22], [sflag:$0x2] =	stream.indirect_vreg.gather [hbm4b:s3+s2], $0x80, v3, vm0, $0xb8;
	[tilespmem:$0x18400] =	vst v63  }
0xcc: {  	s23 =	simm.s32 $0x16C00  }
0xcd: {  	[tilespmem:s23], [sflag:$0x2] =	stream.indirect_vreg.gather [hbm4b:s4+s2], $0x80, v3, vm0, $0xb8;
	[tilespmem:$0x18400] =	vst v63  }
0xce: {  	s24 =	simm.s32 $0x17400  }
0xcf: {  	[tilespmem:s24], [sflag:$0x2] =	stream.indirect_vreg.gather [hbm4b:s5+s2], $0x80, v3, vm0, $0xb8;
	[tilespmem:$0x18400] =	vst v63  }
0xd0: {  	_ = 	snop  }
0xd1: {  	[tilespmem:s26], [sflag:$0x2] =	stream.indirect_vreg.gather [hbm4b:s6+s2], $0x80, v3, vm0, $0xb8;
	[tilespmem:$0x18400] =	vst v63  }
0xd2: {  	_ =	swait.ge [sflag:s19], $0x8000  }
0xd3: {  	[sflag:s19] =	ssyncset.done $0x0  }
0xd4: {  	s21 =	rddreg [dreg:$0xb];
	[sflag:s19] =	ssyncadd.s32 $0xFFFF8000  }
0xd5: {  	[hbm4b:s21+s2] =	stream.linear.scatter [tilespmem:s25], [sflag:$0x3], $0x8000, $0x38;
	[tilespmem:$0x18400] =	vst v63  }
0xd6: {  	_ =	swait.ge [sflag:s20], $0x8000  }
0xd7: {  	[sflag:s20] =	ssyncset.done $0x0  }
0xd8: {  	[sflag:s20] =	ssyncadd.s32 $0xFFFF8000  }
0xd9: {  	v3 =	vld [tilespmem:$0x180];
	_ =	sdelay $0x4  }
0xda: {  	v54 =	vshll.u32 v3, $0x3  }
0xdb: {  	v3 =	vand.u32 $0x7, v3;
	v4 =	vand.u32 $0xFFFFFFC0, v54  }
0xdc: {  	v3 =	vor.u32 v3, v4  }
0xdd: {  	v4 =	vperm.xlane v3, v0;
	_ =	sdelay $0x1  }
0xde: {  	v4 =	vadd.s32 v1, v4;
	_ =	sdelay $0x4  }
0xdf: {  	[tilespmem:s25], [sflag:$0x2] =	stream.indirect_vreg.gather [hbm4b:s3+s2], $0x80, v4, vm0, $0xb8;
	[tilespmem:$0x18400] =	vst v63  }
0xe0: {  	s21 =	simm.s32 $0xC00;
	v3 =	vperm.xlane v3, v2  }
0xe1: {  	[tilespmem:s21], [sflag:$0x2] =	stream.indirect_vreg.gather [hbm4b:s4+s2], $0x80, v4, vm0, $0xb8;
	[tilespmem:$0x18400] =	vst v63  }
0xe2: {  	v3 =	vadd.s32 v1, v3;
	s21 =	simm.s32 $0x1400  }
0xe3: {  	[tilespmem:s21], [sflag:$0x2] =	stream.indirect_vreg.gather [hbm4b:s5+s2], $0x80, v4, vm0, $0xb8;
	[tilespmem:$0x18400] =	vst v63  }
0xe4: {  	s21 =	simm.s32 $0x1C00  }
0xe5: {  	[tilespmem:s21], [sflag:$0x2] =	stream.indirect_vreg.gather [hbm4b:s6+s2], $0x80, v4, vm0, $0xb8;
	[tilespmem:$0x18400] =	vst v63  }
0xe6: {  	s21 =	simm.s32 $0x2400  }
0xe7: {  	[tilespmem:s21], [sflag:$0x2] =	stream.indirect_vreg.gather [hbm4b:s3+s2], $0x80, v3, vm0, $0xb8;
	[tilespmem:$0x18400] =	vst v63  }
0xe8: {  	s21 =	simm.s32 $0x2C00  }
0xe9: {  	[tilespmem:s21], [sflag:$0x2] =	stream.indirect_vreg.gather [hbm4b:s4+s2], $0x80, v3, vm0, $0xb8;
	[tilespmem:$0x18400] =	vst v63  }
0xea: {  	_ = 	snop  }
0xeb: {  	[tilespmem:s29], [sflag:$0x2] =	stream.indirect_vreg.gather [hbm4b:s5+s2], $0x80, v3, vm0, $0xb8;
	[tilespmem:$0x18400] =	vst v63  }
0xec: {  	_ = 	snop  }
0xed: {  	[tilespmem:s30], [sflag:$0x2] =	stream.indirect_vreg.gather [hbm4b:s6+s2], $0x80, v3, vm0, $0xb8;
	[tilespmem:$0x18400] =	vst v63  }
0xee: {  	v3 =	vld [tilespmem:$0x190];
	_ =	sdelay $0x4  }
0xef: {  	v55 =	vshll.u32 v3, $0x3  }
0xf0: {  	v3 =	vand.u32 $0x7, v3;
	v4 =	vand.u32 $0xFFFFFFC0, v55  }
0xf1: {  	v3 =	vor.u32 v3, v4  }
0xf2: {  	v4 =	vperm.xlane v3, v0;
	_ =	sdelay $0x1  }
0xf3: {  	v4 =	vadd.s32 v1, v4;
	_ =	sdelay $0x4  }
0xf4: {  	[tilespmem:s31], [sflag:$0x2] =	stream.indirect_vreg.gather [hbm4b:s3+s2], $0x80, v4, vm0, $0xb8;
	[tilespmem:$0x18400] =	vst v63  }
0xf5: {  	s21 =	simm.s32 $0x4C00;
	v3 =	vperm.xlane v3, v2  }
0xf6: {  	[tilespmem:s21], [sflag:$0x2] =	stream.indirect_vreg.gather [hbm4b:s4+s2], $0x80, v4, vm0, $0xb8;
	[tilespmem:$0x18400] =	vst v63  }
0xf7: {  	v3 =	vadd.s32 v1, v3;
	s21 =	simm.s32 $0x5400  }
0xf8: {  	[tilespmem:s21], [sflag:$0x2] =	stream.indirect_vreg.gather [hbm4b:s5+s2], $0x80, v4, vm0, $0xb8;
	[tilespmem:$0x18400] =	vst v63  }
0xf9: {  	s21 =	simm.s32 $0x5C00  }
0xfa: {  	[tilespmem:s21], [sflag:$0x2] =	stream.indirect_vreg.gather [hbm4b:s6+s2], $0x80, v4, vm0, $0xb8;
	[tilespmem:$0x18400] =	vst v63  }
0xfb: {  	s21 =	simm.s32 $0x6400  }
0xfc: {  	[tilespmem:s21], [sflag:$0x2] =	stream.indirect_vreg.gather [hbm4b:s3+s2], $0x80, v3, vm0, $0xb8;
	[tilespmem:$0x18400] =	vst v63  }
0xfd: {  	s21 =	simm.s32 $0x6C00  }
0xfe: {  	[tilespmem:s21], [sflag:$0x2] =	stream.indirect_vreg.gather [hbm4b:s4+s2], $0x80, v3, vm0, $0xb8;
	[tilespmem:$0x18400] =	vst v63  }
0xff: {  	s21 =	simm.s32 $0x7400  }
0x100: {  	[tilespmem:s21], [sflag:$0x2] =	stream.indirect_vreg.gather [hbm4b:s5+s2], $0x80, v3, vm0, $0xb8;
	[tilespmem:$0x18400] =	vst v63  }
0x101: {  	s21 =	simm.s32 $0x7C00  }
0x102: {  	[tilespmem:s21], [sflag:$0x2] =	stream.indirect_vreg.gather [hbm4b:s6+s2], $0x80, v3, vm0, $0xb8;
	[tilespmem:$0x18400] =	vst v63  }
0x103: {  	_ =	swait.ge [sflag:s19], $0x8000  }
0x104: {  	[sflag:s19] =	ssyncset.done $0x0  }
0x105: {  	s21 =	rddreg [dreg:$0xc];
	[sflag:s19] =	ssyncadd.s32 $0xFFFF8000  }
0x106: {  	[hbm4b:s21+s2] =	stream.linear.scatter [tilespmem:s0], [sflag:$0x3], $0x8000, $0x38;
	[tilespmem:$0x18400] =	vst v63  }
0x107: {  	_ =	swait.ge [sflag:s20], $0x8000  }
0x108: {  	[sflag:s20] =	ssyncset.done $0x0  }
0x109: {  	[sflag:s20] =	ssyncadd.s32 $0xFFFF8000  }
0x10a: {  	v3 =	vld [tilespmem:$0x200];
	_ =	sdelay $0x4  }
0x10b: {  	v56 =	vshll.u32 v3, $0x3  }
0x10c: {  	v3 =	vand.u32 $0x7, v3;
	v4 =	vand.u32 $0xFFFFFFC0, v56  }
0x10d: {  	v3 =	vor.u32 v3, v4  }
0x10e: {  	v4 =	vperm.xlane v3, v0;
	_ =	sdelay $0x1  }
0x10f: {  	v4 =	vadd.s32 v1, v4;
	_ =	sdelay $0x4  }
0x110: {  	[tilespmem:s0], [sflag:$0x2] =	stream.indirect_vreg.gather [hbm4b:s3+s2], $0x80, v4, vm0, $0xb8;
	[tilespmem:$0x18400] =	vst v63  }
0x111: {  	s21 =	simm.s32 $0x8C00;
	v3 =	vperm.xlane v3, v2  }
0x112: {  	[tilespmem:s21], [sflag:$0x2] =	stream.indirect_vreg.gather [hbm4b:s4+s2], $0x80, v4, vm0, $0xb8;
	[tilespmem:$0x18400] =	vst v63  }
0x113: {  	v3 =	vadd.s32 v1, v3;
	s21 =	simm.s32 $0x9400  }
0x114: {  	[tilespmem:s21], [sflag:$0x2] =	stream.indirect_vreg.gather [hbm4b:s5+s2], $0x80, v4, vm0, $0xb8;
	[tilespmem:$0x18400] =	vst v63  }
0x115: {  	s21 =	simm.s32 $0x9C00  }
0x116: {  	[tilespmem:s21], [sflag:$0x2] =	stream.indirect_vreg.gather [hbm4b:s6+s2], $0x80, v4, vm0, $0xb8;
	[tilespmem:$0x18400] =	vst v63  }
0x117: {  	s21 =	simm.s32 $0xA400  }
0x118: {  	[tilespmem:s21], [sflag:$0x2] =	stream.indirect_vreg.gather [hbm4b:s3+s2], $0x80, v3, vm0, $0xb8;
	[tilespmem:$0x18400] =	vst v63  }
0x119: {  	s21 =	simm.s32 $0xAC00  }
0x11a: {  	[tilespmem:s21], [sflag:$0x2] =	stream.indirect_vreg.gather [hbm4b:s4+s2], $0x80, v3, vm0, $0xb8;
	[tilespmem:$0x18400] =	vst v63  }
0x11b: {  	s21 =	simm.s32 $0xB400  }
0x11c: {  	[tilespmem:s21], [sflag:$0x2] =	stream.indirect_vreg.gather [hbm4b:s5+s2], $0x80, v3, vm0, $0xb8;
	[tilespmem:$0x18400] =	vst v63  }
0x11d: {  	s21 =	simm.s32 $0xBC00  }
0x11e: {  	[tilespmem:s21], [sflag:$0x2] =	stream.indirect_vreg.gather [hbm4b:s6+s2], $0x80, v3, vm0, $0xb8;
	[tilespmem:$0x18400] =	vst v63  }
0x11f: {  	v3 =	vld [tilespmem:$0x210];
	_ =	sdelay $0x4  }
0x120: {  	v57 =	vshll.u32 v3, $0x3  }
0x121: {  	v3 =	vand.u32 $0x7, v3;
	v4 =	vand.u32 $0xFFFFFFC0, v57  }
0x122: {  	v3 =	vor.u32 v3, v4  }
0x123: {  	v4 =	vperm.xlane v3, v0;
	_ =	sdelay $0x1  }
0x124: {  	v4 =	vadd.s32 v1, v4;
	_ =	sdelay $0x3  }
0x125: {  	s21 =	simm.s32 $0xC400  }
0x126: {  	[tilespmem:s21], [sflag:$0x2] =	stream.indirect_vreg.gather [hbm4b:s3+s2], $0x80, v4, vm0, $0xb8;
	[tilespmem:$0x18400] =	vst v63  }
0x127: {  	v3 =	vperm.xlane v3, v2;
	s21 =	simm.s32 $0xCC00  }
0x128: {  	[tilespmem:s21], [sflag:$0x2] =	stream.indirect_vreg.gather [hbm4b:s4+s2], $0x80, v4, vm0, $0xb8;
	[tilespmem:$0x18400] =	vst v63  }
0x129: {  	v3 =	vadd.s32 v1, v3;
	s21 =	simm.s32 $0xD400  }
0x12a: {  	[tilespmem:s21], [sflag:$0x2] =	stream.indirect_vreg.gather [hbm4b:s5+s2], $0x80, v4, vm0, $0xb8;
	[tilespmem:$0x18400] =	vst v63  }
0x12b: {  	s21 =	simm.s32 $0xDC00  }
0x12c: {  	[tilespmem:s21], [sflag:$0x2] =	stream.indirect_vreg.gather [hbm4b:s6+s2], $0x80, v4, vm0, $0xb8;
	[tilespmem:$0x18400] =	vst v63  }
0x12d: {  	s21 =	simm.s32 $0xE400  }
0x12e: {  	[tilespmem:s21], [sflag:$0x2] =	stream.indirect_vreg.gather [hbm4b:s3+s2], $0x80, v3, vm0, $0xb8;
	[tilespmem:$0x18400] =	vst v63  }
0x12f: {  	s21 =	simm.s32 $0xEC00  }
0x130: {  	[tilespmem:s21], [sflag:$0x2] =	stream.indirect_vreg.gather [hbm4b:s4+s2], $0x80, v3, vm0, $0xb8;
	[tilespmem:$0x18400] =	vst v63  }
0x131: {  	s21 =	simm.s32 $0xF400  }
0x132: {  	[tilespmem:s21], [sflag:$0x2] =	stream.indirect_vreg.gather [hbm4b:s5+s2], $0x80, v3, vm0, $0xb8;
	[tilespmem:$0x18400] =	vst v63  }
0x133: {  	s21 =	simm.s32 $0xFC00  }
0x134: {  	[tilespmem:s21], [sflag:$0x2] =	stream.indirect_vreg.gather [hbm4b:s6+s2], $0x80, v3, vm0, $0xb8;
	[tilespmem:$0x18400] =	vst v63  }
0x135: {  	_ =	swait.ge [sflag:s19], $0x8000  }
0x136: {  	[sflag:s19] =	ssyncset.done $0x0  }
0x137: {  	s21 =	rddreg [dreg:$0xd];
	[sflag:s19] =	ssyncadd.s32 $0xFFFF8000  }
0x138: {  	[hbm4b:s21+s2] =	stream.linear.scatter [tilespmem:s28], [sflag:$0x3], $0x8000, $0x38;
	[tilespmem:$0x18400] =	vst v63  }
0x139: {  	_ =	swait.ge [sflag:s20], $0x8000  }
0x13a: {  	[sflag:s20] =	ssyncset.done $0x0  }
0x13b: {  	[sflag:s20] =	ssyncadd.s32 $0xFFFF8000  }
0x13c: {  	v3 =	vld [tilespmem:$0x280];
	_ =	sdelay $0x4  }
0x13d: {  	v58 =	vshll.u32 v3, $0x3  }
0x13e: {  	v3 =	vand.u32 $0x7, v3;
	v4 =	vand.u32 $0xFFFFFFC0, v58  }
0x13f: {  	v3 =	vor.u32 v3, v4  }
0x140: {  	v4 =	vperm.xlane v3, v0;
	_ =	sdelay $0x1  }
0x141: {  	v4 =	vadd.s32 v1, v4;
	_ =	sdelay $0x4  }
0x142: {  	[tilespmem:s28], [sflag:$0x2] =	stream.indirect_vreg.gather [hbm4b:s3+s2], $0x80, v4, vm0, $0xb8;
	[tilespmem:$0x18400] =	vst v63  }
0x143: {  	v3 =	vperm.xlane v3, v2  }
0x144: {  	[tilespmem:s1], [sflag:$0x2] =	stream.indirect_vreg.gather [hbm4b:s4+s2], $0x80, v4, vm0, $0xb8;
	[tilespmem:$0x18400] =	vst v63  }
0x145: {  	v3 =	vadd.s32 v1, v3  }
0x146: {  	[tilespmem:s9], [sflag:$0x2] =	stream.indirect_vreg.gather [hbm4b:s5+s2], $0x80, v4, vm0, $0xb8;
	[tilespmem:$0x18400] =	vst v63  }
0x147: {  	_ = 	snop  }
0x148: {  	[tilespmem:s10], [sflag:$0x2] =	stream.indirect_vreg.gather [hbm4b:s6+s2], $0x80, v4, vm0, $0xb8;
	[tilespmem:$0x18400] =	vst v63  }
0x149: {  	_ = 	snop  }
0x14a: {  	[tilespmem:s11], [sflag:$0x2] =	stream.indirect_vreg.gather [hbm4b:s3+s2], $0x80, v3, vm0, $0xb8;
	[tilespmem:$0x18400] =	vst v63  }
0x14b: {  	_ = 	snop  }
0x14c: {  	[tilespmem:s12], [sflag:$0x2] =	stream.indirect_vreg.gather [hbm4b:s4+s2], $0x80, v3, vm0, $0xb8;
	[tilespmem:$0x18400] =	vst v63  }
0x14d: {  	_ = 	snop  }
0x14e: {  	[tilespmem:s13], [sflag:$0x2] =	stream.indirect_vreg.gather [hbm4b:s5+s2], $0x80, v3, vm0, $0xb8;
	[tilespmem:$0x18400] =	vst v63  }
0x14f: {  	_ = 	snop  }
0x150: {  	[tilespmem:s14], [sflag:$0x2] =	stream.indirect_vreg.gather [hbm4b:s6+s2], $0x80, v3, vm0, $0xb8;
	[tilespmem:$0x18400] =	vst v63  }
0x151: {  	v3 =	vld [tilespmem:$0x290];
	_ =	sdelay $0x4  }
0x152: {  	v59 =	vshll.u32 v3, $0x3  }
0x153: {  	v3 =	vand.u32 $0x7, v3;
	v4 =	vand.u32 $0xFFFFFFC0, v59  }
0x154: {  	v3 =	vor.u32 v3, v4  }
0x155: {  	v4 =	vperm.xlane v3, v0;
	_ =	sdelay $0x1  }
0x156: {  	v4 =	vadd.s32 v1, v4;
	_ =	sdelay $0x4  }
0x157: {  	[tilespmem:s15], [sflag:$0x2] =	stream.indirect_vreg.gather [hbm4b:s3+s2], $0x80, v4, vm0, $0xb8;
	[tilespmem:$0x18400] =	vst v63  }
0x158: {  	v3 =	vperm.xlane v3, v2  }
0x159: {  	[tilespmem:s16], [sflag:$0x2] =	stream.indirect_vreg.gather [hbm4b:s4+s2], $0x80, v4, vm0, $0xb8;
	[tilespmem:$0x18400] =	vst v63  }
0x15a: {  	v3 =	vadd.s32 v1, v3  }
0x15b: {  	[tilespmem:s17], [sflag:$0x2] =	stream.indirect_vreg.gather [hbm4b:s5+s2], $0x80, v4, vm0, $0xb8;
	[tilespmem:$0x18400] =	vst v63  }
0x15c: {  	_ = 	snop  }
0x15d: {  	[tilespmem:s18], [sflag:$0x2] =	stream.indirect_vreg.gather [hbm4b:s6+s2], $0x80, v4, vm0, $0xb8;
	[tilespmem:$0x18400] =	vst v63  }
0x15e: {  	_ = 	snop  }
0x15f: {  	[tilespmem:s22], [sflag:$0x2] =	stream.indirect_vreg.gather [hbm4b:s3+s2], $0x80, v3, vm0, $0xb8;
	[tilespmem:$0x18400] =	vst v63  }
0x160: {  	_ = 	snop  }
0x161: {  	[tilespmem:s23], [sflag:$0x2] =	stream.indirect_vreg.gather [hbm4b:s4+s2], $0x80, v3, vm0, $0xb8;
	[tilespmem:$0x18400] =	vst v63  }
0x162: {  	_ = 	snop  }
0x163: {  	[tilespmem:s24], [sflag:$0x2] =	stream.indirect_vreg.gather [hbm4b:s5+s2], $0x80, v3, vm0, $0xb8;
	[tilespmem:$0x18400] =	vst v63  }
0x164: {  	_ = 	snop  }
0x165: {  	[tilespmem:s26], [sflag:$0x2] =	stream.indirect_vreg.gather [hbm4b:s6+s2], $0x80, v3, vm0, $0xb8;
	[tilespmem:$0x18400] =	vst v63  }
0x166: {  	_ =	swait.ge [sflag:s19], $0x8000  }
0x167: {  	[sflag:s19] =	ssyncset.done $0x0  }
0x168: {  	s1 =	rddreg [dreg:$0xe];
	[sflag:s19] =	ssyncadd.s32 $0xFFFF8000  }
0x169: {  	[hbm4b:s1+s2] =	stream.linear.scatter [tilespmem:s25], [sflag:$0x3], $0x8000, $0x38;
	[tilespmem:$0x18400] =	vst v63  }
0x16a: {  	_ =	swait.ge [sflag:s20], $0x8000  }
0x16b: {  	[sflag:s20] =	ssyncset.done $0x0  }
0x16c: {  	[sflag:s20] =	ssyncadd.s32 $0xFFFF8000  }
0x16d: {  	v3 =	vld [tilespmem:$0x300];
	_ =	sdelay $0x4  }
0x16e: {  	v60 =	vshll.u32 v3, $0x3  }
0x16f: {  	v3 =	vand.u32 $0x7, v3;
	v4 =	vand.u32 $0xFFFFFFC0, v60  }
0x170: {  	v3 =	vor.u32 v3, v4  }
0x171: {  	v4 =	vperm.xlane v3, v0;
	_ =	sdelay $0x1  }
0x172: {  	v4 =	vadd.s32 v1, v4;
	_ =	sdelay $0x4  }
0x173: {  	[tilespmem:s25], [sflag:$0x2] =	stream.indirect_vreg.gather [hbm4b:s3+s2], $0x80, v4, vm0, $0xb8;
	[tilespmem:$0x18400] =	vst v63  }
0x174: {  	s22 =	simm.s32 $0xC00;
	v3 =	vperm.xlane v3, v2  }
0x175: {  	[tilespmem:s22], [sflag:$0x2] =	stream.indirect_vreg.gather [hbm4b:s4+s2], $0x80, v4, vm0, $0xb8;
	[tilespmem:$0x18400] =	vst v63  }
0x176: {  	s23 =	simm.s32 $0x1400;
	v3 =	vadd.s32 v1, v3  }
0x177: {  	[tilespmem:s23], [sflag:$0x2] =	stream.indirect_vreg.gather [hbm4b:s5+s2], $0x80, v4, vm0, $0xb8;
	[tilespmem:$0x18400] =	vst v63  }
0x178: {  	s24 =	simm.s32 $0x1C00  }
0x179: {  	[tilespmem:s24], [sflag:$0x2] =	stream.indirect_vreg.gather [hbm4b:s6+s2], $0x80, v4, vm0, $0xb8;
	[tilespmem:$0x18400] =	vst v63  }
0x17a: {  	s21 =	simm.s32 $0x2400  }
0x17b: {  	[tilespmem:s21], [sflag:$0x2] =	stream.indirect_vreg.gather [hbm4b:s3+s2], $0x80, v3, vm0, $0xb8;
	[tilespmem:$0x18400] =	vst v63  }
0x17c: {  	s22 =	simm.s32 $0x2C00  }
0x17d: {  	[tilespmem:s22], [sflag:$0x2] =	stream.indirect_vreg.gather [hbm4b:s4+s2], $0x80, v3, vm0, $0xb8;
	[tilespmem:$0x18400] =	vst v63  }
0x17e: {  	_ = 	snop  }
0x17f: {  	[tilespmem:s29], [sflag:$0x2] =	stream.indirect_vreg.gather [hbm4b:s5+s2], $0x80, v3, vm0, $0xb8;
	[tilespmem:$0x18400] =	vst v63  }
0x180: {  	_ = 	snop  }
0x181: {  	[tilespmem:s30], [sflag:$0x2] =	stream.indirect_vreg.gather [hbm4b:s6+s2], $0x80, v3, vm0, $0xb8;
	[tilespmem:$0x18400] =	vst v63  }
0x182: {  	v3 =	vld [tilespmem:$0x310];
	_ =	sdelay $0x4  }
0x183: {  	v61 =	vshll.u32 v3, $0x3  }
0x184: {  	v3 =	vand.u32 $0x7, v3;
	v4 =	vand.u32 $0xFFFFFFC0, v61  }
0x185: {  	v3 =	vor.u32 v3, v4  }
0x186: {  	v4 =	vperm.xlane v3, v0;
	_ =	sdelay $0x1  }
0x187: {  	v4 =	vadd.s32 v1, v4;
	_ =	sdelay $0x4  }
0x188: {  	[tilespmem:s31], [sflag:$0x2] =	stream.indirect_vreg.gather [hbm4b:s3+s2], $0x80, v4, vm0, $0xb8;
	[tilespmem:$0x18400] =	vst v63  }
0x189: {  	s23 =	simm.s32 $0x4C00;
	v3 =	vperm.xlane v3, v2  }
0x18a: {  	[tilespmem:s23], [sflag:$0x2] =	stream.indirect_vreg.gather [hbm4b:s4+s2], $0x80, v4, vm0, $0xb8;
	[tilespmem:$0x18400] =	vst v63  }
0x18b: {  	s24 =	simm.s32 $0x5400;
	v3 =	vadd.s32 v1, v3  }
0x18c: {  	[tilespmem:s24], [sflag:$0x2] =	stream.indirect_vreg.gather [hbm4b:s5+s2], $0x80, v4, vm0, $0xb8;
	[tilespmem:$0x18400] =	vst v63  }
0x18d: {  	s21 =	simm.s32 $0x5C00  }
0x18e: {  	[tilespmem:s21], [sflag:$0x2] =	stream.indirect_vreg.gather [hbm4b:s6+s2], $0x80, v4, vm0, $0xb8;
	[tilespmem:$0x18400] =	vst v63  }
0x18f: {  	s22 =	simm.s32 $0x6400  }
0x190: {  	[tilespmem:s22], [sflag:$0x2] =	stream.indirect_vreg.gather [hbm4b:s3+s2], $0x80, v3, vm0, $0xb8;
	[tilespmem:$0x18400] =	vst v63  }
0x191: {  	s23 =	simm.s32 $0x6C00  }
0x192: {  	[tilespmem:s23], [sflag:$0x2] =	stream.indirect_vreg.gather [hbm4b:s4+s2], $0x80, v3, vm0, $0xb8;
	[tilespmem:$0x18400] =	vst v63  }
0x193: {  	s24 =	simm.s32 $0x7400  }
0x194: {  	[tilespmem:s24], [sflag:$0x2] =	stream.indirect_vreg.gather [hbm4b:s5+s2], $0x80, v3, vm0, $0xb8;
	[tilespmem:$0x18400] =	vst v63  }
0x195: {  	s21 =	simm.s32 $0x7C00  }
0x196: {  	[tilespmem:s21], [sflag:$0x2] =	stream.indirect_vreg.gather [hbm4b:s6+s2], $0x80, v3, vm0, $0xb8;
	[tilespmem:$0x18400] =	vst v63  }
0x197: {  	_ =	swait.ge [sflag:s19], $0x8000  }
0x198: {  	[sflag:s19] =	ssyncset.done $0x0  }
0x199: {  	s22 =	rddreg [dreg:$0xf];
	[sflag:s19] =	ssyncadd.s32 $0xFFFF8000  }
0x19a: {  	[hbm4b:s22+s2] =	stream.linear.scatter [tilespmem:s0], [sflag:$0x3], $0x8000, $0x38;
	[tilespmem:$0x18400] =	vst v63  }
0x19b: {  	_ =	swait.ge [sflag:s20], $0x8000  }
0x19c: {  	[sflag:s20] =	ssyncset.done $0x0  }
0x19d: {  	[sflag:s20] =	ssyncadd.s32 $0xFFFF8000  }
0x19e: {  	v3 =	vld [tilespmem:$0x380];
	_ =	sdelay $0x4  }
0x19f: {  	v62 =	vshll.u32 v3, $0x3  }
0x1a0: {  	v3 =	vand.u32 $0x7, v3;
	v4 =	vand.u32 $0xFFFFFFC0, v62  }
0x1a1: {  	v3 =	vor.u32 v3, v4  }
0x1a2: {  	v4 =	vperm.xlane v3, v0;
	_ =	sdelay $0x1  }
0x1a3: {  	v4 =	vadd.s32 v1, v4;
	_ =	sdelay $0x4  }
0x1a4: {  	[tilespmem:s0], [sflag:$0x2] =	stream.indirect_vreg.gather [hbm4b:s3+s2], $0x80, v4, vm0, $0xb8;
	[tilespmem:$0x18400] =	vst v63  }
0x1a5: {  	s23 =	simm.s32 $0x8C00;
	v3 =	vperm.xlane v3, v2  }
0x1a6: {  	[tilespmem:s23], [sflag:$0x2] =	stream.indirect_vreg.gather [hbm4b:s4+s2], $0x80, v4, vm0, $0xb8;
	[tilespmem:$0x18400] =	vst v63  }
0x1a7: {  	s24 =	simm.s32 $0x9400;
	v3 =	vadd.s32 v1, v3  }
0x1a8: {  	[tilespmem:s24], [sflag:$0x2] =	stream.indirect_vreg.gather [hbm4b:s5+s2], $0x80, v4, vm0, $0xb8;
	[tilespmem:$0x18400] =	vst v63  }
0x1a9: {  	s21 =	simm.s32 $0x9C00  }
0x1aa: {  	[tilespmem:s21], [sflag:$0x2] =	stream.indirect_vreg.gather [hbm4b:s6+s2], $0x80, v4, vm0, $0xb8;
	[tilespmem:$0x18400] =	vst v63  }
0x1ab: {  	s22 =	simm.s32 $0xA400  }
0x1ac: {  	[tilespmem:s22], [sflag:$0x2] =	stream.indirect_vreg.gather [hbm4b:s3+s2], $0x80, v3, vm0, $0xb8;
	[tilespmem:$0x18400] =	vst v63  }
0x1ad: {  	s23 =	simm.s32 $0xAC00  }
0x1ae: {  	[tilespmem:s23], [sflag:$0x2] =	stream.indirect_vreg.gather [hbm4b:s4+s2], $0x80, v3, vm0, $0xb8;
	[tilespmem:$0x18400] =	vst v63  }
0x1af: {  	s24 =	simm.s32 $0xB400  }
0x1b0: {  	[tilespmem:s24], [sflag:$0x2] =	stream.indirect_vreg.gather [hbm4b:s5+s2], $0x80, v3, vm0, $0xb8;
	[tilespmem:$0x18400] =	vst v63  }
0x1b1: {  	s21 =	simm.s32 $0xBC00  }
0x1b2: {  	[tilespmem:s21], [sflag:$0x2] =	stream.indirect_vreg.gather [hbm4b:s6+s2], $0x80, v3, vm0, $0xb8;
	[tilespmem:$0x18400] =	vst v63  }
0x1b3: {  	v3 =	vld [tilespmem:$0x390];
	_ =	sdelay $0x4  }
0x1b4: {  	v63 =	vshll.u32 v3, $0x3  }
0x1b5: {  	v3 =	vand.u32 $0x7, v3;
	v4 =	vand.u32 $0xFFFFFFC0, v63  }
0x1b6: {  	v3 =	vor.u32 v3, v4  }
0x1b7: {  	v4 =	vperm.xlane v3, v0;
	_ =	sdelay $0x1  }
0x1b8: {  	v4 =	vadd.s32 v1, v4;
	_ =	sdelay $0x3  }
0x1b9: {  	s22 =	simm.s32 $0xC400  }
0x1ba: {  	[tilespmem:s22], [sflag:$0x2] =	stream.indirect_vreg.gather [hbm4b:s3+s2], $0x80, v4, vm0, $0xb8;
	[tilespmem:$0x18400] =	vst v63  }
0x1bb: {  	s23 =	simm.s32 $0xCC00;
	v3 =	vperm.xlane v3, v2  }
0x1bc: {  	[tilespmem:s23], [sflag:$0x2] =	stream.indirect_vreg.gather [hbm4b:s4+s2], $0x80, v4, vm0, $0xb8;
	[tilespmem:$0x18400] =	vst v63  }
0x1bd: {  	s24 =	simm.s32 $0xD400;
	v3 =	vadd.s32 v1, v3  }
0x1be: {  	[tilespmem:s24], [sflag:$0x2] =	stream.indirect_vreg.gather [hbm4b:s5+s2], $0x80, v4, vm0, $0xb8;
	[tilespmem:$0x18400] =	vst v63  }
0x1bf: {  	s21 =	simm.s32 $0xDC00  }
0x1c0: {  	[tilespmem:s21], [sflag:$0x2] =	stream.indirect_vreg.gather [hbm4b:s6+s2], $0x80, v4, vm0, $0xb8;
	[tilespmem:$0x18400] =	vst v63  }
0x1c1: {  	s22 =	simm.s32 $0xE400  }
0x1c2: {  	[tilespmem:s22], [sflag:$0x2] =	stream.indirect_vreg.gather [hbm4b:s3+s2], $0x80, v3, vm0, $0xb8;
	[tilespmem:$0x18400] =	vst v63  }
0x1c3: {  	s23 =	simm.s32 $0xEC00  }
0x1c4: {  	[tilespmem:s23], [sflag:$0x2] =	stream.indirect_vreg.gather [hbm4b:s4+s2], $0x80, v3, vm0, $0xb8;
	[tilespmem:$0x18400] =	vst v63  }
0x1c5: {  	s24 =	simm.s32 $0xF400  }
0x1c6: {  	[tilespmem:s24], [sflag:$0x2] =	stream.indirect_vreg.gather [hbm4b:s5+s2], $0x80, v3, vm0, $0xb8;
	[tilespmem:$0x18400] =	vst v63  }
0x1c7: {  	s21 =	simm.s32 $0xFC00  }
0x1c8: {  	[tilespmem:s21], [sflag:$0x2] =	stream.indirect_vreg.gather [hbm4b:s6+s2], $0x80, v3, vm0, $0xb8;
	[tilespmem:$0x18400] =	vst v63  }
0x1c9: {  	_ =	swait.ge [sflag:s19], $0x8000  }
0x1ca: {  	[sflag:s19] =	ssyncset.done $0x0  }
0x1cb: {  	s22 =	rddreg [dreg:$0x10];
	[sflag:s19] =	ssyncadd.s32 $0xFFFF8000  }
0x1cc: {  	[hbm4b:s22+s2] =	stream.linear.scatter [tilespmem:s28], [sflag:$0x3], $0x8000, $0x38;
	[tilespmem:$0x18400] =	vst v63  }
0x1cd: {  	_ =	swait.ge [sflag:s19], $0x8000  }
0x1ce: {  	[sflag:s19] =	ssyncset.done $0x0  }
0x1cf: {  	s23 =	rddreg [dreg:$0x11];
	[sflag:s19] =	ssyncadd.s32 $0xFFFF8000  }
0x1d0: {  	[hbm4b:s23+s2] =	stream.linear.scatter [tilespmem:s25], [sflag:$0x3], $0x8000, $0x38;
	[tilespmem:$0x18400] =	vst v63  }
0x1d1: {  	_ =	swait.ge [sflag:s19], $0x8000  }
0x1d2: {  	[sflag:s19] =	ssyncset.done $0x0  }
0x1d3: {  	s24 =	rddreg [dreg:$0x12];
	[sflag:s19] =	ssyncadd.s32 $0xFFFF8000  }
0x1d4: {  	[hbm4b:s24+s2] =	stream.linear.scatter [tilespmem:s0], [sflag:$0x3], $0x8000, $0x38;
	[tilespmem:$0x18400] =	vst v63  }
0x1d5: {  	_ =	swait.ge [sflag:s20], $0x8000  }
0x1d6: {  	[sflag:s20] =	ssyncset.done $0x0  }
0x1d7: {  	[sflag:s20] =	ssyncadd.s32 $0xFFFF8000  }
0x1d8: {  	p0 =	sne.s32 s7, $0x1;
	_ =	swait.ge [sflag:s20], $0x8000  }
.Ltmp0:
0x1d9: {  	[sflag:s20] =	ssyncset.done $0x0;
	(pc) =	sbr.rel @p0 .LBB2_1-.Ltmp0, $4  }
0x1da: {  	[sflag:s20] =	ssyncadd.s32 $0xFFFF8000  }
0x1db: {  	_ =	swait.ge [sflag:s20], $0x8000  }
0x1dc: {  	[sflag:s20] =	ssyncset.done $0x0  }
0x1dd: {  	s7 =	sadd.s32 $0xFFFFFFFF, s7;
	[sflag:s20] =	ssyncadd.s32 $0xFFFF8000  }
0x1de: {  	_ =	sfence.sel $0x180000  }
0x1df: {  	[bflag:$0x0] =	sbarrier.arrive $0xFFFF  }
0x1e0: {  	_ =	strace $0x9000004A  }
0x1e1: {  	s0 =	stileid.u32;
	[bflag:$0x2] =	sbarrier.arrive $0xFFFF  }
0x1e2: {  	p0 =	sne.s32 s0, $0x0;
	s0 =	rddreg [dreg:$0x2]  }
0x1e3: {  	s0 =	sadd.s32 @!p0 $0x100000, s0  }
0x1e4: {  	[sflag:s0] =	ssyncadd.tile.s32 @!p0 $0x1;
	_ =	shalt  }
.Lfunc_end2:
_tile_overlayer_lowered:
.L_overlay_start_2:
0x1e5: {  	(tag) =	ssettag $0x2  }
0x1e6: {  	s0 =	rddreg [dreg:$0x0];
	s2 =	stileid.u32  }
0x1e7: {  	s1 =	rddreg [dreg:$0x1];
	p0 =	sne.s32 s2, $0x0  }
0x1e8: {  	s3 =	rddreg [dreg:$0x2];
	[bflag:$0x3] =	sbarrier.arrive $0xFFFF;
	s2 =	simm.s32 @!p0 $0x1C04  }
0x1e9: {  	[timem:s3], [sflag:s2] =	dma.local @!p0 [hbm:s0], s1  }
0x1ea: {  	s0 =	simm.s32 @!p0 $0x4  }
0x1eb: {  	_ =	swait.ge @!p0 [sflag:s0], s1  }
0x1ec: {  	s1 =	ssub.s32 @!p0 $0x0, s1;
	[sflag:s0] =	ssyncset.done @!p0 $0x0  }
0x1ed: {  	[sflag:s0] =	ssyncadd.s32 @!p0 s1  }
0x1ee: {  	[bflag:$0x3] =	sbarrier.arrive $0xFFFF  }
0x1ef: {  	_ =	shalt  }

// kernel: kernel.8.cloned.1.call-start
scs
__scs_entry_jumppad:
0x0: {  	(pc) =	sbr.rel $0x88, $3  }
0x1: {  	(tag) =	ssettag $0x0;
	lr =	simm.s32 $0x1  }
0x2: {  	[smem:$0x3F9A] =	sst lr;
	_ =	strace $0xD0000000  }
0x3: {  	_ = 	snop  }
0x4: {  	_ = 	snop  }
0x5: {  	_ = 	snop  }
0x6: {  	_ = 	snop  }
0x7: {  	_ = 	snop  }
__scs_overlays_trampoline_lowered:
0x8: {  	[smem:$0x3FA9] =	sst s0  }
0x9: {  	[smem:$0x3FAA] =	sst s1  }
0xa: {  	[smem:$0x3FAB] =	sst s2  }
0xb: {  	[smem:$0x3FAC] =	sst s3  }
0xc: {  	[smem:$0x3FAD] =	sst s4  }
0xd: {  	[smem:$0x3FAE] =	sst s5  }
0xe: {  	[smem:$0x3FAF] =	sst s6  }
0xf: {  	[smem:$0x3FB0] =	sst s7  }
0x10: {  	[smem:$0x3FB1] =	sst s8  }
0x11: {  	[smem:$0x3FB2] =	sst s9;
	s0 =	simm.s32 @!p0 $0x0  }
0x12: {  	s1 =	sld [smem:$0x3F98];
	s0 =	simm.s32 @p0 $0x1  }
0x13: {  	[smem:$0x3FB3] =	sst s0;
	s0 =	simm.s32 @!p1 $0x0  }
0x14: {  	s2 =	sld [smem:$0x3F97];
	s0 =	simm.s32 @p1 $0x1  }
0x15: {  	[smem:$0x3FB4] =	sst s0;
	s0 =	simm.s32 @!p2 $0x0  }
0x16: {  	s3 =	sld [smem:$0x3FDB];
	s0 =	simm.s32 @p2 $0x1  }
0x17: {  	s4 =	simm.s32 $0x1BF5;
	[smem:$0x3FB6] =	sst s0  }
0x18: {  	s0 =	sld [smem:$0x3F99];
	_ =	swait.ge [sflag:s4], $0x0  }
0x19: {  	s7 =	sld [smem:$0x3F9A]  }
0x1a: {  	s8 =	sadd.s32 $0xFFFFE003, lr  }
0x1b: {  	s9 =	sadd.s32 $0xFFFFFEF7, lr;
	s5 =	simm.s32 $0xFFFFFFFF;
	p2 =	slt.u32 s8, $0xFFFFF086  }
0x1c: {  	p1 =	slt.u32 s9, $0xF7A;
	s5 =	simm.s32 @!p2 $0x0  }
0x1d: {  	s5 =	simm.s32 @p1 $0x1;
	p0 =	seq.s32 s7, s2  }
0x1e: {  	s7 =	smul.u32 @!p0 $0xF7A, s2;
	p2 =	seq.s32 @!p0 s5, $0x0  }
0x1f: {  	s9 =	smul.u32 $0xF7A, s1;
	s8 =	simm.s32 @!p0 $0x1BF5;
	p2 =	por !p2, p0  }
0x20: {  	[sflag:s8] =	ssyncset.s32 @!p0 $0xFFFFF086;
	s6 =	sadd.s32 @!p0 s3, s7;
	s7 =	simm.s32 @!p0 $0x108  }
0x21: {  	s3 =	sadd.s32 s3, s9;
	s6 =	sadd.s32 @!p0 $0x88, s6;
	s7 =	simm.s32 @p2 $0x1082  }
0x22: {  	[simem:s7], [sflag:s8] =	dma.local @!p0 [hbm:s6], $0xF7A  }
0x23: {  	s9 =	sor.u32 $0xD0000000, s2;
	s6 =	simm.s32 $0x108;
	_ =	swait.ge @!p0 [sflag:s8], $0x0  }
0x24: {  	s3 =	sadd.s32 $0x88, s3;
	s6 =	simm.s32 @!p1 $0x1082;
	[sflag:s4] =	ssyncset.s32 $0xFFFFF086  }
0x25: {  	[simem:s6], [sflag:s4] =	dma.local [hbm:s3], $0xF7A  }
0x26: {  	[smem:$0x3F9A] =	sst s1;
	(tag) =	ssettag s2;
	_ =	strace s9  }
0x27: {  	s1 =	sld [smem:$0x3FAA]  }
0x28: {  	s2 =	sld [smem:$0x3FAB]  }
0x29: {  	s4 =	sld [smem:$0x3FAD]  }
0x2a: {  	p0 =	seq.s32 s5, $0x0;
	s5 =	sld [smem:$0x3FAE]  }
0x2b: {  	s6 =	sld [smem:$0x3FAF]  }
0x2c: {  	s7 =	sld [smem:$0x3FB0]  }
0x2d: {  	s3 =	simm.s32 $0x108;
	s8 =	sld [smem:$0x3FB1]  }
0x2e: {  	s3 =	simm.s32 @!p0 $0x1082;
	s9 =	sld [smem:$0x3FB2]  }
0x2f: {  	lr =	sadd.s32 s0, s3;
	s0 =	sld [smem:$0x3FA9]  }
0x30: {  	s3 =	sld [smem:$0x3FAC]  }
0x31: {  	[smem:$0x3FB5] =	sst s10  }
0x32: {  	s10 =	sld [smem:$0x3FB3];
	_ =	sdelay $0x3  }
0x33: {  	p0 =	seq.s32 s10, $0x1;
	s10 =	sld [smem:$0x3FB5];
	_ =	sdelay $0x3  }
0x34: {  	[smem:$0x3FB5] =	sst s10  }
0x35: {  	s10 =	sld [smem:$0x3FB4];
	_ =	sdelay $0x3  }
0x36: {  	p1 =	seq.s32 s10, $0x1;
	s10 =	sld [smem:$0x3FB5];
	_ =	sdelay $0x3  }
0x37: {  	[smem:$0x3FB5] =	sst s10  }
0x38: {  	s10 =	sld [smem:$0x3FB6]  }
0x39: {  	_ = 	snop;
	(pc) =	sbr.ind lr, $3  }
0x3a: {  	_ = 	snop  }
0x3b: {  	_ = 	snop  }
0x3c: {  	p2 =	seq.s32 s10, $0x1;
	s10 =	sld [smem:$0x3FB5]  }
0x3d: {  	_ =	shalt  }
0x3e: {  	_ =	shalt  }
0x3f: {  	_ =	shalt  }
0x40: {  	_ =	shalt  }
0x41: {  	_ =	shalt  }
0x42: {  	_ =	shalt  }
0x43: {  	_ =	shalt  }
0x44: {  	_ =	shalt  }
0x45: {  	_ =	shalt  }
0x46: {  	_ =	shalt  }
0x47: {  	_ =	shalt  }
0x48: {  	_ =	shalt  }
0x49: {  	_ =	shalt  }
0x4a: {  	_ =	shalt  }
0x4b: {  	_ =	shalt  }
0x4c: {  	_ =	shalt  }
0x4d: {  	_ =	shalt  }
0x4e: {  	_ =	shalt  }
0x4f: {  	_ =	shalt  }
0x50: {  	_ =	shalt  }
0x51: {  	_ =	shalt  }
0x52: {  	_ =	shalt  }
0x53: {  	_ =	shalt  }
0x54: {  	_ =	shalt  }
0x55: {  	_ =	shalt  }
0x56: {  	_ =	shalt  }
0x57: {  	_ =	shalt  }
0x58: {  	_ =	shalt  }
0x59: {  	_ =	shalt  }
0x5a: {  	_ =	shalt  }
0x5b: {  	_ =	shalt  }
0x5c: {  	_ =	shalt  }
0x5d: {  	_ =	shalt  }
0x5e: {  	_ =	shalt  }
0x5f: {  	_ =	shalt  }
0x60: {  	_ =	shalt  }
0x61: {  	_ =	shalt  }
0x62: {  	_ =	shalt  }
0x63: {  	_ =	shalt  }
0x64: {  	_ =	shalt  }
0x65: {  	_ =	shalt  }
0x66: {  	_ =	shalt  }
0x67: {  	_ =	shalt  }
0x68: {  	_ =	shalt  }
0x69: {  	_ =	shalt  }
0x6a: {  	_ =	shalt  }
0x6b: {  	_ =	shalt  }
0x6c: {  	_ =	shalt  }
0x6d: {  	_ =	shalt  }
0x6e: {  	_ =	shalt  }
0x6f: {  	_ =	shalt  }
0x70: {  	_ =	shalt  }
0x71: {  	_ =	shalt  }
0x72: {  	_ =	shalt  }
0x73: {  	_ =	shalt  }
0x74: {  	_ =	shalt  }
0x75: {  	_ =	shalt  }
0x76: {  	_ =	shalt  }
0x77: {  	_ =	shalt  }
0x78: {  	_ =	shalt  }
0x79: {  	_ =	shalt  }
0x7a: {  	_ =	shalt  }
0x7b: {  	_ =	shalt  }
0x7c: {  	_ =	shalt  }
0x7d: {  	_ =	shalt  }
0x7e: {  	_ =	shalt  }
0x7f: {  	_ =	shalt  }
0x80: {  	_ =	shalt  }
0x81: {  	_ =	shalt  }
0x82: {  	_ =	shalt  }
0x83: {  	_ =	shalt  }
0x84: {  	_ =	shalt  }
0x85: {  	_ =	shalt  }
0x86: {  	_ =	shalt  }
0x87: {  	_ =	shalt  }
.Lfunc_end0:
.L_simem_size_0:
called_computation_lowered:
.L_overlay_start_0:
0x88: {  	s2 =	sld [smem:$0x3FD9]  }
0x89: {  	s3 =	sld [smem:$0x3FFE];
	_ =	sdelay $0x1  }
0x8a: {  	s1 =	srdreg.scid  }
0x8b: {  	s0 =	sand.u32 $0x1, s1  }
0x8c: {  	s14 =	sshll.u32 s0, $0xA;
	s2 =	sadd.s32 s3, s2  }
0x8d: {  	s2 =	sadd.s32 s2, s14  }
0x8e: {  	[smem:$0x3FC1] =	sst s2  }
0x8f: {  	_ = 	snop  }
0x90: {  	s2 =	sld [smem:$0x3FD0];
	_ =	sdelay $0x2  }
0x91: {  	s4 =	simm.s32 $0xA;
	s5 =	simm.s32 $0x10;
	s15 =	sld [smem:$0x3FC9]  }
0x92: {  	[smem:s5], [sflag:s4] =	dma.local [hbm:s2], $0x1  }
0x93: {  	_ =	swait.eq [sflag:s4], $0x1  }
0x94: {  	[sflag:s4] =	ssyncset.done $0x0  }
0x95: {  	[sflag:s4] =	ssyncadd.s32 $0xFFFFFFFF  }
0x96: {  	s16 =	sld [smem:$0x10];
	(tm) =	ssettm $0x1  }
0x97: {  	s17 =	sld [smem:$0x3FFB];
	_ =	sdelay $0x3  }
0x98: {  	_ =	strace s17  }
0x99: {  	s4 =	sld [smem:$0x3FFC];
	_ =	sdelay $0x3  }
0x9a: {  	_ =	strace s4  }
0x9b: {  	s4 =	sld [smem:$0x3FFD];
	_ =	sdelay $0x3  }
0x9c: {  	_ =	strace s4  }
0x9d: {  	_ =	strace $0x8FFFFFFF  }
0x9e: {  	s18 =	sld [smem:$0x3FDB];
	_ =	sdelay $0x1  }
0x9f: {  	s19 =	simm.s32 $_scs_section_size  }
0xa0: {  	s6 =	simm.s32 $_size__tile_overlayer_lowered;
	s7 =	simm.s32 $_tile_overlayer_lowered  }
0xa1: {  	s22 =	simm.s32 $0x1BFF;
	s21 =	sshll.u32 s7, $0x1;
	s4 =	sadd.s32 s19, s18  }
0xa2: {  	s8 =	simm.s32 $0x0;
	s20 =	sshll.u32 s6, $0x1;
	s6 =	sadd.s32 s21, s4  }
0xa3: {  	[timem:s8], [sflag:s22] =	dma.local [hbm:s6], s20  }
0xa4: {  	_ =	swait.ge [sflag:s22], s20  }
0xa5: {  	s5 =	ssub.s32 $0x0, s20;
	[sflag:s22] =	ssyncset.done $0x0  }
0xa6: {  	[sflag:s22] =	ssyncadd.s32 s5;
	_ =	sdelay $0x1  }
0xa7: {  	s23 =	simm.s32 $0x1B8B  }
0xa8: {  	_ =	swait.ge [sflag:s23], $0x1  }
0xa9: {  	[sflag:s23] =	ssyncset.done $0x0  }
0xaa: {  	s25 =	simm.s32 $0x1B8E;
	s24 =	sld [smem:$0x3FFE];
	[sflag:s23] =	ssyncadd.s32 $0xFFFFFFFF  }
0xab: {  	s26 =	simm.s32 $execute0_lowered;
	[smem:$0x3FD2] =	sst s25  }
0xac: {  	s6 =	sshll.u32 s26, $0x1;
	_ =	strace $0x80000046;
	[dreg:$0x1] =	wrdreg $0xFFFFFFFF  }
0xad: {  	s28 =	simm.s32 $_size_execute0_lowered;
	s4 =	sadd.s32 s4, s6;
	[dreg:$0x0] =	wrdreg $0x0  }
0xae: {  	s6 =	sshll.u32 s28, $0x1;
	[dreg:$0x2] =	wrdreg s4  }
0xaf: {  	[dreg:$0x3] =	wrdreg s6  }
0xb0: {  	[dreg:$0x4] =	wrdreg $0xC0  }
0xb1: {  	_ =	task [dreg:s8], $0x5FFFF  }
0xb2: {  	[dreg:$0x1] =	wrdreg $0xFFFFFFFF  }
0xb3: {  	[dreg:$0x0] =	wrdreg $0x60  }
0xb4: {  	[dreg:$0x2] =	wrdreg s15  }
0xb5: {  	[dreg:$0x3] =	wrdreg s16  }
0xb6: {  	[dreg:$0x4] =	wrdreg s24  }
0xb7: {  	[dreg:$0x5] =	wrdreg $0x9  }
0xb8: {  	_ =	task.clear_ibuf [dreg:s8], $0x6FFFF;
	_ =	strace $0x90000046  }
0xb9: {  	s29 =	simm.s32 $0x9;
	_ =	strace $0x80000048  }
0xba: {  	_ =	swait.ge [sflag:s29], $0x1  }
0xbb: {  	[sflag:s29] =	ssyncadd.s32 $0xFFFFFFFF  }
0xbc: {  	_ =	strace $0x90000048  }
0xbd: {  	_ =	sfence  }
0xbe: {  	s30 =	sld [smem:$0x0];
	_ =	sdelay $0x2  }
0xbf: {  	s31 =	sshll.u32 s1, $0xD;
	s1 =	sshrl.u32 s1, $0x2  }
0xc0: {  	s3 =	sand.u32 $0x4000, s31;
	s1 =	sadd.s32 s1, s30  }
0xc1: {  	s0 =	sor.u32 s3, s0;
	s1 =	sshll.u32 s1, $0x11  }
0xc2: {  	s0 =	sor.u32 s1, s0  }
0xc3: {  	s0 =	sadd.s32 $0x8F2B, s0  }
0xc4: {  	[sflag:s0] =	ssyncadd.remote.s32 $0x1  }
0xc5: {  	_ =	sfence.sel $0xFFFF  }
0xc6: {  	[dreg:$0x0] =	wrdreg $0xFFFFFFFF;
	(pc) =	sbr.abs _section_cstart, $3  }
0xc7: {  	[dreg:$0x1] =	wrdreg $0xFFFFFFFF  }
0xc8: {  	_ =	task.clear_ibuf [dreg:s8], $0x2FFFF;
	_ =	strace $0x9FFFFFFF  }
0xc9: {  	(tm) =	ssettm $0x7FFFFFFF  }
tec
execute0_lowered:
.L_overlay_start_1:
0x0: {  	(tag) =	ssettag $0x1  }
0x1: {  	s1 =	rddreg [dreg:$0x0]  }
0x2: {  	s3 =	rddreg [dreg:$0x1]  }
0x3: {  	s0 =	rddreg [dreg:$0x2]  }
0x4: {  	s2 =	srdreg.scid;
	s5 =	stileid.u32;
	s20 =	simm.s32 $0x200  }
0x5: {  	s21 =	simm.s32 $0x80;
	s22 =	simm.s32 $0x280;
	s29 =	simm.s32 $0x3  }
0x6: {  	s28 =	simm.s32 $0x7400;
	s4 =	sand.u32 $0x1, s2;
	s2 =	simm.s32 $0x0  }
0x7: {  	s5 =	sshll.u32 s5, $0x8;
	s7 =	sadd.s32 $0x20E00, s0;
	[smem:$0x7FF] =	sst s2  }
0x8: {  	s6 =	sshll.u32 s4, $0x7;
	_ =	strace $0x80000047;
	[dreg:$0x10] =	wrdreg s20  }
0x9: {  	s4 =	ssub.s32 $0x2, s4;
	s5 =	sor.u32 s6, s5;
	[dreg:$0x11] =	wrdreg s21  }
0xa: {  	[dreg:$0x12] =	wrdreg s22;
	s6 =	sshrl.u32 s5, $0x3;
	s9 =	sor.u32 $0x20, s5  }
0xb: {  	s10 =	sor.u32 $0x40, s5;
	s11 =	sor.u32 $0x60, s5;
	s8 =	sadd.s32 s3, s6  }
0xc: {  	s5 =	sshll.u32 s5, $0x7;
	s6 =	sadd.s32 s7, s6;
	[dreg:$0x4] =	wrdreg s8  }
0xd: {  	s24 =	sshrl.u32 s9, $0x3;
	s14 =	sadd.s32 s1, s5;
	[dreg:$0x5] =	wrdreg s6  }
0xe: {  	s23 =	sshrl.u32 s4, $0x1;
	s25 =	sadd.s32 s3, s24;
	[dreg:$0xc] =	wrdreg s14  }
0xf: {  	s30 =	sshrl.u32 s10, $0x3;
	s26 =	sadd.s32 s7, s24;
	[dreg:$0x6] =	wrdreg s25  }
0x10: {  	s12 =	sshrl.u32 s11, $0x3;
	s31 =	sadd.s32 s3, s30;
	[dreg:$0x7] =	wrdreg s26  }
0x11: {  	s15 =	sshll.u32 s9, $0x7;
	s8 =	sadd.s32 s7, s30;
	[dreg:$0x8] =	wrdreg s31  }
0x12: {  	s17 =	sshll.u32 s10, $0x7;
	s3 =	sadd.s32 s3, s12;
	[dreg:$0x9] =	wrdreg s8  }
0x13: {  	s19 =	sshll.u32 s11, $0x7;
	s13 =	sadd.s32 s7, s12;
	[dreg:$0xa] =	wrdreg s3  }
0x14: {  	s5 =	sadd.s32 $0x21200, s0;
	s16 =	sadd.s32 s1, s15;
	[dreg:$0xb] =	wrdreg s13  }
0x15: {  	s9 =	simm.s32 $0x400;
	s18 =	sadd.s32 s1, s17;
	[dreg:$0xd] =	wrdreg s16  }
0x16: {  	s1 =	sadd.s32 s1, s19;
	s24 =	simm.s32 $0x100;
	[dreg:$0xe] =	wrdreg s18  }
0x17: {  	s30 =	simm.s32 $0x180;
	s6 =	sadd.s32 $0x21300, s0;
	[dreg:$0xf] =	wrdreg s1  }
0x18: {  	s3 =	sadd.s32 $0x21000, s0;
	s25 =	ssub.s32 s4, s23;
	[dreg:$0x13] =	wrdreg s24  }
0x19: {  	s26 =	simm.s32 $0x300;
	s4 =	sadd.s32 $0x21100, s0;
	[dreg:$0x15] =	wrdreg s30  }
0x1a: {  	v2 =	vlaneseq.u32;
	s31 =	simm.s32 $0x380;
	s8 =	simm.s32 $0x1;
	s23 =	simm.s32 $0x2  }
0x1b: {  	vm0 =	vmmov $0xffff;
	v1 =	vshrl.u32 v2, $0x3;
	s24 =	simm.s32 $0x5C00;
	[dreg:$0x14] =	wrdreg s26;
	s7 =	smax.u32 s25, $0x1  }
0x1c: {  	v0 =	vand.u32 $0x7, v2;
	v2 =	vor.u32 $0x8, v2;
	v1 =	vmul.u32 $0x8, v1;
	[dreg:$0x16] =	wrdreg s31;
	s25 =	simm.s32 $0x6400;
	s26 =	simm.s32 $0x6C00  }
.LBB2_1:
0x1d: {  	s0 =	rddreg [dreg:$0x4]  }
0x1e: {  	s1 =	rddreg [dreg:$0x5]  }
0x1f: {  	s30 =	rddreg [dreg:$0x10]  }
0x20: {  	s14 =	rddreg [dreg:$0x6]  }
0x21: {  	s15 =	rddreg [dreg:$0x11]  }
0x22: {  	s16 =	rddreg [dreg:$0x7]  }
0x23: {  	s31 =	rddreg [dreg:$0x12]  }
0x24: {  	s17 =	rddreg [dreg:$0x8]  }
0x25: {  	[tilespmem:s2], [sflag:$0x1] =	stream.linear.gather [hbm4b:s0+s2], $0x20, $0x38;
	[tilespmem:$0x18400] =	vst v63  }
0x26: {  	s18 =	rddreg [dreg:$0x13]  }
0x27: {  	[tilespmem:s30], [sflag:$0x1] =	stream.linear.gather [hbm4b:s1+s2], $0x20, $0x38;
	[tilespmem:$0x18400] =	vst v63  }
0x28: {  	s19 =	rddreg [dreg:$0x9]  }
0x29: {  	[tilespmem:s15], [sflag:$0x1] =	stream.linear.gather [hbm4b:s14+s2], $0x20, $0x38;
	[tilespmem:$0x18400] =	vst v63  }
0x2a: {  	s20 =	rddreg [dreg:$0x14]  }
0x2b: {  	[tilespmem:s31], [sflag:$0x1] =	stream.linear.gather [hbm4b:s16+s2], $0x20, $0x38;
	[tilespmem:$0x18400] =	vst v63  }
0x2c: {  	s21 =	rddreg [dreg:$0xa]  }
0x2d: {  	[tilespmem:s18], [sflag:$0x1] =	stream.linear.gather [hbm4b:s17+s2], $0x20, $0x38;
	[tilespmem:$0x18400] =	vst v63  }
0x2e: {  	s22 =	rddreg [dreg:$0x15]  }
0x2f: {  	[tilespmem:s20], [sflag:$0x1] =	stream.linear.gather [hbm4b:s19+s2], $0x20, $0x38;
	[tilespmem:$0x18400] =	vst v63  }
0x30: {  	s10 =	rddreg [dreg:$0xb]  }
0x31: {  	[tilespmem:s22], [sflag:$0x1] =	stream.linear.gather [hbm4b:s21+s2], $0x20, $0x38;
	[tilespmem:$0x18400] =	vst v63  }
0x32: {  	s11 =	rddreg [dreg:$0x16]  }
0x33: {  	[tilespmem:s11], [sflag:$0x1] =	stream.linear.gather [hbm4b:s10+s2], $0x20, $0x38;
	[tilespmem:$0x18400] =	vst v63  }
0x34: {  	_ =	swait.ge [sflag:s8], $0x20  }
0x35: {  	[sflag:s8] =	ssyncset.done $0x0  }
0x36: {  	[sflag:s8] =	ssyncadd.s32 $0xFFFFFFE0  }
0x37: {  	_ =	swait.ge [sflag:s8], $0x20  }
0x38: {  	[sflag:s8] =	ssyncset.done $0x0  }
0x39: {  	[sflag:s8] =	ssyncadd.s32 $0xFFFFFFE0  }
0x3a: {  	_ =	swait.ge [sflag:s8], $0x20  }
0x3b: {  	[sflag:s8] =	ssyncset.done $0x0  }
0x3c: {  	[sflag:s8] =	ssyncadd.s32 $0xFFFFFFE0  }
0x3d: {  	_ =	swait.ge [sflag:s8], $0x20  }
0x3e: {  	[sflag:s8] =	ssyncset.done $0x0  }
0x3f: {  	[sflag:s8] =	ssyncadd.s32 $0xFFFFFFE0  }
0x40: {  	_ =	swait.ge [sflag:s8], $0x20  }
0x41: {  	[sflag:s8] =	ssyncset.done $0x0  }
0x42: {  	[sflag:s8] =	ssyncadd.s32 $0xFFFFFFE0  }
0x43: {  	_ =	swait.ge [sflag:s8], $0x20  }
0x44: {  	[sflag:s8] =	ssyncset.done $0x0  }
0x45: {  	[sflag:s8] =	ssyncadd.s32 $0xFFFFFFE0  }
0x46: {  	_ =	swait.ge [sflag:s8], $0x20  }
0x47: {  	[sflag:s8] =	ssyncset.done $0x0  }
0x48: {  	[sflag:s8] =	ssyncadd.s32 $0xFFFFFFE0  }
0x49: {  	_ =	swait.ge [sflag:s8], $0x20  }
0x4a: {  	[sflag:s8] =	ssyncset.done $0x0  }
0x4b: {  	s12 =	rddreg [dreg:$0xc];
	[sflag:s8] =	ssyncadd.s32 $0xFFFFFFE0  }
0x4c: {  	[tilespmem:s9], [sflag:$0x2] =	stream.linear.gather [hbm4b:s12+s2], $0x8000, $0x38;
	[tilespmem:$0x18400] =	vst v63  }
0x4d: {  	s11 =	simm.s32 $0x8400;
	s13 =	rddreg [dreg:$0xd]  }
0x4e: {  	[tilespmem:s11], [sflag:$0x2] =	stream.linear.gather [hbm4b:s13+s2], $0x8000, $0x38;
	[tilespmem:$0x18400] =	vst v63  }
0x4f: {  	s14 =	rddreg [dreg:$0xe];
	s13 =	simm.s32 $0x10400  }
0x50: {  	[tilespmem:s13], [sflag:$0x2] =	stream.linear.gather [hbm4b:s14+s2], $0x8000, $0x38;
	[tilespmem:$0x18400] =	vst v63  }
0x51: {  	_ =	swait.ge [sflag:s23], $0x8000  }
0x52: {  	[sflag:s23] =	ssyncset.done $0x0  }
0x53: {  	[sflag:s23] =	ssyncadd.s32 $0xFFFF8000  }
0x54: {  	v3 =	vld [tilespmem:$0x0];
	_ =	sdelay $0x4  }
0x55: {  	v4 =	vshll.u32 v3, $0x3  }
0x56: {  	v3 =	vand.u32 $0x7, v3;
	v4 =	vand.u32 $0xFFFFFFC0, v4  }
0x57: {  	v3 =	vor.u32 v3, v4  }
0x58: {  	v4 =	vperm.xlane v3, v0;
	_ =	sdelay $0x1  }
0x59: {  	v4 =	vadd.s32 v1, v4;
	_ =	sdelay $0x4  }
0x5a: {  	[hbm4b:s3+s2] =	stream.indirect_vreg.scatter [tilespmem:s9], [sflag:$0x3], $0x80, v4, vm0, $0xb8;
	[tilespmem:$0x18400] =	vst v63  }
0x5b: {  	s15 =	simm.s32 $0xC00;
	v3 =	vperm.xlane v3, v2  }
0x5c: {  	[hbm4b:s4+s2] =	stream.indirect_vreg.scatter [tilespmem:s15], [sflag:$0x3], $0x80, v4, vm0, $0xb8;
	[tilespmem:$0x18400] =	vst v63  }
0x5d: {  	s16 =	simm.s32 $0x1400;
	v3 =	vadd.s32 v1, v3  }
0x5e: {  	[hbm4b:s5+s2] =	stream.indirect_vreg.scatter [tilespmem:s16], [sflag:$0x3], $0x80, v4, vm0, $0xb8;
	[tilespmem:$0x18400] =	vst v63  }
0x5f: {  	s18 =	simm.s32 $0x1C00  }
0x60: {  	[hbm4b:s6+s2] =	stream.indirect_vreg.scatter [tilespmem:s18], [sflag:$0x3], $0x80, v4, vm0, $0xb8;
	[tilespmem:$0x18400] =	vst v63  }
0x61: {  	s19 =	simm.s32 $0x2400  }
0x62: {  	[hbm4b:s3+s2] =	stream.indirect_vreg.scatter [tilespmem:s19], [sflag:$0x3], $0x80, v3, vm0, $0xb8;
	[tilespmem:$0x18400] =	vst v63  }
0x63: {  	s20 =	simm.s32 $0x2C00  }
0x64: {  	[hbm4b:s4+s2] =	stream.indirect_vreg.scatter [tilespmem:s20], [sflag:$0x3], $0x80, v3, vm0, $0xb8;
	[tilespmem:$0x18400] =	vst v63  }
0x65: {  	s21 =	simm.s32 $0x3400  }
0x66: {  	[hbm4b:s5+s2] =	stream.indirect_vreg.scatter [tilespmem:s21], [sflag:$0x3], $0x80, v3, vm0, $0xb8;
	[tilespmem:$0x18400] =	vst v63  }
0x67: {  	s22 =	simm.s32 $0x3C00  }
0x68: {  	[hbm4b:s6+s2] =	stream.indirect_vreg.scatter [tilespmem:s22], [sflag:$0x3], $0x80, v3, vm0, $0xb8;
	[tilespmem:$0x18400] =	vst v63  }
0x69: {  	v3 =	vld [tilespmem:$0x10];
	_ =	sdelay $0x4  }
0x6a: {  	v49 =	vshll.u32 v3, $0x3  }
0x6b: {  	v3 =	vand.u32 $0x7, v3;
	v4 =	vand.u32 $0xFFFFFFC0, v49  }
0x6c: {  	v3 =	vor.u32 v3, v4  }
0x6d: {  	v4 =	vperm.xlane v3, v0;
	_ =	sdelay $0x1  }
0x6e: {  	v4 =	vadd.s32 v1, v4;
	_ =	sdelay $0x3  }
0x6f: {  	s30 =	simm.s32 $0x4400  }
0x70: {  	[hbm4b:s3+s2] =	stream.indirect_vreg.scatter [tilespmem:s30], [sflag:$0x3], $0x80, v4, vm0, $0xb8;
	[tilespmem:$0x18400] =	vst v63  }
0x71: {  	s31 =	simm.s32 $0x4C00;
	v3 =	vperm.xlane v3, v2  }
0x72: {  	[hbm4b:s4+s2] =	stream.indirect_vreg.scatter [tilespmem:s31], [sflag:$0x3], $0x80, v4, vm0, $0xb8;
	[tilespmem:$0x18400] =	vst v63  }
0x73: {  	s16 =	simm.s32 $0x5400;
	v3 =	vadd.s32 v1, v3  }
0x74: {  	[hbm4b:s5+s2] =	stream.indirect_vreg.scatter [tilespmem:s16], [sflag:$0x3], $0x80, v4, vm0, $0xb8;
	[tilespmem:$0x18400] =	vst v63  }
0x75: {  	_ = 	snop  }
0x76: {  	[hbm4b:s6+s2] =	stream.indirect_vreg.scatter [tilespmem:s24], [sflag:$0x3], $0x80, v4, vm0, $0xb8;
	[tilespmem:$0x18400] =	vst v63  }
0x77: {  	_ = 	snop  }
0x78: {  	[hbm4b:s3+s2] =	stream.indirect_vreg.scatter [tilespmem:s25], [sflag:$0x3], $0x80, v3, vm0, $0xb8;
	[tilespmem:$0x18400] =	vst v63  }
0x79: {  	_ = 	snop  }
0x7a: {  	[hbm4b:s4+s2] =	stream.indirect_vreg.scatter [tilespmem:s26], [sflag:$0x3], $0x80, v3, vm0, $0xb8;
	[tilespmem:$0x18400] =	vst v63  }
0x7b: {  	_ = 	snop  }
0x7c: {  	[hbm4b:s5+s2] =	stream.indirect_vreg.scatter [tilespmem:s28], [sflag:$0x3], $0x80, v3, vm0, $0xb8;
	[tilespmem:$0x18400] =	vst v63  }
0x7d: {  	s21 =	simm.s32 $0x7C00  }
0x7e: {  	[hbm4b:s6+s2] =	stream.indirect_vreg.scatter [tilespmem:s21], [sflag:$0x3], $0x80, v3, vm0, $0xb8;
	[tilespmem:$0x18400] =	vst v63  }
0x7f: {  	v3 =	vld [tilespmem:$0x200];
	_ =	sdelay $0x4  }
0x80: {  	v50 =	vshll.u32 v3, $0x3  }
0x81: {  	v3 =	vand.u32 $0x7, v3;
	v4 =	vand.u32 $0xFFFFFFC0, v50  }
0x82: {  	v3 =	vor.u32 v3, v4  }
0x83: {  	v4 =	vperm.xlane v3, v0;
	_ =	sdelay $0x1  }
0x84: {  	v4 =	vadd.s32 v1, v4;
	_ =	sdelay $0x4  }
0x85: {  	[hbm4b:s3+s2] =	stream.indirect_vreg.scatter [tilespmem:s9], [sflag:$0x3], $0x80, v4, vm0, $0xb8;
	[tilespmem:$0x18400] =	vst v63  }
0x86: {  	s17 =	simm.s32 $0xC00;
	v3 =	vperm.xlane v3, v2  }
0x87: {  	[hbm4b:s4+s2] =	stream.indirect_vreg.scatter [tilespmem:s17], [sflag:$0x3], $0x80, v4, vm0, $0xb8;
	[tilespmem:$0x18400] =	vst v63  }
0x88: {  	s1 =	simm.s32 $0x1400;
	v3 =	vadd.s32 v1, v3  }
0x89: {  	[hbm4b:s5+s2] =	stream.indirect_vreg.scatter [tilespmem:s1], [sflag:$0x3], $0x80, v4, vm0, $0xb8;
	[tilespmem:$0x18400] =	vst v63  }
0x8a: {  	s10 =	simm.s32 $0x1C00  }
0x8b: {  	[hbm4b:s6+s2] =	stream.indirect_vreg.scatter [tilespmem:s10], [sflag:$0x3], $0x80, v4, vm0, $0xb8;
	[tilespmem:$0x18400] =	vst v63  }
0x8c: {  	s12 =	simm.s32 $0x2400  }
0x8d: {  	[hbm4b:s3+s2] =	stream.indirect_vreg.scatter [tilespmem:s12], [sflag:$0x3], $0x80, v3, vm0, $0xb8;
	[tilespmem:$0x18400] =	vst v63  }
0x8e: {  	s14 =	simm.s32 $0x2C00  }
0x8f: {  	[hbm4b:s4+s2] =	stream.indirect_vreg.scatter [tilespmem:s14], [sflag:$0x3], $0x80, v3, vm0, $0xb8;
	[tilespmem:$0x18400] =	vst v63  }
0x90: {  	s15 =	simm.s32 $0x3400  }
0x91: {  	[hbm4b:s5+s2] =	stream.indirect_vreg.scatter [tilespmem:s15], [sflag:$0x3], $0x80, v3, vm0, $0xb8;
	[tilespmem:$0x18400] =	vst v63  }
0x92: {  	s18 =	simm.s32 $0x3C00  }
0x93: {  	[hbm4b:s6+s2] =	stream.indirect_vreg.scatter [tilespmem:s18], [sflag:$0x3], $0x80, v3, vm0, $0xb8;
	[tilespmem:$0x18400] =	vst v63  }
0x94: {  	v3 =	vld [tilespmem:$0x210];
	_ =	sdelay $0x4  }
0x95: {  	v51 =	vshll.u32 v3, $0x3  }
0x96: {  	v3 =	vand.u32 $0x7, v3;
	v4 =	vand.u32 $0xFFFFFFC0, v51  }
0x97: {  	v3 =	vor.u32 v3, v4  }
0x98: {  	v4 =	vperm.xlane v3, v0;
	_ =	sdelay $0x1  }
0x99: {  	v4 =	vadd.s32 v1, v4;
	_ =	sdelay $0x3  }
0x9a: {  	s19 =	simm.s32 $0x4400  }
0x9b: {  	[hbm4b:s3+s2] =	stream.indirect_vreg.scatter [tilespmem:s19], [sflag:$0x3], $0x80, v4, vm0, $0xb8;
	[tilespmem:$0x18400] =	vst v63  }
0x9c: {  	s20 =	simm.s32 $0x4C00;
	v3 =	vperm.xlane v3, v2  }
0x9d: {  	[hbm4b:s4+s2] =	stream.indirect_vreg.scatter [tilespmem:s20], [sflag:$0x3], $0x80, v4, vm0, $0xb8;
	[tilespmem:$0x18400] =	vst v63  }
0x9e: {  	s16 =	simm.s32 $0x5400;
	v3 =	vadd.s32 v1, v3  }
0x9f: {  	[hbm4b:s5+s2] =	stream.indirect_vreg.scatter [tilespmem:s16], [sflag:$0x3], $0x80, v4, vm0, $0xb8;
	[tilespmem:$0x18400] =	vst v63  }
0xa0: {  	_ = 	snop  }
0xa1: {  	[hbm4b:s6+s2] =	stream.indirect_vreg.scatter [tilespmem:s24], [sflag:$0x3], $0x80, v4, vm0, $0xb8;
	[tilespmem:$0x18400] =	vst v63  }
0xa2: {  	_ = 	snop  }
0xa3: {  	[hbm4b:s3+s2] =	stream.indirect_vreg.scatter [tilespmem:s25], [sflag:$0x3], $0x80, v3, vm0, $0xb8;
	[tilespmem:$0x18400] =	vst v63  }
0xa4: {  	_ = 	snop  }
0xa5: {  	[hbm4b:s4+s2] =	stream.indirect_vreg.scatter [tilespmem:s26], [sflag:$0x3], $0x80, v3, vm0, $0xb8;
	[tilespmem:$0x18400] =	vst v63  }
0xa6: {  	_ = 	snop  }
0xa7: {  	[hbm4b:s5+s2] =	stream.indirect_vreg.scatter [tilespmem:s28], [sflag:$0x3], $0x80, v3, vm0, $0xb8;
	[tilespmem:$0x18400] =	vst v63  }
0xa8: {  	s22 =	simm.s32 $0x7C00  }
0xa9: {  	[hbm4b:s6+s2] =	stream.indirect_vreg.scatter [tilespmem:s22], [sflag:$0x3], $0x80, v3, vm0, $0xb8;
	[tilespmem:$0x18400] =	vst v63  }
0xaa: {  	_ =	swait.ge [sflag:s29], $0x8000  }
0xab: {  	[sflag:s29] =	ssyncset.done $0x0  }
0xac: {  	[sflag:s29] =	ssyncadd.s32 $0xFFFF8000  }
0xad: {  	_ =	swait.ge [sflag:s29], $0x8000  }
0xae: {  	[sflag:s29] =	ssyncset.done $0x0  }
0xaf: {  	s30 =	rddreg [dreg:$0xf];
	[sflag:s29] =	ssyncadd.s32 $0xFFFF8000  }
0xb0: {  	[tilespmem:s9], [sflag:$0x2] =	stream.linear.gather [hbm4b:s30+s2], $0x8000, $0x38;
	[tilespmem:$0x18400] =	vst v63  }
0xb1: {  	_ =	swait.ge [sflag:s23], $0x8000  }
0xb2: {  	[sflag:s23] =	ssyncset.done $0x0  }
0xb3: {  	[sflag:s23] =	ssyncadd.s32 $0xFFFF8000  }
0xb4: {  	v3 =	vld [tilespmem:$0x80];
	_ =	sdelay $0x4  }
0xb5: {  	v52 =	vshll.u32 v3, $0x3  }
0xb6: {  	v3 =	vand.u32 $0x7, v3;
	v4 =	vand.u32 $0xFFFFFFC0, v52  }
0xb7: {  	v3 =	vor.u32 v3, v4  }
0xb8: {  	v4 =	vperm.xlane v3, v0;
	_ =	sdelay $0x1  }
0xb9: {  	v4 =	vadd.s32 v1, v4;
	_ =	sdelay $0x4  }
0xba: {  	[hbm4b:s3+s2] =	stream.indirect_vreg.scatter [tilespmem:s11], [sflag:$0x3], $0x80, v4, vm0, $0xb8;
	[tilespmem:$0x18400] =	vst v63  }
0xbb: {  	s0 =	simm.s32 $0x8C00;
	v3 =	vperm.xlane v3, v2  }
0xbc: {  	[hbm4b:s4+s2] =	stream.indirect_vreg.scatter [tilespmem:s0], [sflag:$0x3], $0x80, v4, vm0, $0xb8;
	[tilespmem:$0x18400] =	vst v63  }
0xbd: {  	s1 =	simm.s32 $0x9400;
	v3 =	vadd.s32 v1, v3  }
0xbe: {  	[hbm4b:s5+s2] =	stream.indirect_vreg.scatter [tilespmem:s1], [sflag:$0x3], $0x80, v4, vm0, $0xb8;
	[tilespmem:$0x18400] =	vst v63  }
0xbf: {  	s30 =	simm.s32 $0x9C00  }
0xc0: {  	[hbm4b:s6+s2] =	stream.indirect_vreg.scatter [tilespmem:s30], [sflag:$0x3], $0x80, v4, vm0, $0xb8;
	[tilespmem:$0x18400] =	vst v63  }
0xc1: {  	s31 =	simm.s32 $0xA400  }
0xc2: {  	[hbm4b:s3+s2] =	stream.indirect_vreg.scatter [tilespmem:s31], [sflag:$0x3], $0x80, v3, vm0, $0xb8;
	[tilespmem:$0x18400] =	vst v63  }
0xc3: {  	s10 =	simm.s32 $0xAC00  }
0xc4: {  	[hbm4b:s4+s2] =	stream.indirect_vreg.scatter [tilespmem:s10], [sflag:$0x3], $0x80, v3, vm0, $0xb8;
	[tilespmem:$0x18400] =	vst v63  }
0xc5: {  	s12 =	simm.s32 $0xB400  }
0xc6: {  	[hbm4b:s5+s2] =	stream.indirect_vreg.scatter [tilespmem:s12], [sflag:$0x3], $0x80, v3, vm0, $0xb8;
	[tilespmem:$0x18400] =	vst v63  }
0xc7: {  	s14 =	simm.s32 $0xBC00  }
0xc8: {  	[hbm4b:s6+s2] =	stream.indirect_vreg.scatter [tilespmem:s14], [sflag:$0x3], $0x80, v3, vm0, $0xb8;
	[tilespmem:$0x18400] =	vst v63  }
0xc9: {  	v3 =	vld [tilespmem:$0x90];
	_ =	sdelay $0x4  }
0xca: {  	v53 =	vshll.u32 v3, $0x3  }
0xcb: {  	v3 =	vand.u32 $0x7, v3;
	v4 =	vand.u32 $0xFFFFFFC0, v53  }
0xcc: {  	v3 =	vor.u32 v3, v4  }
0xcd: {  	v4 =	vperm.xlane v3, v0;
	_ =	sdelay $0x1  }
0xce: {  	v4 =	vadd.s32 v1, v4;
	_ =	sdelay $0x3  }
0xcf: {  	s15 =	simm.s32 $0xC400  }
0xd0: {  	[hbm4b:s3+s2] =	stream.indirect_vreg.scatter [tilespmem:s15], [sflag:$0x3], $0x80, v4, vm0, $0xb8;
	[tilespmem:$0x18400] =	vst v63  }
0xd1: {  	s16 =	simm.s32 $0xCC00;
	v3 =	vperm.xlane v3, v2  }
0xd2: {  	[hbm4b:s4+s2] =	stream.indirect_vreg.scatter [tilespmem:s16], [sflag:$0x3], $0x80, v4, vm0, $0xb8;
	[tilespmem:$0x18400] =	vst v63  }
0xd3: {  	s17 =	simm.s32 $0xD400;
	v3 =	vadd.s32 v1, v3  }
0xd4: {  	[hbm4b:s5+s2] =	stream.indirect_vreg.scatter [tilespmem:s17], [sflag:$0x3], $0x80, v4, vm0, $0xb8;
	[tilespmem:$0x18400] =	vst v63  }
0xd5: {  	s18 =	simm.s32 $0xDC00  }
0xd6: {  	[hbm4b:s6+s2] =	stream.indirect_vreg.scatter [tilespmem:s18], [sflag:$0x3], $0x80, v4, vm0, $0xb8;
	[tilespmem:$0x18400] =	vst v63  }
0xd7: {  	s19 =	simm.s32 $0xE400  }
0xd8: {  	[hbm4b:s3+s2] =	stream.indirect_vreg.scatter [tilespmem:s19], [sflag:$0x3], $0x80, v3, vm0, $0xb8;
	[tilespmem:$0x18400] =	vst v63  }
0xd9: {  	s20 =	simm.s32 $0xEC00  }
0xda: {  	[hbm4b:s4+s2] =	stream.indirect_vreg.scatter [tilespmem:s20], [sflag:$0x3], $0x80, v3, vm0, $0xb8;
	[tilespmem:$0x18400] =	vst v63  }
0xdb: {  	s21 =	simm.s32 $0xF400  }
0xdc: {  	[hbm4b:s5+s2] =	stream.indirect_vreg.scatter [tilespmem:s21], [sflag:$0x3], $0x80, v3, vm0, $0xb8;
	[tilespmem:$0x18400] =	vst v63  }
0xdd: {  	s22 =	simm.s32 $0xFC00  }
0xde: {  	[hbm4b:s6+s2] =	stream.indirect_vreg.scatter [tilespmem:s22], [sflag:$0x3], $0x80, v3, vm0, $0xb8;
	[tilespmem:$0x18400] =	vst v63  }
0xdf: {  	v3 =	vld [tilespmem:$0x280];
	_ =	sdelay $0x4  }
0xe0: {  	v54 =	vshll.u32 v3, $0x3  }
0xe1: {  	v3 =	vand.u32 $0x7, v3;
	v4 =	vand.u32 $0xFFFFFFC0, v54  }
0xe2: {  	v3 =	vor.u32 v3, v4  }
0xe3: {  	v4 =	vperm.xlane v3, v0;
	_ =	sdelay $0x1  }
0xe4: {  	v4 =	vadd.s32 v1, v4;
	_ =	sdelay $0x4  }
0xe5: {  	[hbm4b:s3+s2] =	stream.indirect_vreg.scatter [tilespmem:s11], [sflag:$0x3], $0x80, v4, vm0, $0xb8;
	[tilespmem:$0x18400] =	vst v63  }
0xe6: {  	v3 =	vperm.xlane v3, v2  }
0xe7: {  	[hbm4b:s4+s2] =	stream.indirect_vreg.scatter [tilespmem:s0], [sflag:$0x3], $0x80, v4, vm0, $0xb8;
	[tilespmem:$0x18400] =	vst v63  }
0xe8: {  	v3 =	vadd.s32 v1, v3  }
0xe9: {  	[hbm4b:s5+s2] =	stream.indirect_vreg.scatter [tilespmem:s1], [sflag:$0x3], $0x80, v4, vm0, $0xb8;
	[tilespmem:$0x18400] =	vst v63  }
0xea: {  	_ = 	snop  }
0xeb: {  	[hbm4b:s6+s2] =	stream.indirect_vreg.scatter [tilespmem:s30], [sflag:$0x3], $0x80, v4, vm0, $0xb8;
	[tilespmem:$0x18400] =	vst v63  }
0xec: {  	_ = 	snop  }
0xed: {  	[hbm4b:s3+s2] =	stream.indirect_vreg.scatter [tilespmem:s31], [sflag:$0x3], $0x80, v3, vm0, $0xb8;
	[tilespmem:$0x18400] =	vst v63  }
0xee: {  	_ = 	snop  }
0xef: {  	[hbm4b:s4+s2] =	stream.indirect_vreg.scatter [tilespmem:s10], [sflag:$0x3], $0x80, v3, vm0, $0xb8;
	[tilespmem:$0x18400] =	vst v63  }
0xf0: {  	_ = 	snop  }
0xf1: {  	[hbm4b:s5+s2] =	stream.indirect_vreg.scatter [tilespmem:s12], [sflag:$0x3], $0x80, v3, vm0, $0xb8;
	[tilespmem:$0x18400] =	vst v63  }
0xf2: {  	_ = 	snop  }
0xf3: {  	[hbm4b:s6+s2] =	stream.indirect_vreg.scatter [tilespmem:s14], [sflag:$0x3], $0x80, v3, vm0, $0xb8;
	[tilespmem:$0x18400] =	vst v63  }
0xf4: {  	v3 =	vld [tilespmem:$0x290];
	_ =	sdelay $0x4  }
0xf5: {  	v55 =	vshll.u32 v3, $0x3  }
0xf6: {  	v3 =	vand.u32 $0x7, v3;
	v4 =	vand.u32 $0xFFFFFFC0, v55  }
0xf7: {  	v3 =	vor.u32 v3, v4  }
0xf8: {  	v4 =	vperm.xlane v3, v0;
	_ =	sdelay $0x1  }
0xf9: {  	v4 =	vadd.s32 v1, v4;
	_ =	sdelay $0x4  }
0xfa: {  	[hbm4b:s3+s2] =	stream.indirect_vreg.scatter [tilespmem:s15], [sflag:$0x3], $0x80, v4, vm0, $0xb8;
	[tilespmem:$0x18400] =	vst v63  }
0xfb: {  	v3 =	vperm.xlane v3, v2  }
0xfc: {  	[hbm4b:s4+s2] =	stream.indirect_vreg.scatter [tilespmem:s16], [sflag:$0x3], $0x80, v4, vm0, $0xb8;
	[tilespmem:$0x18400] =	vst v63  }
0xfd: {  	v3 =	vadd.s32 v1, v3  }
0xfe: {  	[hbm4b:s5+s2] =	stream.indirect_vreg.scatter [tilespmem:s17], [sflag:$0x3], $0x80, v4, vm0, $0xb8;
	[tilespmem:$0x18400] =	vst v63  }
0xff: {  	_ = 	snop  }
0x100: {  	[hbm4b:s6+s2] =	stream.indirect_vreg.scatter [tilespmem:s18], [sflag:$0x3], $0x80, v4, vm0, $0xb8;
	[tilespmem:$0x18400] =	vst v63  }
0x101: {  	_ = 	snop  }
0x102: {  	[hbm4b:s3+s2] =	stream.indirect_vreg.scatter [tilespmem:s19], [sflag:$0x3], $0x80, v3, vm0, $0xb8;
	[tilespmem:$0x18400] =	vst v63  }
0x103: {  	_ = 	snop  }
0x104: {  	[hbm4b:s4+s2] =	stream.indirect_vreg.scatter [tilespmem:s20], [sflag:$0x3], $0x80, v3, vm0, $0xb8;
	[tilespmem:$0x18400] =	vst v63  }
0x105: {  	_ = 	snop  }
0x106: {  	[hbm4b:s5+s2] =	stream.indirect_vreg.scatter [tilespmem:s21], [sflag:$0x3], $0x80, v3, vm0, $0xb8;
	[tilespmem:$0x18400] =	vst v63  }
0x107: {  	_ = 	snop  }
0x108: {  	[hbm4b:s6+s2] =	stream.indirect_vreg.scatter [tilespmem:s22], [sflag:$0x3], $0x80, v3, vm0, $0xb8;
	[tilespmem:$0x18400] =	vst v63  }
0x109: {  	_ =	swait.ge [sflag:s23], $0x8000  }
0x10a: {  	[sflag:s23] =	ssyncset.done $0x0  }
0x10b: {  	[sflag:s23] =	ssyncadd.s32 $0xFFFF8000  }
0x10c: {  	v3 =	vld [tilespmem:$0x100];
	_ =	sdelay $0x4  }
0x10d: {  	v56 =	vshll.u32 v3, $0x3  }
0x10e: {  	v3 =	vand.u32 $0x7, v3;
	v4 =	vand.u32 $0xFFFFFFC0, v56  }
0x10f: {  	v3 =	vor.u32 v3, v4  }
0x110: {  	v4 =	vperm.xlane v3, v0;
	_ =	sdelay $0x1  }
0x111: {  	v4 =	vadd.s32 v1, v4;
	_ =	sdelay $0x4  }
0x112: {  	[hbm4b:s3+s2] =	stream.indirect_vreg.scatter [tilespmem:s13], [sflag:$0x3], $0x80, v4, vm0, $0xb8;
	[tilespmem:$0x18400] =	vst v63  }
0x113: {  	s0 =	simm.s32 $0x10C00;
	v3 =	vperm.xlane v3, v2  }
0x114: {  	[hbm4b:s4+s2] =	stream.indirect_vreg.scatter [tilespmem:s0], [sflag:$0x3], $0x80, v4, vm0, $0xb8;
	[tilespmem:$0x18400] =	vst v63  }
0x115: {  	s1 =	simm.s32 $0x11400;
	v3 =	vadd.s32 v1, v3  }
0x116: {  	[hbm4b:s5+s2] =	stream.indirect_vreg.scatter [tilespmem:s1], [sflag:$0x3], $0x80, v4, vm0, $0xb8;
	[tilespmem:$0x18400] =	vst v63  }
0x117: {  	s10 =	simm.s32 $0x11C00  }
0x118: {  	[hbm4b:s6+s2] =	stream.indirect_vreg.scatter [tilespmem:s10], [sflag:$0x3], $0x80, v4, vm0, $0xb8;
	[tilespmem:$0x18400] =	vst v63  }
0x119: {  	s11 =	simm.s32 $0x12400  }
0x11a: {  	[hbm4b:s3+s2] =	stream.indirect_vreg.scatter [tilespmem:s11], [sflag:$0x3], $0x80, v3, vm0, $0xb8;
	[tilespmem:$0x18400] =	vst v63  }
0x11b: {  	s12 =	simm.s32 $0x12C00  }
0x11c: {  	[hbm4b:s4+s2] =	stream.indirect_vreg.scatter [tilespmem:s12], [sflag:$0x3], $0x80, v3, vm0, $0xb8;
	[tilespmem:$0x18400] =	vst v63  }
0x11d: {  	s14 =	simm.s32 $0x13400  }
0x11e: {  	[hbm4b:s5+s2] =	stream.indirect_vreg.scatter [tilespmem:s14], [sflag:$0x3], $0x80, v3, vm0, $0xb8;
	[tilespmem:$0x18400] =	vst v63  }
0x11f: {  	s15 =	simm.s32 $0x13C00  }
0x120: {  	[hbm4b:s6+s2] =	stream.indirect_vreg.scatter [tilespmem:s15], [sflag:$0x3], $0x80, v3, vm0, $0xb8;
	[tilespmem:$0x18400] =	vst v63  }
0x121: {  	v3 =	vld [tilespmem:$0x110];
	_ =	sdelay $0x4  }
0x122: {  	v57 =	vshll.u32 v3, $0x3  }
0x123: {  	v3 =	vand.u32 $0x7, v3;
	v4 =	vand.u32 $0xFFFFFFC0, v57  }
0x124: {  	v3 =	vor.u32 v3, v4  }
0x125: {  	v4 =	vperm.xlane v3, v0;
	_ =	sdelay $0x1  }
0x126: {  	v4 =	vadd.s32 v1, v4;
	_ =	sdelay $0x3  }
0x127: {  	s16 =	simm.s32 $0x14400  }
0x128: {  	[hbm4b:s3+s2] =	stream.indirect_vreg.scatter [tilespmem:s16], [sflag:$0x3], $0x80, v4, vm0, $0xb8;
	[tilespmem:$0x18400] =	vst v63  }
0x129: {  	s17 =	simm.s32 $0x14C00;
	v3 =	vperm.xlane v3, v2  }
0x12a: {  	[hbm4b:s4+s2] =	stream.indirect_vreg.scatter [tilespmem:s17], [sflag:$0x3], $0x80, v4, vm0, $0xb8;
	[tilespmem:$0x18400] =	vst v63  }
0x12b: {  	s18 =	simm.s32 $0x15400;
	v3 =	vadd.s32 v1, v3  }
0x12c: {  	[hbm4b:s5+s2] =	stream.indirect_vreg.scatter [tilespmem:s18], [sflag:$0x3], $0x80, v4, vm0, $0xb8;
	[tilespmem:$0x18400] =	vst v63  }
0x12d: {  	s19 =	simm.s32 $0x15C00  }
0x12e: {  	[hbm4b:s6+s2] =	stream.indirect_vreg.scatter [tilespmem:s19], [sflag:$0x3], $0x80, v4, vm0, $0xb8;
	[tilespmem:$0x18400] =	vst v63  }
0x12f: {  	s20 =	simm.s32 $0x16400  }
0x130: {  	[hbm4b:s3+s2] =	stream.indirect_vreg.scatter [tilespmem:s20], [sflag:$0x3], $0x80, v3, vm0, $0xb8;
	[tilespmem:$0x18400] =	vst v63  }
0x131: {  	s21 =	simm.s32 $0x16C00  }
0x132: {  	[hbm4b:s4+s2] =	stream.indirect_vreg.scatter [tilespmem:s21], [sflag:$0x3], $0x80, v3, vm0, $0xb8;
	[tilespmem:$0x18400] =	vst v63  }
0x133: {  	s22 =	simm.s32 $0x17400  }
0x134: {  	[hbm4b:s5+s2] =	stream.indirect_vreg.scatter [tilespmem:s22], [sflag:$0x3], $0x80, v3, vm0, $0xb8;
	[tilespmem:$0x18400] =	vst v63  }
0x135: {  	s31 =	simm.s32 $0x17C00  }
0x136: {  	[hbm4b:s6+s2] =	stream.indirect_vreg.scatter [tilespmem:s31], [sflag:$0x3], $0x80, v3, vm0, $0xb8;
	[tilespmem:$0x18400] =	vst v63  }
0x137: {  	v3 =	vld [tilespmem:$0x300];
	_ =	sdelay $0x4  }
0x138: {  	v58 =	vshll.u32 v3, $0x3  }
0x139: {  	v3 =	vand.u32 $0x7, v3;
	v4 =	vand.u32 $0xFFFFFFC0, v58  }
0x13a: {  	v3 =	vor.u32 v3, v4  }
0x13b: {  	v4 =	vperm.xlane v3, v0;
	_ =	sdelay $0x1  }
0x13c: {  	v4 =	vadd.s32 v1, v4;
	_ =	sdelay $0x4  }
0x13d: {  	[hbm4b:s3+s2] =	stream.indirect_vreg.scatter [tilespmem:s13], [sflag:$0x3], $0x80, v4, vm0, $0xb8;
	[tilespmem:$0x18400] =	vst v63  }
0x13e: {  	v3 =	vperm.xlane v3, v2  }
0x13f: {  	[hbm4b:s4+s2] =	stream.indirect_vreg.scatter [tilespmem:s0], [sflag:$0x3], $0x80, v4, vm0, $0xb8;
	[tilespmem:$0x18400] =	vst v63  }
0x140: {  	v3 =	vadd.s32 v1, v3  }
0x141: {  	[hbm4b:s5+s2] =	stream.indirect_vreg.scatter [tilespmem:s1], [sflag:$0x3], $0x80, v4, vm0, $0xb8;
	[tilespmem:$0x18400] =	vst v63  }
0x142: {  	_ = 	snop  }
0x143: {  	[hbm4b:s6+s2] =	stream.indirect_vreg.scatter [tilespmem:s10], [sflag:$0x3], $0x80, v4, vm0, $0xb8;
	[tilespmem:$0x18400] =	vst v63  }
0x144: {  	_ = 	snop  }
0x145: {  	[hbm4b:s3+s2] =	stream.indirect_vreg.scatter [tilespmem:s11], [sflag:$0x3], $0x80, v3, vm0, $0xb8;
	[tilespmem:$0x18400] =	vst v63  }
0x146: {  	_ = 	snop  }
0x147: {  	[hbm4b:s4+s2] =	stream.indirect_vreg.scatter [tilespmem:s12], [sflag:$0x3], $0x80, v3, vm0, $0xb8;
	[tilespmem:$0x18400] =	vst v63  }
0x148: {  	_ = 	snop  }
0x149: {  	[hbm4b:s5+s2] =	stream.indirect_vreg.scatter [tilespmem:s14], [sflag:$0x3], $0x80, v3, vm0, $0xb8;
	[tilespmem:$0x18400] =	vst v63  }
0x14a: {  	_ = 	snop  }
0x14b: {  	[hbm4b:s6+s2] =	stream.indirect_vreg.scatter [tilespmem:s15], [sflag:$0x3], $0x80, v3, vm0, $0xb8;
	[tilespmem:$0x18400] =	vst v63  }
0x14c: {  	v3 =	vld [tilespmem:$0x310];
	_ =	sdelay $0x4  }
0x14d: {  	v59 =	vshll.u32 v3, $0x3  }
0x14e: {  	v3 =	vand.u32 $0x7, v3;
	v4 =	vand.u32 $0xFFFFFFC0, v59  }
0x14f: {  	v3 =	vor.u32 v3, v4  }
0x150: {  	v4 =	vperm.xlane v3, v0;
	_ =	sdelay $0x1  }
0x151: {  	v4 =	vadd.s32 v1, v4;
	_ =	sdelay $0x4  }
0x152: {  	[hbm4b:s3+s2] =	stream.indirect_vreg.scatter [tilespmem:s16], [sflag:$0x3], $0x80, v4, vm0, $0xb8;
	[tilespmem:$0x18400] =	vst v63  }
0x153: {  	v3 =	vperm.xlane v3, v2  }
0x154: {  	[hbm4b:s4+s2] =	stream.indirect_vreg.scatter [tilespmem:s17], [sflag:$0x3], $0x80, v4, vm0, $0xb8;
	[tilespmem:$0x18400] =	vst v63  }
0x155: {  	v3 =	vadd.s32 v1, v3  }
0x156: {  	[hbm4b:s5+s2] =	stream.indirect_vreg.scatter [tilespmem:s18], [sflag:$0x3], $0x80, v4, vm0, $0xb8;
	[tilespmem:$0x18400] =	vst v63  }
0x157: {  	_ = 	snop  }
0x158: {  	[hbm4b:s6+s2] =	stream.indirect_vreg.scatter [tilespmem:s19], [sflag:$0x3], $0x80, v4, vm0, $0xb8;
	[tilespmem:$0x18400] =	vst v63  }
0x159: {  	_ = 	snop  }
0x15a: {  	[hbm4b:s3+s2] =	stream.indirect_vreg.scatter [tilespmem:s20], [sflag:$0x3], $0x80, v3, vm0, $0xb8;
	[tilespmem:$0x18400] =	vst v63  }
0x15b: {  	_ = 	snop  }
0x15c: {  	[hbm4b:s4+s2] =	stream.indirect_vreg.scatter [tilespmem:s21], [sflag:$0x3], $0x80, v3, vm0, $0xb8;
	[tilespmem:$0x18400] =	vst v63  }
0x15d: {  	_ = 	snop  }
0x15e: {  	[hbm4b:s5+s2] =	stream.indirect_vreg.scatter [tilespmem:s22], [sflag:$0x3], $0x80, v3, vm0, $0xb8;
	[tilespmem:$0x18400] =	vst v63  }
0x15f: {  	_ = 	snop  }
0x160: {  	[hbm4b:s6+s2] =	stream.indirect_vreg.scatter [tilespmem:s31], [sflag:$0x3], $0x80, v3, vm0, $0xb8;
	[tilespmem:$0x18400] =	vst v63  }
0x161: {  	_ =	swait.ge [sflag:s23], $0x8000  }
0x162: {  	[sflag:s23] =	ssyncset.done $0x0  }
0x163: {  	[sflag:s23] =	ssyncadd.s32 $0xFFFF8000  }
0x164: {  	v3 =	vld [tilespmem:$0x180];
	_ =	sdelay $0x4  }
0x165: {  	v60 =	vshll.u32 v3, $0x3  }
0x166: {  	v3 =	vand.u32 $0x7, v3;
	v4 =	vand.u32 $0xFFFFFFC0, v60  }
0x167: {  	v3 =	vor.u32 v3, v4  }
0x168: {  	v4 =	vperm.xlane v3, v0;
	_ =	sdelay $0x1  }
0x169: {  	v4 =	vadd.s32 v1, v4;
	_ =	sdelay $0x4  }
0x16a: {  	[hbm4b:s3+s2] =	stream.indirect_vreg.scatter [tilespmem:s9], [sflag:$0x3], $0x80, v4, vm0, $0xb8;
	[tilespmem:$0x18400] =	vst v63  }
0x16b: {  	s13 =	simm.s32 $0xC00;
	v3 =	vperm.xlane v3, v2  }
0x16c: {  	[hbm4b:s4+s2] =	stream.indirect_vreg.scatter [tilespmem:s13], [sflag:$0x3], $0x80, v4, vm0, $0xb8;
	[tilespmem:$0x18400] =	vst v63  }
0x16d: {  	s15 =	simm.s32 $0x1400;
	v3 =	vadd.s32 v1, v3  }
0x16e: {  	[hbm4b:s5+s2] =	stream.indirect_vreg.scatter [tilespmem:s15], [sflag:$0x3], $0x80, v4, vm0, $0xb8;
	[tilespmem:$0x18400] =	vst v63  }
0x16f: {  	s16 =	simm.s32 $0x1C00  }
0x170: {  	[hbm4b:s6+s2] =	stream.indirect_vreg.scatter [tilespmem:s16], [sflag:$0x3], $0x80, v4, vm0, $0xb8;
	[tilespmem:$0x18400] =	vst v63  }
0x171: {  	s17 =	simm.s32 $0x2400  }
0x172: {  	[hbm4b:s3+s2] =	stream.indirect_vreg.scatter [tilespmem:s17], [sflag:$0x3], $0x80, v3, vm0, $0xb8;
	[tilespmem:$0x18400] =	vst v63  }
0x173: {  	s18 =	simm.s32 $0x2C00  }
0x174: {  	[hbm4b:s4+s2] =	stream.indirect_vreg.scatter [tilespmem:s18], [sflag:$0x3], $0x80, v3, vm0, $0xb8;
	[tilespmem:$0x18400] =	vst v63  }
0x175: {  	s19 =	simm.s32 $0x3400  }
0x176: {  	[hbm4b:s5+s2] =	stream.indirect_vreg.scatter [tilespmem:s19], [sflag:$0x3], $0x80, v3, vm0, $0xb8;
	[tilespmem:$0x18400] =	vst v63  }
0x177: {  	s20 =	simm.s32 $0x3C00  }
0x178: {  	[hbm4b:s6+s2] =	stream.indirect_vreg.scatter [tilespmem:s20], [sflag:$0x3], $0x80, v3, vm0, $0xb8;
	[tilespmem:$0x18400] =	vst v63  }
0x179: {  	v3 =	vld [tilespmem:$0x190];
	_ =	sdelay $0x4  }
0x17a: {  	v61 =	vshll.u32 v3, $0x3  }
0x17b: {  	v3 =	vand.u32 $0x7, v3;
	v4 =	vand.u32 $0xFFFFFFC0, v61  }
0x17c: {  	v3 =	vor.u32 v3, v4  }
0x17d: {  	v4 =	vperm.xlane v3, v0;
	_ =	sdelay $0x1  }
0x17e: {  	v4 =	vadd.s32 v1, v4;
	_ =	sdelay $0x3  }
0x17f: {  	s21 =	simm.s32 $0x4400  }
0x180: {  	[hbm4b:s3+s2] =	stream.indirect_vreg.scatter [tilespmem:s21], [sflag:$0x3], $0x80, v4, vm0, $0xb8;
	[tilespmem:$0x18400] =	vst v63  }
0x181: {  	s22 =	simm.s32 $0x4C00;
	v3 =	vperm.xlane v3, v2  }
0x182: {  	[hbm4b:s4+s2] =	stream.indirect_vreg.scatter [tilespmem:s22], [sflag:$0x3], $0x80, v4, vm0, $0xb8;
	[tilespmem:$0x18400] =	vst v63  }
0x183: {  	s30 =	simm.s32 $0x5400;
	v3 =	vadd.s32 v1, v3  }
0x184: {  	[hbm4b:s5+s2] =	stream.indirect_vreg.scatter [tilespmem:s30], [sflag:$0x3], $0x80, v4, vm0, $0xb8;
	[tilespmem:$0x18400] =	vst v63  }
0x185: {  	_ = 	snop  }
0x186: {  	[hbm4b:s6+s2] =	stream.indirect_vreg.scatter [tilespmem:s24], [sflag:$0x3], $0x80, v4, vm0, $0xb8;
	[tilespmem:$0x18400] =	vst v63  }
0x187: {  	_ = 	snop  }
0x188: {  	[hbm4b:s3+s2] =	stream.indirect_vreg.scatter [tilespmem:s25], [sflag:$0x3], $0x80, v3, vm0, $0xb8;
	[tilespmem:$0x18400] =	vst v63  }
0x189: {  	_ = 	snop  }
0x18a: {  	[hbm4b:s4+s2] =	stream.indirect_vreg.scatter [tilespmem:s26], [sflag:$0x3], $0x80, v3, vm0, $0xb8;
	[tilespmem:$0x18400] =	vst v63  }
0x18b: {  	_ = 	snop  }
0x18c: {  	[hbm4b:s5+s2] =	stream.indirect_vreg.scatter [tilespmem:s28], [sflag:$0x3], $0x80, v3, vm0, $0xb8;
	[tilespmem:$0x18400] =	vst v63  }
0x18d: {  	s31 =	simm.s32 $0x7C00  }
0x18e: {  	[hbm4b:s6+s2] =	stream.indirect_vreg.scatter [tilespmem:s31], [sflag:$0x3], $0x80, v3, vm0, $0xb8;
	[tilespmem:$0x18400] =	vst v63  }
0x18f: {  	v3 =	vld [tilespmem:$0x380];
	_ =	sdelay $0x4  }
0x190: {  	v62 =	vshll.u32 v3, $0x3  }
0x191: {  	v3 =	vand.u32 $0x7, v3;
	v4 =	vand.u32 $0xFFFFFFC0, v62  }
0x192: {  	v3 =	vor.u32 v3, v4  }
0x193: {  	v4 =	vperm.xlane v3, v0;
	_ =	sdelay $0x1  }
0x194: {  	v4 =	vadd.s32 v1, v4;
	_ =	sdelay $0x4  }
0x195: {  	[hbm4b:s3+s2] =	stream.indirect_vreg.scatter [tilespmem:s9], [sflag:$0x3], $0x80, v4, vm0, $0xb8;
	[tilespmem:$0x18400] =	vst v63  }
0x196: {  	v3 =	vperm.xlane v3, v2  }
0x197: {  	[hbm4b:s4+s2] =	stream.indirect_vreg.scatter [tilespmem:s13], [sflag:$0x3], $0x80, v4, vm0, $0xb8;
	[tilespmem:$0x18400] =	vst v63  }
0x198: {  	v3 =	vadd.s32 v1, v3  }
0x199: {  	[hbm4b:s5+s2] =	stream.indirect_vreg.scatter [tilespmem:s15], [sflag:$0x3], $0x80, v4, vm0, $0xb8;
	[tilespmem:$0x18400] =	vst v63  }
0x19a: {  	_ = 	snop  }
0x19b: {  	[hbm4b:s6+s2] =	stream.indirect_vreg.scatter [tilespmem:s16], [sflag:$0x3], $0x80, v4, vm0, $0xb8;
	[tilespmem:$0x18400] =	vst v63  }
0x19c: {  	_ = 	snop  }
0x19d: {  	[hbm4b:s3+s2] =	stream.indirect_vreg.scatter [tilespmem:s17], [sflag:$0x3], $0x80, v3, vm0, $0xb8;
	[tilespmem:$0x18400] =	vst v63  }
0x19e: {  	_ = 	snop  }
0x19f: {  	[hbm4b:s4+s2] =	stream.indirect_vreg.scatter [tilespmem:s18], [sflag:$0x3], $0x80, v3, vm0, $0xb8;
	[tilespmem:$0x18400] =	vst v63  }
0x1a0: {  	_ = 	snop  }
0x1a1: {  	[hbm4b:s5+s2] =	stream.indirect_vreg.scatter [tilespmem:s19], [sflag:$0x3], $0x80, v3, vm0, $0xb8;
	[tilespmem:$0x18400] =	vst v63  }
0x1a2: {  	_ = 	snop  }
0x1a3: {  	[hbm4b:s6+s2] =	stream.indirect_vreg.scatter [tilespmem:s20], [sflag:$0x3], $0x80, v3, vm0, $0xb8;
	[tilespmem:$0x18400] =	vst v63  }
0x1a4: {  	v3 =	vld [tilespmem:$0x390];
	_ =	sdelay $0x4  }
0x1a5: {  	v63 =	vshll.u32 v3, $0x3  }
0x1a6: {  	v3 =	vand.u32 $0x7, v3;
	v4 =	vand.u32 $0xFFFFFFC0, v63  }
0x1a7: {  	v3 =	vor.u32 v3, v4  }
0x1a8: {  	v4 =	vperm.xlane v3, v0;
	_ =	sdelay $0x1  }
0x1a9: {  	v4 =	vadd.s32 v1, v4;
	_ =	sdelay $0x4  }
0x1aa: {  	[hbm4b:s3+s2] =	stream.indirect_vreg.scatter [tilespmem:s21], [sflag:$0x3], $0x80, v4, vm0, $0xb8;
	[tilespmem:$0x18400] =	vst v63  }
0x1ab: {  	v3 =	vperm.xlane v3, v2  }
0x1ac: {  	[hbm4b:s4+s2] =	stream.indirect_vreg.scatter [tilespmem:s22], [sflag:$0x3], $0x80, v4, vm0, $0xb8;
	[tilespmem:$0x18400] =	vst v63  }
0x1ad: {  	v3 =	vadd.s32 v1, v3  }
0x1ae: {  	[hbm4b:s5+s2] =	stream.indirect_vreg.scatter [tilespmem:s30], [sflag:$0x3], $0x80, v4, vm0, $0xb8;
	[tilespmem:$0x18400] =	vst v63  }
0x1af: {  	_ = 	snop  }
0x1b0: {  	[hbm4b:s6+s2] =	stream.indirect_vreg.scatter [tilespmem:s24], [sflag:$0x3], $0x80, v4, vm0, $0xb8;
	[tilespmem:$0x18400] =	vst v63  }
0x1b1: {  	_ = 	snop  }
0x1b2: {  	[hbm4b:s3+s2] =	stream.indirect_vreg.scatter [tilespmem:s25], [sflag:$0x3], $0x80, v3, vm0, $0xb8;
	[tilespmem:$0x18400] =	vst v63  }
0x1b3: {  	_ = 	snop  }
0x1b4: {  	[hbm4b:s4+s2] =	stream.indirect_vreg.scatter [tilespmem:s26], [sflag:$0x3], $0x80, v3, vm0, $0xb8;
	[tilespmem:$0x18400] =	vst v63  }
0x1b5: {  	_ = 	snop  }
0x1b6: {  	[hbm4b:s5+s2] =	stream.indirect_vreg.scatter [tilespmem:s28], [sflag:$0x3], $0x80, v3, vm0, $0xb8;
	[tilespmem:$0x18400] =	vst v63  }
0x1b7: {  	_ = 	snop  }
0x1b8: {  	[hbm4b:s6+s2] =	stream.indirect_vreg.scatter [tilespmem:s31], [sflag:$0x3], $0x80, v3, vm0, $0xb8;
	[tilespmem:$0x18400] =	vst v63  }
0x1b9: {  	_ =	swait.ge [sflag:s29], $0x8000  }
0x1ba: {  	[sflag:s29] =	ssyncset.done $0x0  }
0x1bb: {  	[sflag:s29] =	ssyncadd.s32 $0xFFFF8000  }
0x1bc: {  	_ =	swait.ge [sflag:s29], $0x8000  }
0x1bd: {  	[sflag:s29] =	ssyncset.done $0x0  }
0x1be: {  	[sflag:s29] =	ssyncadd.s32 $0xFFFF8000  }
0x1bf: {  	_ =	swait.ge [sflag:s29], $0x8000  }
0x1c0: {  	[sflag:s29] =	ssyncset.done $0x0  }
0x1c1: {  	[sflag:s29] =	ssyncadd.s32 $0xFFFF8000  }
0x1c2: {  	_ =	swait.ge [sflag:s29], $0x8000  }
0x1c3: {  	[sflag:s29] =	ssyncset.done $0x0  }
0x1c4: {  	[sflag:s29] =	ssyncadd.s32 $0xFFFF8000  }
0x1c5: {  	p0 =	sne.s32 s7, $0x1;
	_ =	swait.ge [sflag:s29], $0x8000  }
.Ltmp0:
0x1c6: {  	[sflag:s29] =	ssyncset.done $0x0;
	(pc) =	sbr.rel @p0 .LBB2_1-.Ltmp0, $4  }
0x1c7: {  	[sflag:s29] =	ssyncadd.s32 $0xFFFF8000  }
0x1c8: {  	_ =	swait.ge [sflag:s29], $0x8000  }
0x1c9: {  	[sflag:s29] =	ssyncset.done $0x0  }
0x1ca: {  	s7 =	sadd.s32 $0xFFFFFFFF, s7;
	[sflag:s29] =	ssyncadd.s32 $0xFFFF8000  }
0x1cb: {  	_ =	sfence.sel $0x180000  }
0x1cc: {  	[bflag:$0x0] =	sbarrier.arrive $0xFFFF  }
0x1cd: {  	_ =	strace $0x90000047  }
0x1ce: {  	s0 =	stileid.u32;
	[bflag:$0x2] =	sbarrier.arrive $0xFFFF  }
0x1cf: {  	p0 =	sne.s32 s0, $0x0;
	s0 =	rddreg [dreg:$0x3]  }
0x1d0: {  	s0 =	sadd.s32 @!p0 $0x100000, s0  }
0x1d1: {  	[sflag:s0] =	ssyncadd.tile.s32 @!p0 $0x1;
	_ =	shalt  }
.Lfunc_end2:
_tile_overlayer_lowered:
.L_overlay_start_2:
0x1d2: {  	(tag) =	ssettag $0x2  }
0x1d3: {  	s0 =	rddreg [dreg:$0x0];
	s2 =	stileid.u32  }
0x1d4: {  	s1 =	rddreg [dreg:$0x1];
	p0 =	sne.s32 s2, $0x0  }
0x1d5: {  	s3 =	rddreg [dreg:$0x2];
	[bflag:$0x3] =	sbarrier.arrive $0xFFFF;
	s2 =	simm.s32 @!p0 $0x1C04  }
0x1d6: {  	[timem:s3], [sflag:s2] =	dma.local @!p0 [hbm:s0], s1  }
0x1d7: {  	s0 =	simm.s32 @!p0 $0x4  }
0x1d8: {  	_ =	swait.ge @!p0 [sflag:s0], s1  }
0x1d9: {  	s1 =	ssub.s32 @!p0 $0x0, s1;
	[sflag:s0] =	ssyncset.done @!p0 $0x0  }
0x1da: {  	[sflag:s0] =	ssyncadd.s32 @!p0 s1  }
0x1db: {  	[bflag:$0x3] =	sbarrier.arrive $0xFFFF  }
0x1dc: {  	_ =	shalt  }

</sc_bundles>
